<compile_context>
chip_gen: v7x
topology: tpu7x:2x2x1
jax: 0.10.2.dev20260603
libtpu: 0.0.44.dev20260713+nightly
codegen_flags: <defaults>
</compile_context>

<pallas_src>
import jax
import jax.numpy as jnp
from jax import lax
from jax.experimental import pallas as pl
from jax.experimental.pallas import tpu as pltpu
from jax.experimental.pallas import tpu_sc as plsc

N = 10000
E = 320000
D = 128

NUM_CORES = 2
NUM_SUBCORES = 16
NUM_WORKERS = NUM_CORES * NUM_SUBCORES
CHUNK = 80
EDGES_PER_WORKER = E // NUM_WORKERS
NCHUNKS = EDGES_PER_WORKER // CHUNK
ROWS_PER_TILE = 624
ROWS_LAST_TILE = N - ROWS_PER_TILE * (NUM_SUBCORES - 1)


def _sc_body(x_hbm, dst_hbm, src_hbm, partials_hbm,
             acc, s0, s1, s2, d0, d1, d2, r0, r1, r2, zbuf,
             is0, is1, is2, gs0, gs1, gs2):
    sidx = [s0, s1, s2]
    didx = [d0, d1, d2]
    rows = [r0, r1, r2]
    isem = [is0, is1, is2]
    gsem = [gs0, gs1, gs2]

    c = lax.axis_index("c")
    s = lax.axis_index("s")
    wid = c * NUM_SUBCORES + s
    ebase = wid * EDGES_PER_WORKER

    def idx_load(g, t):
        base = pl.multiple_of(ebase + g * CHUNK, 8)
        pltpu.async_copy(src_hbm.at[pl.ds(base, CHUNK)], sidx[t], isem[t])
        pltpu.async_copy(dst_hbm.at[pl.ds(base, CHUNK)], didx[t], isem[t])

    def gather(t):
        pltpu.make_async_copy(
            src_hbm.at[pl.ds(0, CHUNK)], sidx[t], isem[t]).wait()
        pltpu.make_async_copy(
            dst_hbm.at[pl.ds(0, CHUNK)], didx[t], isem[t]).wait()
        pltpu.async_copy(x_hbm.at[sidx[t]], rows[t], gsem[t])

    def scatter(t):
        pltpu.make_async_copy(
            x_hbm.at[pl.ds(0, CHUNK)], rows[t], gsem[t]).wait()
        pltpu.sync_copy(rows[t], acc.at[didx[t]], add=True)

    idx_load(0, 0)
    idx_load(1, 1)
    idx_load(2, 2)
    gather(0)

    zero16 = jnp.zeros((16,), jnp.float32)
    for i in range(16):
        for j in range(D // 16):
            zbuf[i, pl.ds(j * 16, 16)] = zero16

    row0 = pl.multiple_of(s * ROWS_PER_TILE, 8)

    @pl.when(s < NUM_SUBCORES - 1)
    def _():
        for r in range(ROWS_PER_TILE // 16):
            pltpu.async_copy(zbuf, acc.at[pl.ds(row0 + r * 16, 16)], gs1)
        for r in range(ROWS_PER_TILE // 16):
            pltpu.make_async_copy(
                zbuf, acc.at[pl.ds(row0 + r * 16, 16)], gs1).wait()

    @pl.when(s == NUM_SUBCORES - 1)
    def _():
        last0 = (NUM_SUBCORES - 1) * ROWS_PER_TILE
        for r in range(ROWS_LAST_TILE // 16):
            pltpu.async_copy(zbuf, acc.at[pl.ds(last0 + r * 16, 16)], gs1)
        for r in range(ROWS_LAST_TILE // 16):
            pltpu.make_async_copy(
                zbuf, acc.at[pl.ds(last0 + r * 16, 16)], gs1).wait()

    plsc.subcore_barrier()

    def body(k, carry):
        g = 3 * k
        gather(1)
        scatter(0)
        idx_load(g + 3, 0)
        gather(2)
        scatter(1)
        idx_load(g + 4, 1)
        gather(0)
        scatter(2)

        @pl.when(g + 5 < NCHUNKS)
        def _():
            idx_load(g + 5, 2)

        return carry

    lax.fori_loop(0, (NCHUNKS - 2) // 3, body, 0)

    gather(1)
    scatter(0)
    scatter(1)

    plsc.subcore_barrier()

    @pl.when(s < NUM_SUBCORES - 1)
    def _():
        pltpu.sync_copy(acc.at[pl.ds(row0, ROWS_PER_TILE)],
                        partials_hbm.at[c, pl.ds(row0, ROWS_PER_TILE)])

    @pl.when(s == NUM_SUBCORES - 1)
    def _():
        last0 = (NUM_SUBCORES - 1) * ROWS_PER_TILE
        pltpu.sync_copy(acc.at[pl.ds(last0, ROWS_LAST_TILE)],
                        partials_hbm.at[c, pl.ds(last0, ROWS_LAST_TILE)])


@jax.jit
def _sc_aggregate(x, dst, src):
    mesh = plsc.VectorSubcoreMesh(core_axis_name="c", subcore_axis_name="s")
    k = pl.kernel(
        _sc_body,
        out_type=jax.ShapeDtypeStruct((NUM_CORES, N, D), jnp.float32),
        mesh=mesh,
        scratch_types=(
            [pltpu.VMEM_SHARED((N, D), jnp.float32)]
            + [pltpu.VMEM((CHUNK,), jnp.int32) for _ in range(6)]
            + [pltpu.VMEM((CHUNK, D), jnp.float32) for _ in range(3)]
            + [pltpu.VMEM((16, D), jnp.float32)]
            + [pltpu.SemaphoreType.DMA for _ in range(6)]
        ),
    )
    return k(x, dst, src)


def _tc_body(p_ref, w_ref, o_ref):
    summed = p_ref[0] + p_ref[1]
    o_ref[...] = jnp.maximum(
        jnp.dot(summed, w_ref[...], preferred_element_type=jnp.float32), 0.0)


@jax.jit
def _tc_matmul_relu(partials, W):
    BLOCK = 1000
    return pl.pallas_call(
        _tc_body,
        out_shape=jax.ShapeDtypeStruct((N, D), jnp.float32),
        grid=(N // BLOCK,),
        in_specs=[
            pl.BlockSpec((NUM_CORES, BLOCK, D), lambda i: (0, i, 0)),
            pl.BlockSpec((D, D), lambda i: (0, 0)),
        ],
        out_specs=pl.BlockSpec((BLOCK, D), lambda i: (i, 0)),
    )(partials, W)


def kernel(x, edge_index, W):
    dst = edge_index[0]
    src = edge_index[1]
    partials = _sc_aggregate(x, dst, src)
    return _tc_matmul_relu(partials, W)

# --- scband reference (transcript-rebuilt; emitter-appended) ---
"""Pipeline reference for scband-message-passing-16561393893531 (READ-ONLY COPY).

The authoritative reference and input builder live on the scoring server;
editing this copy changes nothing except your own understanding.
"""

import jax, jax.numpy as jnp
import numpy as np

N = 10000
E = 320000
D_IN = 128
D_OUT = 128


def _xavier_uniform(key, fan_in, fan_out, gain=1.414):
    bound = gain * np.sqrt(6.0 / (fan_in + fan_out))
    return jax.random.uniform(key, (fan_in, fan_out), dtype=jnp.float32, minval=-bound, maxval=bound)


def setup_inputs(seed: int = 0) -> dict:
    key = jax.random.key(seed)
    k1, k2, k3 = jax.random.split(key, 3)
    x = jax.random.normal(k1, (N, D_IN), dtype=jnp.float32)
    edge_index = jax.random.randint(k2, (2, E), 0, N, dtype=jnp.int32)
    W = _xavier_uniform(k3, D_IN, D_OUT)
    return {"x": x, "edge_index": edge_index, "W": W}


def reference(x, edge_index, W):
    # message step 1: weighted_x = x @ W
    weighted_x = jnp.dot(x, W)
    # message step 2: neighborhood @ weighted_x, where neighborhood is the
    # sparse [N, N] adjacency given by edge_index (row=dst, col=src).
    # Equivalent to gather rows at src then scatter-add into dst.
    dst = edge_index[0]
    src = edge_index[1]
    gathered = jnp.take(weighted_x, src, axis=0)
    msg = jax.ops.segment_sum(gathered, dst, num_segments=N)
    # update_on_message == 'relu'
    return jax.nn.relu(msg)

if __name__ == "__main__":
    import jax
    _d = setup_inputs()
    print(jax.jit(kernel)(*tuple(_d.values())))

</pallas_src>

<mosaic_0001>
#map = affine_map<(d0, d1) -> (0, 0)>
#map1 = affine_map<(d0, d1) -> (0)>
#map2 = affine_map<(d0, d1) -> (0, 0, 0)>
module attributes {stable_mosaic.version = 14 : i64} {
  func.func @_sc_body(%arg0: i32, %arg1: i32, %arg2: memref<10000x128xf32, #tpu.memory_space<hbm>>, %arg3: memref<320000xi32, #tpu.memory_space<hbm>>, %arg4: memref<320000xi32, #tpu.memory_space<hbm>>, %arg5: memref<2x10000x128xf32, #tpu.memory_space<hbm>>, %arg6: memref<10000x128xf32, #tpu.memory_space<vmem_shared>>, %arg7: memref<80xi32, #tpu.memory_space<vmem>>, %arg8: memref<80xi32, #tpu.memory_space<vmem>>, %arg9: memref<80xi32, #tpu.memory_space<vmem>>, %arg10: memref<80xi32, #tpu.memory_space<vmem>>, %arg11: memref<80xi32, #tpu.memory_space<vmem>>, %arg12: memref<80xi32, #tpu.memory_space<vmem>>, %arg13: memref<80x128xf32, #tpu.memory_space<vmem>>, %arg14: memref<80x128xf32, #tpu.memory_space<vmem>>, %arg15: memref<80x128xf32, #tpu.memory_space<vmem>>, %arg16: memref<16x128xf32, #tpu.memory_space<vmem>>, %arg17: memref<!tpu.dma_semaphore, #tpu.memory_space<semaphore_mem>>, %arg18: memref<!tpu.dma_semaphore, #tpu.memory_space<semaphore_mem>>, %arg19: memref<!tpu.dma_semaphore, #tpu.memory_space<semaphore_mem>>, %arg20: memref<!tpu.dma_semaphore, #tpu.memory_space<semaphore_mem>>, %arg21: memref<!tpu.dma_semaphore, #tpu.memory_space<semaphore_mem>>, %arg22: memref<!tpu.dma_semaphore, #tpu.memory_space<semaphore_mem>>) attributes {dimension_semantics = [#tpu.dimension_semantics<core_parallel>, #tpu.dimension_semantics<subcore_parallel>], iteration_bounds = array<i64: 2, 16>, scalar_prefetch = 0 : i64, scratch_operands = 17 : i64, tpu.core_type = #tpu.core_type<sc_vector_subcore>, window_params = [{transform_indices = #map}, {transform_indices = #map1}, {transform_indices = #map1}, {transform_indices = #map2}]} {
    %mul3A = arith.constant 16 : i32
    %mul3A_0 = arith.muli %arg0, %mul3A : i32
    %add3A = arith.addi %mul3A_0, %arg1 : i32
    %mul3A_1 = arith.constant 10000 : i32
    %mul3A_2 = arith.muli %add3A, %mul3A_1 : i32
    %add3A_3 = arith.constant 0 : i32
    %add3A_4 = arith.addi %mul3A_2, %add3A_3 : i32
    %multiple_of3A = tpu.assume_multiple %add3A_4, 8 : i32
    %dma_start3A = tpu.memref_slice %arg4[%multiple_of3A] : memref<320000xi32, #tpu.memory_space<hbm>> -> memref<80xi32, #tpu.memory_space<hbm>>
    %dma_start3A_5 = tpu.memref_slice %arg4[%multiple_of3A] : memref<320000xi32, #tpu.memory_space<hbm>> -> memref<80xi32, #tpu.memory_space<hbm>>
    tpu.enqueue_dma source(%dma_start3A_5 : memref<80xi32, #tpu.memory_space<hbm>>) target(%arg7 : memref<80xi32, #tpu.memory_space<vmem>>) target_semaphore(%arg17 : memref<!tpu.dma_semaphore, #tpu.memory_space<semaphore_mem>>)
    %dma_start3A_6 = tpu.memref_slice %arg3[%multiple_of3A] : memref<320000xi32, #tpu.memory_space<hbm>> -> memref<80xi32, #tpu.memory_space<hbm>>
    %dma_start3A_7 = tpu.memref_slice %arg3[%multiple_of3A] : memref<320000xi32, #tpu.memory_space<hbm>> -> memref<80xi32, #tpu.memory_space<hbm>>
    tpu.enqueue_dma source(%dma_start3A_7 : memref<80xi32, #tpu.memory_space<hbm>>) target(%arg10 : memref<80xi32, #tpu.memory_space<vmem>>) target_semaphore(%arg17 : memref<!tpu.dma_semaphore, #tpu.memory_space<semaphore_mem>>)
    %add3A_8 = arith.constant 80 : i32
    %add3A_9 = arith.addi %mul3A_2, %add3A_8 : i32
    %multiple_of3A_10 = tpu.assume_multiple %add3A_9, 8 : i32
    %dma_start3A_11 = tpu.memref_slice %arg4[%multiple_of3A_10] : memref<320000xi32, #tpu.memory_space<hbm>> -> memref<80xi32, #tpu.memory_space<hbm>>
    %dma_start3A_12 = tpu.memref_slice %arg4[%multiple_of3A_10] : memref<320000xi32, #tpu.memory_space<hbm>> -> memref<80xi32, #tpu.memory_space<hbm>>
    tpu.enqueue_dma source(%dma_start3A_12 : memref<80xi32, #tpu.memory_space<hbm>>) target(%arg8 : memref<80xi32, #tpu.memory_space<vmem>>) target_semaphore(%arg18 : memref<!tpu.dma_semaphore, #tpu.memory_space<semaphore_mem>>)
    %dma_start3A_13 = tpu.memref_slice %arg3[%multiple_of3A_10] : memref<320000xi32, #tpu.memory_space<hbm>> -> memref<80xi32, #tpu.memory_space<hbm>>
    %dma_start3A_14 = tpu.memref_slice %arg3[%multiple_of3A_10] : memref<320000xi32, #tpu.memory_space<hbm>> -> memref<80xi32, #tpu.memory_space<hbm>>
    tpu.enqueue_dma source(%dma_start3A_14 : memref<80xi32, #tpu.memory_space<hbm>>) target(%arg11 : memref<80xi32, #tpu.memory_space<vmem>>) target_semaphore(%arg18 : memref<!tpu.dma_semaphore, #tpu.memory_space<semaphore_mem>>)
    %add3A_15 = arith.constant 160 : i32
    %add3A_16 = arith.addi %mul3A_2, %add3A_15 : i32
    %multiple_of3A_17 = tpu.assume_multiple %add3A_16, 8 : i32
    %dma_start3A_18 = tpu.memref_slice %arg4[%multiple_of3A_17] : memref<320000xi32, #tpu.memory_space<hbm>> -> memref<80xi32, #tpu.memory_space<hbm>>
    %dma_start3A_19 = tpu.memref_slice %arg4[%multiple_of3A_17] : memref<320000xi32, #tpu.memory_space<hbm>> -> memref<80xi32, #tpu.memory_space<hbm>>
    tpu.enqueue_dma source(%dma_start3A_19 : memref<80xi32, #tpu.memory_space<hbm>>) target(%arg9 : memref<80xi32, #tpu.memory_space<vmem>>) target_semaphore(%arg19 : memref<!tpu.dma_semaphore, #tpu.memory_space<semaphore_mem>>)
    %dma_start3A_20 = tpu.memref_slice %arg3[%multiple_of3A_17] : memref<320000xi32, #tpu.memory_space<hbm>> -> memref<80xi32, #tpu.memory_space<hbm>>
    %dma_start3A_21 = tpu.memref_slice %arg3[%multiple_of3A_17] : memref<320000xi32, #tpu.memory_space<hbm>> -> memref<80xi32, #tpu.memory_space<hbm>>
    tpu.enqueue_dma source(%dma_start3A_21 : memref<80xi32, #tpu.memory_space<hbm>>) target(%arg12 : memref<80xi32, #tpu.memory_space<vmem>>) target_semaphore(%arg19 : memref<!tpu.dma_semaphore, #tpu.memory_space<semaphore_mem>>)
    %dma_wait3A = arith.constant 0 : i32
    %dma_wait3A_22 = tpu.memref_slice %arg4[%dma_wait3A] : memref<320000xi32, #tpu.memory_space<hbm>> -> memref<80xi32, #tpu.memory_space<hbm>>
    %dma_wait3A_23 = arith.constant 0 : i32
    %dma_wait3A_24 = tpu.memref_slice %arg4[%dma_wait3A_23] : memref<320000xi32, #tpu.memory_space<hbm>> -> memref<80xi32, #tpu.memory_space<hbm>>
    tpu.wait_dma2 semaphore(%arg17 : memref<!tpu.dma_semaphore, #tpu.memory_space<semaphore_mem>>) src(%dma_wait3A_24 : memref<80xi32, #tpu.memory_space<hbm>>) dst(%arg7 : memref<80xi32, #tpu.memory_space<vmem>>)
    %dma_wait3A_25 = arith.constant 0 : i32
    %dma_wait3A_26 = tpu.memref_slice %arg3[%dma_wait3A_25] : memref<320000xi32, #tpu.memory_space<hbm>> -> memref<80xi32, #tpu.memory_space<hbm>>
    %dma_wait3A_27 = arith.constant 0 : i32
    %dma_wait3A_28 = tpu.memref_slice %arg3[%dma_wait3A_27] : memref<320000xi32, #tpu.memory_space<hbm>> -> memref<80xi32, #tpu.memory_space<hbm>>
    tpu.wait_dma2 semaphore(%arg17 : memref<!tpu.dma_semaphore, #tpu.memory_space<semaphore_mem>>) src(%dma_wait3A_28 : memref<80xi32, #tpu.memory_space<hbm>>) dst(%arg10 : memref<80xi32, #tpu.memory_space<vmem>>)
    %dma_start3A_29 = arith.constant 0 : i32
    %dma_start3A_30 = arith.constant 0 : i32
    %dma_start3A_31 = tpu.memref_slice %arg2[%dma_start3A_29, %dma_start3A_30] : memref<10000x128xf32, #tpu.memory_space<hbm>> -> memref<10000x128xf32, #tpu.memory_space<hbm>>
    tpu.enqueue_indirect_dma source(%dma_start3A_31 : memref<10000x128xf32, #tpu.memory_space<hbm>>) target(%arg13 : memref<80x128xf32, #tpu.memory_space<vmem>>) offsets(%arg7 : memref<80xi32, #tpu.memory_space<vmem>>) semaphore(%arg20 : memref<!tpu.dma_semaphore, #tpu.memory_space<semaphore_mem>>)
    %broadcast_in_dim3A = arith.constant 0.000000e+00 : f32
    %broadcast_in_dim3A_32 = vector.broadcast %broadcast_in_dim3A : f32 to vector<16xf32>
    %swap3A = arith.constant 0 : i32
    %swap3A_33 = arith.index_cast %swap3A : i32 to index
    %swap3A_34 = arith.constant 0 : index
    %swap3A_35 = tpu.vector_load %arg16[%swap3A_33, %swap3A_34] {strides = array<i32>} : memref<16x128xf32, #tpu.memory_space<vmem>>, vector<1x16xf32>,
    %swap3A_36 = vector.shape_cast %swap3A_35 : vector<1x16xf32> to vector<16xf32>
    %swap3A_37 = vector.shape_cast %broadcast_in_dim3A_32 : vector<16xf32> to vector<1x16xf32>
    tpu.vector_store %arg16[%swap3A_33, %swap3A_34], %swap3A_37 {strides = array<i32>} : memref<16x128xf32, #tpu.memory_space<vmem>>, vector<1x16xf32>,
    %swap3A_38 = arith.constant 0 : i32
    %swap3A_39 = arith.index_cast %swap3A_38 : i32 to index
    %swap3A_40 = arith.constant 16 : index
    %swap3A_41 = tpu.vector_load %arg16[%swap3A_39, %swap3A_40] {strides = array<i32>} : memref<16x128xf32, #tpu.memory_space<vmem>>, vector<1x16xf32>,
    %swap3A_42 = vector.shape_cast %swap3A_41 : vector<1x16xf32> to vector<16xf32>
    %swap3A_43 = vector.shape_cast %broadcast_in_dim3A_32 : vector<16xf32> to vector<1x16xf32>
    tpu.vector_store %arg16[%swap3A_39, %swap3A_40], %swap3A_43 {strides = array<i32>} : memref<16x128xf32, #tpu.memory_space<vmem>>, vector<1x16xf32>,
    %swap3A_44 = arith.constant 0 : i32
    %swap3A_45 = arith.index_cast %swap3A_44 : i32 to index
    %swap3A_46 = arith.constant 32 : index
    %swap3A_47 = tpu.vector_load %arg16[%swap3A_45, %swap3A_46] {strides = array<i32>} : memref<16x128xf32, #tpu.memory_space<vmem>>, vector<1x16xf32>,
    %swap3A_48 = vector.shape_cast %swap3A_47 : vector<1x16xf32> to vector<16xf32>
    %swap3A_49 = vector.shape_cast %broadcast_in_dim3A_32 : vector<16xf32> to vector<1x16xf32>
    tpu.vector_store %arg16[%swap3A_45, %swap3A_46], %swap3A_49 {strides = array<i32>} : memref<16x128xf32, #tpu.memory_space<vmem>>, vector<1x16xf32>,
    %swap3A_50 = arith.constant 0 : i32
    %swap3A_51 = arith.index_cast %swap3A_50 : i32 to index
    %swap3A_52 = arith.constant 48 : index
    %swap3A_53 = tpu.vector_load %arg16[%swap3A_51, %swap3A_52] {strides = array<i32>} : memref<16x128xf32, #tpu.memory_space<vmem>>, vector<1x16xf32>,
    %swap3A_54 = vector.shape_cast %swap3A_53 : vector<1x16xf32> to vector<16xf32>
    %swap3A_55 = vector.shape_cast %broadcast_in_dim3A_32 : vector<16xf32> to vector<1x16xf32>
    tpu.vector_store %arg16[%swap3A_51, %swap3A_52], %swap3A_55 {strides = array<i32>} : memref<16x128xf32, #tpu.memory_space<vmem>>, vector<1x16xf32>,
    %swap3A_56 = arith.constant 0 : i32
    %swap3A_57 = arith.index_cast %swap3A_56 : i32 to index
    %swap3A_58 = arith.constant 64 : index
    %swap3A_59 = tpu.vector_load %arg16[%swap3A_57, %swap3A_58] {strides = array<i32>} : memref<16x128xf32, #tpu.memory_space<vmem>>, vector<1x16xf32>,
    %swap3A_60 = vector.shape_cast %swap3A_59 : vector<1x16xf32> to vector<16xf32>
    %swap3A_61 = vector.shape_cast %broadcast_in_dim3A_32 : vector<16xf32> to vector<1x16xf32>
    tpu.vector_store %arg16[%swap3A_57, %swap3A_58], %swap3A_61 {strides = array<i32>} : memref<16x128xf32, #tpu.memory_space<vmem>>, vector<1x16xf32>,
    %swap3A_62 = arith.constant 0 : i32
    %swap3A_63 = arith.index_cast %swap3A_62 : i32 to index
    %swap3A_64 = arith.constant 80 : index
    %swap3A_65 = tpu.vector_load %arg16[%swap3A_63, %swap3A_64] {strides = array<i32>} : memref<16x128xf32, #tpu.memory_space<vmem>>, vector<1x16xf32>,
    %swap3A_66 = vector.shape_cast %swap3A_65 : vector<1x16xf32> to vector<16xf32>
    %swap3A_67 = vector.shape_cast %broadcast_in_dim3A_32 : vector<16xf32> to vector<1x16xf32>
    tpu.vector_store %arg16[%swap3A_63, %swap3A_64], %swap3A_67 {strides = array<i32>} : memref<16x128xf32, #tpu.memory_space<vmem>>, vector<1x16xf32>,
    %swap3A_68 = arith.constant 0 : i32
    %swap3A_69 = arith.index_cast %swap3A_68 : i32 to index
    %swap3A_70 = arith.constant 96 : index
    %swap3A_71 = tpu.vector_load %arg16[%swap3A_69, %swap3A_70] {strides = array<i32>} : memref<16x128xf32, #tpu.memory_space<vmem>>, vector<1x16xf32>,
    %swap3A_72 = vector.shape_cast %swap3A_71 : vector<1x16xf32> to vector<16xf32>
    %swap3A_73 = vector.shape_cast %broadcast_in_dim3A_32 : vector<16xf32> to vector<1x16xf32>
    tpu.vector_store %arg16[%swap3A_69, %swap3A_70], %swap3A_73 {strides = array<i32>} : memref<16x128xf32, #tpu.memory_space<vmem>>, vector<1x16xf32>,
    %swap3A_74 = arith.constant 0 : i32
    %swap3A_75 = arith.index_cast %swap3A_74 : i32 to index
    %swap3A_76 = arith.constant 112 : index
    %swap3A_77 = tpu.vector_load %arg16[%swap3A_75, %swap3A_76] {strides = array<i32>} : memref<16x128xf32, #tpu.memory_space<vmem>>, vector<1x16xf32>,
    %swap3A_78 = vector.shape_cast %swap3A_77 : vector<1x16xf32> to vector<16xf32>
    %swap3A_79 = vector.shape_cast %broadcast_in_dim3A_32 : vector<16xf32> to vector<1x16xf32>
    tpu.vector_store %arg16[%swap3A_75, %swap3A_76], %swap3A_79 {strides = array<i32>} : memref<16x128xf32, #tpu.memory_space<vmem>>, vector<1x16xf32>,
    %swap3A_80 = arith.constant 1 : i32
    %swap3A_81 = arith.index_cast %swap3A_80 : i32 to index
    %swap3A_82 = arith.constant 0 : index
    %swap3A_83 = tpu.vector_load %arg16[%swap3A_81, %swap3A_82] {strides = array<i32>} : memref<16x128xf32, #tpu.memory_space<vmem>>, vector<1x16xf32>,
    %swap3A_84 = vector.shape_cast %swap3A_83 : vector<1x16xf32> to vector<16xf32>
    %swap3A_85 = vector.shape_cast %broadcast_in_dim3A_32 : vector<16xf32> to vector<1x16xf32>
    tpu.vector_store %arg16[%swap3A_81, %swap3A_82], %swap3A_85 {strides = array<i32>} : memref<16x128xf32, #tpu.memory_space<vmem>>, vector<1x16xf32>,
    %swap3A_86 = arith.constant 1 : i32
    %swap3A_87 = arith.index_cast %swap3A_86 : i32 to index
    %swap3A_88 = arith.constant 16 : index
    %swap3A_89 = tpu.vector_load %arg16[%swap3A_87, %swap3A_88] {strides = array<i32>} : memref<16x128xf32, #tpu.memory_space<vmem>>, vector<1x16xf32>,
    %swap3A_90 = vector.shape_cast %swap3A_89 : vector<1x16xf32> to vector<16xf32>
    %swap3A_91 = vector.shape_cast %broadcast_in_dim3A_32 : vector<16xf32> to vector<1x16xf32>
    tpu.vector_store %arg16[%swap3A_87, %swap3A_88], %swap3A_91 {strides = array<i32>} : memref<16x128xf32, #tpu.memory_space<vmem>>, vector<1x16xf32>,
    %swap3A_92 = arith.constant 1 : i32
    %swap3A_93 = arith.index_cast %swap3A_92 : i32 to index
    %swap3A_94 = arith.constant 32 : index
    %swap3A_95 = tpu.vector_load %arg16[%swap3A_93, %swap3A_94] {strides = array<i32>} : memref<16x128xf32, #tpu.memory_space<vmem>>, vector<1x16xf32>,
    %swap3A_96 = vector.shape_cast %swap3A_95 : vector<1x16xf32> to vector<16xf32>
    %swap3A_97 = vector.shape_cast %broadcast_in_dim3A_32 : vector<16xf32> to vector<1x16xf32>
    tpu.vector_store %arg16[%swap3A_93, %swap3A_94], %swap3A_97 {strides = array<i32>} : memref<16x128xf32, #tpu.memory_space<vmem>>, vector<1x16xf32>,
    %swap3A_98 = arith.constant 1 : i32
    %swap3A_99 = arith.index_cast %swap3A_98 : i32 to index
    %swap3A_100 = arith.constant 48 : index
    %swap3A_101 = tpu.vector_load %arg16[%swap3A_99, %swap3A_100] {strides = array<i32>} : memref<16x128xf32, #tpu.memory_space<vmem>>, vector<1x16xf32>,
    %swap3A_102 = vector.shape_cast %swap3A_101 : vector<1x16xf32> to vector<16xf32>
    %swap3A_103 = vector.shape_cast %broadcast_in_dim3A_32 : vector<16xf32> to vector<1x16xf32>
    tpu.vector_store %arg16[%swap3A_99, %swap3A_100], %swap3A_103 {strides = array<i32>} : memref<16x128xf32, #tpu.memory_space<vmem>>, vector<1x16xf32>,
    %swap3A_104 = arith.constant 1 : i32
    %swap3A_105 = arith.index_cast %swap3A_104 : i32 to index
    %swap3A_106 = arith.constant 64 : index
    %swap3A_107 = tpu.vector_load %arg16[%swap3A_105, %swap3A_106] {strides = array<i32>} : memref<16x128xf32, #tpu.memory_space<vmem>>, vector<1x16xf32>,
    %swap3A_108 = vector.shape_cast %swap3A_107 : vector<1x16xf32> to vector<16xf32>
    %swap3A_109 = vector.shape_cast %broadcast_in_dim3A_32 : vector<16xf32> to vector<1x16xf32>
    tpu.vector_store %arg16[%swap3A_105, %swap3A_106], %swap3A_109 {strides = array<i32>} : memref<16x128xf32, #tpu.memory_space<vmem>>, vector<1x16xf32>,
    %swap3A_110 = arith.constant 1 : i32
    %swap3A_111 = arith.index_cast %swap3A_110 : i32 to index
    %swap3A_112 = arith.constant 80 : index
    %swap3A_113 = tpu.vector_load %arg16[%swap3A_111, %swap3A_112] {strides = array<i32>} : memref<16x128xf32, #tpu.memory_space<vmem>>, vector<1x16xf32>,
    %swap3A_114 = vector.shape_cast %swap3A_113 : vector<1x16xf32> to vector<16xf32>
    %swap3A_115 = vector.shape_cast %broadcast_in_dim3A_32 : vector<16xf32> to vector<1x16xf32>
    tpu.vector_store %arg16[%swap3A_111, %swap3A_112], %swap3A_115 {strides = array<i32>} : memref<16x128xf32, #tpu.memory_space<vmem>>, vector<1x16xf32>,
    %swap3A_116 = arith.constant 1 : i32
    %swap3A_117 = arith.index_cast %swap3A_116 : i32 to index
    %swap3A_118 = arith.constant 96 : index
    %swap3A_119 = tpu.vector_load %arg16[%swap3A_117, %swap3A_118] {strides = array<i32>} : memref<16x128xf32, #tpu.memory_space<vmem>>, vector<1x16xf32>,
    %swap3A_120 = vector.shape_cast %swap3A_119 : vector<1x16xf32> to vector<16xf32>
    %swap3A_121 = vector.shape_cast %broadcast_in_dim3A_32 : vector<16xf32> to vector<1x16xf32>
    tpu.vector_store %arg16[%swap3A_117, %swap3A_118], %swap3A_121 {strides = array<i32>} : memref<16x128xf32, #tpu.memory_space<vmem>>, vector<1x16xf32>,
    %swap3A_122 = arith.constant 1 : i32
    %swap3A_123 = arith.index_cast %swap3A_122 : i32 to index
    %swap3A_124 = arith.constant 112 : index
    %swap3A_125 = tpu.vector_load %arg16[%swap3A_123, %swap3A_124] {strides = array<i32>} : memref<16x128xf32, #tpu.memory_space<vmem>>, vector<1x16xf32>,
    %swap3A_126 = vector.shape_cast %swap3A_125 : vector<1x16xf32> to vector<16xf32>
    %swap3A_127 = vector.shape_cast %broadcast_in_dim3A_32 : vector<16xf32> to vector<1x16xf32>
    tpu.vector_store %arg16[%swap3A_123, %swap3A_124], %swap3A_127 {strides = array<i32>} : memref<16x128xf32, #tpu.memory_space<vmem>>, vector<1x16xf32>,
    %swap3A_128 = arith.constant 2 : i32
    %swap3A_129 = arith.index_cast %swap3A_128 : i32 to index
    %swap3A_130 = arith.constant 0 : index
    %swap3A_131 = tpu.vector_load %arg16[%swap3A_129, %swap3A_130] {strides = array<i32>} : memref<16x128xf32, #tpu.memory_space<vmem>>, vector<1x16xf32>,
    %swap3A_132 = vector.shape_cast %swap3A_131 : vector<1x16xf32> to vector<16xf32>
    %swap3A_133 = vector.shape_cast %broadcast_in_dim3A_32 : vector<16xf32> to vector<1x16xf32>
    tpu.vector_store %arg16[%swap3A_129, %swap3A_130], %swap3A_133 {strides = array<i32>} : memref<16x128xf32, #tpu.memory_space<vmem>>, vector<1x16xf32>,
    %swap3A_134 = arith.constant 2 : i32
    %swap3A_135 = arith.index_cast %swap3A_134 : i32 to index
    %swap3A_136 = arith.constant 16 : index
    %swap3A_137 = tpu.vector_load %arg16[%swap3A_135, %swap3A_136] {strides = array<i32>} : memref<16x128xf32, #tpu.memory_space<vmem>>, vector<1x16xf32>,
    %swap3A_138 = vector.shape_cast %swap3A_137 : vector<1x16xf32> to vector<16xf32>
    %swap3A_139 = vector.shape_cast %broadcast_in_dim3A_32 : vector<16xf32> to vector<1x16xf32>
    tpu.vector_store %arg16[%swap3A_135, %swap3A_136], %swap3A_139 {strides = array<i32>} : memref<16x128xf32, #tpu.memory_space<vmem>>, vector<1x16xf32>,
    %swap3A_140 = arith.constant 2 : i32
    %swap3A_141 = arith.index_cast %swap3A_140 : i32 to index
    %swap3A_142 = arith.constant 32 : index
    %swap3A_143 = tpu.vector_load %arg16[%swap3A_141, %swap3A_142] {strides = array<i32>} : memref<16x128xf32, #tpu.memory_space<vmem>>, vector<1x16xf32>,
    %swap3A_144 = vector.shape_cast %swap3A_143 : vector<1x16xf32> to vector<16xf32>
    %swap3A_145 = vector.shape_cast %broadcast_in_dim3A_32 : vector<16xf32> to vector<1x16xf32>
    tpu.vector_store %arg16[%swap3A_141, %swap3A_142], %swap3A_145 {strides = array<i32>} : memref<16x128xf32, #tpu.memory_space<vmem>>, vector<1x16xf32>,
    %swap3A_146 = arith.constant 2 : i32
    %swap3A_147 = arith.index_cast %swap3A_146 : i32 to index
    %swap3A_148 = arith.constant 48 : index
    %swap3A_149 = tpu.vector_load %arg16[%swap3A_147, %swap3A_148] {strides = array<i32>} : memref<16x128xf32, #tpu.memory_space<vmem>>, vector<1x16xf32>,
    %swap3A_150 = vector.shape_cast %swap3A_149 : vector<1x16xf32> to vector<16xf32>
    %swap3A_151 = vector.shape_cast %broadcast_in_dim3A_32 : vector<16xf32> to vector<1x16xf32>
    tpu.vector_store %arg16[%swap3A_147, %swap3A_148], %swap3A_151 {strides = array<i32>} : memref<16x128xf32, #tpu.memory_space<vmem>>, vector<1x16xf32>,
    %swap3A_152 = arith.constant 2 : i32
    %swap3A_153 = arith.index_cast %swap3A_152 : i32 to index
    %swap3A_154 = arith.constant 64 : index
    %swap3A_155 = tpu.vector_load %arg16[%swap3A_153, %swap3A_154] {strides = array<i32>} : memref<16x128xf32, #tpu.memory_space<vmem>>, vector<1x16xf32>,
    %swap3A_156 = vector.shape_cast %swap3A_155 : vector<1x16xf32> to vector<16xf32>
    %swap3A_157 = vector.shape_cast %broadcast_in_dim3A_32 : vector<16xf32> to vector<1x16xf32>
    tpu.vector_store %arg16[%swap3A_153, %swap3A_154], %swap3A_157 {strides = array<i32>} : memref<16x128xf32, #tpu.memory_space<vmem>>, vector<1x16xf32>,
    %swap3A_158 = arith.constant 2 : i32
    %swap3A_159 = arith.index_cast %swap3A_158 : i32 to index
    %swap3A_160 = arith.constant 80 : index
    %swap3A_161 = tpu.vector_load %arg16[%swap3A_159, %swap3A_160] {strides = array<i32>} : memref<16x128xf32, #tpu.memory_space<vmem>>, vector<1x16xf32>,
    %swap3A_162 = vector.shape_cast %swap3A_161 : vector<1x16xf32> to vector<16xf32>
    %swap3A_163 = vector.shape_cast %broadcast_in_dim3A_32 : vector<16xf32> to vector<1x16xf32>
    tpu.vector_store %arg16[%swap3A_159, %swap3A_160], %swap3A_163 {strides = array<i32>} : memref<16x128xf32, #tpu.memory_space<vmem>>, vector<1x16xf32>,
    %swap3A_164 = arith.constant 2 : i32
    %swap3A_165 = arith.index_cast %swap3A_164 : i32 to index
    %swap3A_166 = arith.constant 96 : index
    %swap3A_167 = tpu.vector_load %arg16[%swap3A_165, %swap3A_166] {strides = array<i32>} : memref<16x128xf32, #tpu.memory_space<vmem>>, vector<1x16xf32>,
    %swap3A_168 = vector.shape_cast %swap3A_167 : vector<1x16xf32> to vector<16xf32>
    %swap3A_169 = vector.shape_cast %broadcast_in_dim3A_32 : vector<16xf32> to vector<1x16xf32>
    tpu.vector_store %arg16[%swap3A_165, %swap3A_166], %swap3A_169 {strides = array<i32>} : memref<16x128xf32, #tpu.memory_space<vmem>>, vector<1x16xf32>,
    %swap3A_170 = arith.constant 2 : i32
    %swap3A_171 = arith.index_cast %swap3A_170 : i32 to index
    %swap3A_172 = arith.constant 112 : index
    %swap3A_173 = tpu.vector_load %arg16[%swap3A_171, %swap3A_172] {strides = array<i32>} : memref<16x128xf32, #tpu.memory_space<vmem>>, vector<1x16xf32>,
    %swap3A_174 = vector.shape_cast %swap3A_173 : vector<1x16xf32> to vector<16xf32>
    %swap3A_175 = vector.shape_cast %broadcast_in_dim3A_32 : vector<16xf32> to vector<1x16xf32>
    tpu.vector_store %arg16[%swap3A_171, %swap3A_172], %swap3A_175 {strides = array<i32>} : memref<16x128xf32, #tpu.memory_space<vmem>>, vector<1x16xf32>,
    %swap3A_176 = arith.constant 3 : i32
    %swap3A_177 = arith.index_cast %swap3A_176 : i32 to index
    %swap3A_178 = arith.constant 0 : index
    %swap3A_179 = tpu.vector_load %arg16[%swap3A_177, %swap3A_178] {strides = array<i32>} : memref<16x128xf32, #tpu.memory_space<vmem>>, vector<1x16xf32>,
    %swap3A_180 = vector.shape_cast %swap3A_179 : vector<1x16xf32> to vector<16xf32>
    %swap3A_181 = vector.shape_cast %broadcast_in_dim3A_32 : vector<16xf32> to vector<1x16xf32>
    tpu.vector_store %arg16[%swap3A_177, %swap3A_178], %swap3A_181 {strides = array<i32>} : memref<16x128xf32, #tpu.memory_space<vmem>>, vector<1x16xf32>,
    %swap3A_182 = arith.constant 3 : i32
    %swap3A_183 = arith.index_cast %swap3A_182 : i32 to index
    %swap3A_184 = arith.constant 16 : index
    %swap3A_185 = tpu.vector_load %arg16[%swap3A_183, %swap3A_184] {strides = array<i32>} : memref<16x128xf32, #tpu.memory_space<vmem>>, vector<1x16xf32>,
    %swap3A_186 = vector.shape_cast %swap3A_185 : vector<1x16xf32> to vector<16xf32>
    %swap3A_187 = vector.shape_cast %broadcast_in_dim3A_32 : vector<16xf32> to vector<1x16xf32>
    tpu.vector_store %arg16[%swap3A_183, %swap3A_184], %swap3A_187 {strides = array<i32>} : memref<16x128xf32, #tpu.memory_space<vmem>>, vector<1x16xf32>,
    %swap3A_188 = arith.constant 3 : i32
    %swap3A_189 = arith.index_cast %swap3A_188 : i32 to index
    %swap3A_190 = arith.constant 32 : index
    %swap3A_191 = tpu.vector_load %arg16[%swap3A_189, %swap3A_190] {strides = array<i32>} : memref<16x128xf32, #tpu.memory_space<vmem>>, vector<1x16xf32>,
    %swap3A_192 = vector.shape_cast %swap3A_191 : vector<1x16xf32> to vector<16xf32>
    %swap3A_193 = vector.shape_cast %broadcast_in_dim3A_32 : vector<16xf32> to vector<1x16xf32>
    tpu.vector_store %arg16[%swap3A_189, %swap3A_190], %swap3A_193 {strides = array<i32>} : memref<16x128xf32, #tpu.memory_space<vmem>>, vector<1x16xf32>,
    %swap3A_194 = arith.constant 3 : i32
    %swap3A_195 = arith.index_cast %swap3A_194 : i32 to index
    %swap3A_196 = arith.constant 48 : index
    %swap3A_197 = tpu.vector_load %arg16[%swap3A_195, %swap3A_196] {strides = array<i32>} : memref<16x128xf32, #tpu.memory_space<vmem>>, vector<1x16xf32>,
    %swap3A_198 = vector.shape_cast %swap3A_197 : vector<1x16xf32> to vector<16xf32>
    %swap3A_199 = vector.shape_cast %broadcast_in_dim3A_32 : vector<16xf32> to vector<1x16xf32>
    tpu.vector_store %arg16[%swap3A_195, %swap3A_196], %swap3A_199 {strides = array<i32>} : memref<16x128xf32, #tpu.memory_space<vmem>>, vector<1x16xf32>,
    %swap3A_200 = arith.constant 3 : i32
    %swap3A_201 = arith.index_cast %swap3A_200 : i32 to index
    %swap3A_202 = arith.constant 64 : index
    %swap3A_203 = tpu.vector_load %arg16[%swap3A_201, %swap3A_202] {strides = array<i32>} : memref<16x128xf32, #tpu.memory_space<vmem>>, vector<1x16xf32>,
    %swap3A_204 = vector.shape_cast %swap3A_203 : vector<1x16xf32> to vector<16xf32>
    %swap3A_205 = vector.shape_cast %broadcast_in_dim3A_32 : vector<16xf32> to vector<1x16xf32>
    tpu.vector_store %arg16[%swap3A_201, %swap3A_202], %swap3A_205 {strides = array<i32>} : memref<16x128xf32, #tpu.memory_space<vmem>>, vector<1x16xf32>,
    %swap3A_206 = arith.constant 3 : i32
    %swap3A_207 = arith.index_cast %swap3A_206 : i32 to index
    %swap3A_208 = arith.constant 80 : index
    %swap3A_209 = tpu.vector_load %arg16[%swap3A_207, %swap3A_208] {strides = array<i32>} : memref<16x128xf32, #tpu.memory_space<vmem>>, vector<1x16xf32>,
    %swap3A_210 = vector.shape_cast %swap3A_209 : vector<1x16xf32> to vector<16xf32>
    %swap3A_211 = vector.shape_cast %broadcast_in_dim3A_32 : vector<16xf32> to vector<1x16xf32>
    tpu.vector_store %arg16[%swap3A_207, %swap3A_208], %swap3A_211 {strides = array<i32>} : memref<16x128xf32, #tpu.memory_space<vmem>>, vector<1x16xf32>,
    %swap3A_212 = arith.constant 3 : i32
    %swap3A_213 = arith.index_cast %swap3A_212 : i32 to index
    %swap3A_214 = arith.constant 96 : index
    %swap3A_215 = tpu.vector_load %arg16[%swap3A_213, %swap3A_214] {strides = array<i32>} : memref<16x128xf32, #tpu.memory_space<vmem>>, vector<1x16xf32>,
    %swap3A_216 = vector.shape_cast %swap3A_215 : vector<1x16xf32> to vector<16xf32>
    %swap3A_217 = vector.shape_cast %broadcast_in_dim3A_32 : vector<16xf32> to vector<1x16xf32>
    tpu.vector_store %arg16[%swap3A_213, %swap3A_214], %swap3A_217 {strides = array<i32>} : memref<16x128xf32, #tpu.memory_space<vmem>>, vector<1x16xf32>,
    %swap3A_218 = arith.constant 3 : i32
    %swap3A_219 = arith.index_cast %swap3A_218 : i32 to index
    %swap3A_220 = arith.constant 112 : index
    %swap3A_221 = tpu.vector_load %arg16[%swap3A_219, %swap3A_220] {strides = array<i32>} : memref<16x128xf32, #tpu.memory_space<vmem>>, vector<1x16xf32>,
    %swap3A_222 = vector.shape_cast %swap3A_221 : vector<1x16xf32> to vector<16xf32>
    %swap3A_223 = vector.shape_cast %broadcast_in_dim3A_32 : vector<16xf32> to vector<1x16xf32>
    tpu.vector_store %arg16[%swap3A_219, %swap3A_220], %swap3A_223 {strides = array<i32>} : memref<16x128xf32, #tpu.memory_space<vmem>>, vector<1x16xf32>,
    %swap3A_224 = arith.constant 4 : i32
    %swap3A_225 = arith.index_cast %swap3A_224 : i32 to index
    %swap3A_226 = arith.constant 0 : index
    %swap3A_227 = tpu.vector_load %arg16[%swap3A_225, %swap3A_226] {strides = array<i32>} : memref<16x128xf32, #tpu.memory_space<vmem>>, vector<1x16xf32>,
    %swap3A_228 = vector.shape_cast %swap3A_227 : vector<1x16xf32> to vector<16xf32>
    %swap3A_229 = vector.shape_cast %broadcast_in_dim3A_32 : vector<16xf32> to vector<1x16xf32>
    tpu.vector_store %arg16[%swap3A_225, %swap3A_226], %swap3A_229 {strides = array<i32>} : memref<16x128xf32, #tpu.memory_space<vmem>>, vector<1x16xf32>,
    %swap3A_230 = arith.constant 4 : i32
    %swap3A_231 = arith.index_cast %swap3A_230 : i32 to index
    %swap3A_232 = arith.constant 16 : index
    %swap3A_233 = tpu.vector_load %arg16[%swap3A_231, %swap3A_232] {strides = array<i32>} : memref<16x128xf32, #tpu.memory_space<vmem>>, vector<1x16xf32>,
    %swap3A_234 = vector.shape_cast %swap3A_233 : vector<1x16xf32> to vector<16xf32>
    %swap3A_235 = vector.shape_cast %broadcast_in_dim3A_32 : vector<16xf32> to vector<1x16xf32>
    tpu.vector_store %arg16[%swap3A_231, %swap3A_232], %swap3A_235 {strides = array<i32>} : memref<16x128xf32, #tpu.memory_space<vmem>>, vector<1x16xf32>,
    %swap3A_236 = arith.constant 4 : i32
    %swap3A_237 = arith.index_cast %swap3A_236 : i32 to index
    %swap3A_238 = arith.constant 32 : index
    %swap3A_239 = tpu.vector_load %arg16[%swap3A_237, %swap3A_238] {strides = array<i32>} : memref<16x128xf32, #tpu.memory_space<vmem>>, vector<1x16xf32>,
    %swap3A_240 = vector.shape_cast %swap3A_239 : vector<1x16xf32> to vector<16xf32>
    %swap3A_241 = vector.shape_cast %broadcast_in_dim3A_32 : vector<16xf32> to vector<1x16xf32>
    tpu.vector_store %arg16[%swap3A_237, %swap3A_238], %swap3A_241 {strides = array<i32>} : memref<16x128xf32, #tpu.memory_space<vmem>>, vector<1x16xf32>,
    %swap3A_242 = arith.constant 4 : i32
    %swap3A_243 = arith.index_cast %swap3A_242 : i32 to index
    %swap3A_244 = arith.constant 48 : index
    %swap3A_245 = tpu.vector_load %arg16[%swap3A_243, %swap3A_244] {strides = array<i32>} : memref<16x128xf32, #tpu.memory_space<vmem>>, vector<1x16xf32>,
    %swap3A_246 = vector.shape_cast %swap3A_245 : vector<1x16xf32> to vector<16xf32>
    %swap3A_247 = vector.shape_cast %broadcast_in_dim3A_32 : vector<16xf32> to vector<1x16xf32>
    tpu.vector_store %arg16[%swap3A_243, %swap3A_244], %swap3A_247 {strides = array<i32>} : memref<16x128xf32, #tpu.memory_space<vmem>>, vector<1x16xf32>,
    %swap3A_248 = arith.constant 4 : i32
    %swap3A_249 = arith.index_cast %swap3A_248 : i32 to index
    %swap3A_250 = arith.constant 64 : index
    %swap3A_251 = tpu.vector_load %arg16[%swap3A_249, %swap3A_250] {strides = array<i32>} : memref<16x128xf32, #tpu.memory_space<vmem>>, vector<1x16xf32>,
    %swap3A_252 = vector.shape_cast %swap3A_251 : vector<1x16xf32> to vector<16xf32>
    %swap3A_253 = vector.shape_cast %broadcast_in_dim3A_32 : vector<16xf32> to vector<1x16xf32>
    tpu.vector_store %arg16[%swap3A_249, %swap3A_250], %swap3A_253 {strides = array<i32>} : memref<16x128xf32, #tpu.memory_space<vmem>>, vector<1x16xf32>,
    %swap3A_254 = arith.constant 4 : i32
    %swap3A_255 = arith.index_cast %swap3A_254 : i32 to index
    %swap3A_256 = arith.constant 80 : index
    %swap3A_257 = tpu.vector_load %arg16[%swap3A_255, %swap3A_256] {strides = array<i32>} : memref<16x128xf32, #tpu.memory_space<vmem>>, vector<1x16xf32>,
    %swap3A_258 = vector.shape_cast %swap3A_257 : vector<1x16xf32> to vector<16xf32>
    %swap3A_259 = vector.shape_cast %broadcast_in_dim3A_32 : vector<16xf32> to vector<1x16xf32>
    tpu.vector_store %arg16[%swap3A_255, %swap3A_256], %swap3A_259 {strides = array<i32>} : memref<16x128xf32, #tpu.memory_space<vmem>>, vector<1x16xf32>,
    %swap3A_260 = arith.constant 4 : i32
    %swap3A_261 = arith.index_cast %swap3A_260 : i32 to index
    %swap3A_262 = arith.constant 96 : index
    %swap3A_263 = tpu.vector_load %arg16[%swap3A_261, %swap3A_262] {strides = array<i32>} : memref<16x128xf32, #tpu.memory_space<vmem>>, vector<1x16xf32>,
    %swap3A_264 = vector.shape_cast %swap3A_263 : vector<1x16xf32> to vector<16xf32>
    %swap3A_265 = vector.shape_cast %broadcast_in_dim3A_32 : vector<16xf32> to vector<1x16xf32>
    tpu.vector_store %arg16[%swap3A_261, %swap3A_262], %swap3A_265 {strides = array<i32>} : memref<16x128xf32, #tpu.memory_space<vmem>>, vector<1x16xf32>,
    %swap3A_266 = arith.constant 4 : i32
    %swap3A_267 = arith.index_cast %swap3A_266 : i32 to index
    %swap3A_268 = arith.constant 112 : index
    %swap3A_269 = tpu.vector_load %arg16[%swap3A_267, %swap3A_268] {strides = array<i32>} : memref<16x128xf32, #tpu.memory_space<vmem>>, vector<1x16xf32>,
    %swap3A_270 = vector.shape_cast %swap3A_269 : vector<1x16xf32> to vector<16xf32>
    %swap3A_271 = vector.shape_cast %broadcast_in_dim3A_32 : vector<16xf32> to vector<1x16xf32>
    tpu.vector_store %arg16[%swap3A_267, %swap3A_268], %swap3A_271 {strides = array<i32>} : memref<16x128xf32, #tpu.memory_space<vmem>>, vector<1x16xf32>,
    %swap3A_272 = arith.constant 5 : i32
    %swap3A_273 = arith.index_cast %swap3A_272 : i32 to index
    %swap3A_274 = arith.constant 0 : index
    %swap3A_275 = tpu.vector_load %arg16[%swap3A_273, %swap3A_274] {strides = array<i32>} : memref<16x128xf32, #tpu.memory_space<vmem>>, vector<1x16xf32>,
    %swap3A_276 = vector.shape_cast %swap3A_275 : vector<1x16xf32> to vector<16xf32>
    %swap3A_277 = vector.shape_cast %broadcast_in_dim3A_32 : vector<16xf32> to vector<1x16xf32>
    tpu.vector_store %arg16[%swap3A_273, %swap3A_274], %swap3A_277 {strides = array<i32>} : memref<16x128xf32, #tpu.memory_space<vmem>>, vector<1x16xf32>,
    %swap3A_278 = arith.constant 5 : i32
    %swap3A_279 = arith.index_cast %swap3A_278 : i32 to index
    %swap3A_280 = arith.constant 16 : index
    %swap3A_281 = tpu.vector_load %arg16[%swap3A_279, %swap3A_280] {strides = array<i32>} : memref<16x128xf32, #tpu.memory_space<vmem>>, vector<1x16xf32>,
    %swap3A_282 = vector.shape_cast %swap3A_281 : vector<1x16xf32> to vector<16xf32>
    %swap3A_283 = vector.shape_cast %broadcast_in_dim3A_32 : vector<16xf32> to vector<1x16xf32>
    tpu.vector_store %arg16[%swap3A_279, %swap3A_280], %swap3A_283 {strides = array<i32>} : memref<16x128xf32, #tpu.memory_space<vmem>>, vector<1x16xf32>,
    %swap3A_284 = arith.constant 5 : i32
    %swap3A_285 = arith.index_cast %swap3A_284 : i32 to index
    %swap3A_286 = arith.constant 32 : index
    %swap3A_287 = tpu.vector_load %arg16[%swap3A_285, %swap3A_286] {strides = array<i32>} : memref<16x128xf32, #tpu.memory_space<vmem>>, vector<1x16xf32>,
    %swap3A_288 = vector.shape_cast %swap3A_287 : vector<1x16xf32> to vector<16xf32>
    %swap3A_289 = vector.shape_cast %broadcast_in_dim3A_32 : vector<16xf32> to vector<1x16xf32>
    tpu.vector_store %arg16[%swap3A_285, %swap3A_286], %swap3A_289 {strides = array<i32>} : memref<16x128xf32, #tpu.memory_space<vmem>>, vector<1x16xf32>,
    %swap3A_290 = arith.constant 5 : i32
    %swap3A_291 = arith.index_cast %swap3A_290 : i32 to index
    %swap3A_292 = arith.constant 48 : index
    %swap3A_293 = tpu.vector_load %arg16[%swap3A_291, %swap3A_292] {strides = array<i32>} : memref<16x128xf32, #tpu.memory_space<vmem>>, vector<1x16xf32>,
    %swap3A_294 = vector.shape_cast %swap3A_293 : vector<1x16xf32> to vector<16xf32>
    %swap3A_295 = vector.shape_cast %broadcast_in_dim3A_32 : vector<16xf32> to vector<1x16xf32>
    tpu.vector_store %arg16[%swap3A_291, %swap3A_292], %swap3A_295 {strides = array<i32>} : memref<16x128xf32, #tpu.memory_space<vmem>>, vector<1x16xf32>,
    %swap3A_296 = arith.constant 5 : i32
    %swap3A_297 = arith.index_cast %swap3A_296 : i32 to index
    %swap3A_298 = arith.constant 64 : index
    %swap3A_299 = tpu.vector_load %arg16[%swap3A_297, %swap3A_298] {strides = array<i32>} : memref<16x128xf32, #tpu.memory_space<vmem>>, vector<1x16xf32>,
    %swap3A_300 = vector.shape_cast %swap3A_299 : vector<1x16xf32> to vector<16xf32>
    %swap3A_301 = vector.shape_cast %broadcast_in_dim3A_32 : vector<16xf32> to vector<1x16xf32>
    tpu.vector_store %arg16[%swap3A_297, %swap3A_298], %swap3A_301 {strides = array<i32>} : memref<16x128xf32, #tpu.memory_space<vmem>>, vector<1x16xf32>,
    %swap3A_302 = arith.constant 5 : i32
    %swap3A_303 = arith.index_cast %swap3A_302 : i32 to index
    %swap3A_304 = arith.constant 80 : index
    %swap3A_305 = tpu.vector_load %arg16[%swap3A_303, %swap3A_304] {strides = array<i32>} : memref<16x128xf32, #tpu.memory_space<vmem>>, vector<1x16xf32>,
    %swap3A_306 = vector.shape_cast %swap3A_305 : vector<1x16xf32> to vector<16xf32>
    %swap3A_307 = vector.shape_cast %broadcast_in_dim3A_32 : vector<16xf32> to vector<1x16xf32>
    tpu.vector_store %arg16[%swap3A_303, %swap3A_304], %swap3A_307 {strides = array<i32>} : memref<16x128xf32, #tpu.memory_space<vmem>>, vector<1x16xf32>,
    %swap3A_308 = arith.constant 5 : i32
    %swap3A_309 = arith.index_cast %swap3A_308 : i32 to index
    %swap3A_310 = arith.constant 96 : index
    %swap3A_311 = tpu.vector_load %arg16[%swap3A_309, %swap3A_310] {strides = array<i32>} : memref<16x128xf32, #tpu.memory_space<vmem>>, vector<1x16xf32>,
    %swap3A_312 = vector.shape_cast %swap3A_311 : vector<1x16xf32> to vector<16xf32>
    %swap3A_313 = vector.shape_cast %broadcast_in_dim3A_32 : vector<16xf32> to vector<1x16xf32>
    tpu.vector_store %arg16[%swap3A_309, %swap3A_310], %swap3A_313 {strides = array<i32>} : memref<16x128xf32, #tpu.memory_space<vmem>>, vector<1x16xf32>,
    %swap3A_314 = arith.constant 5 : i32
    %swap3A_315 = arith.index_cast %swap3A_314 : i32 to index
    %swap3A_316 = arith.constant 112 : index
    %swap3A_317 = tpu.vector_load %arg16[%swap3A_315, %swap3A_316] {strides = array<i32>} : memref<16x128xf32, #tpu.memory_space<vmem>>, vector<1x16xf32>,
    %swap3A_318 = vector.shape_cast %swap3A_317 : vector<1x16xf32> to vector<16xf32>
    %swap3A_319 = vector.shape_cast %broadcast_in_dim3A_32 : vector<16xf32> to vector<1x16xf32>
    tpu.vector_store %arg16[%swap3A_315, %swap3A_316], %swap3A_319 {strides = array<i32>} : memref<16x128xf32, #tpu.memory_space<vmem>>, vector<1x16xf32>,
    %swap3A_320 = arith.constant 6 : i32
    %swap3A_321 = arith.index_cast %swap3A_320 : i32 to index
    %swap3A_322 = arith.constant 0 : index
    %swap3A_323 = tpu.vector_load %arg16[%swap3A_321, %swap3A_322] {strides = array<i32>} : memref<16x128xf32, #tpu.memory_space<vmem>>, vector<1x16xf32>,
    %swap3A_324 = vector.shape_cast %swap3A_323 : vector<1x16xf32> to vector<16xf32>
    %swap3A_325 = vector.shape_cast %broadcast_in_dim3A_32 : vector<16xf32> to vector<1x16xf32>
    tpu.vector_store %arg16[%swap3A_321, %swap3A_322], %swap3A_325 {strides = array<i32>} : memref<16x128xf32, #tpu.memory_space<vmem>>, vector<1x16xf32>,
    %swap3A_326 = arith.constant 6 : i32
    %swap3A_327 = arith.index_cast %swap3A_326 : i32 to index
    %swap3A_328 = arith.constant 16 : index
    %swap3A_329 = tpu.vector_load %arg16[%swap3A_327, %swap3A_328] {strides = array<i32>} : memref<16x128xf32, #tpu.memory_space<vmem>>, vector<1x16xf32>,
    %swap3A_330 = vector.shape_cast %swap3A_329 : vector<1x16xf32> to vector<16xf32>
    %swap3A_331 = vector.shape_cast %broadcast_in_dim3A_32 : vector<16xf32> to vector<1x16xf32>
    tpu.vector_store %arg16[%swap3A_327, %swap3A_328], %swap3A_331 {strides = array<i32>} : memref<16x128xf32, #tpu.memory_space<vmem>>, vector<1x16xf32>,
    %swap3A_332 = arith.constant 6 : i32
    %swap3A_333 = arith.index_cast %swap3A_332 : i32 to index
    %swap3A_334 = arith.constant 32 : index
    %swap3A_335 = tpu.vector_load %arg16[%swap3A_333, %swap3A_334] {strides = array<i32>} : memref<16x128xf32, #tpu.memory_space<vmem>>, vector<1x16xf32>,
    %swap3A_336 = vector.shape_cast %swap3A_335 : vector<1x16xf32> to vector<16xf32>
    %swap3A_337 = vector.shape_cast %broadcast_in_dim3A_32 : vector<16xf32> to vector<1x16xf32>
    tpu.vector_store %arg16[%swap3A_333, %swap3A_334], %swap3A_337 {strides = array<i32>} : memref<16x128xf32, #tpu.memory_space<vmem>>, vector<1x16xf32>,
    %swap3A_338 = arith.constant 6 : i32
    %swap3A_339 = arith.index_cast %swap3A_338 : i32 to index
    %swap3A_340 = arith.constant 48 : index
    %swap3A_341 = tpu.vector_load %arg16[%swap3A_339, %swap3A_340] {strides = array<i32>} : memref<16x128xf32, #tpu.memory_space<vmem>>, vector<1x16xf32>,
    %swap3A_342 = vector.shape_cast %swap3A_341 : vector<1x16xf32> to vector<16xf32>
    %swap3A_343 = vector.shape_cast %broadcast_in_dim3A_32 : vector<16xf32> to vector<1x16xf32>
    tpu.vector_store %arg16[%swap3A_339, %swap3A_340], %swap3A_343 {strides = array<i32>} : memref<16x128xf32, #tpu.memory_space<vmem>>, vector<1x16xf32>,
    %swap3A_344 = arith.constant 6 : i32
    %swap3A_345 = arith.index_cast %swap3A_344 : i32 to index
    %swap3A_346 = arith.constant 64 : index
    %swap3A_347 = tpu.vector_load %arg16[%swap3A_345, %swap3A_346] {strides = array<i32>} : memref<16x128xf32, #tpu.memory_space<vmem>>, vector<1x16xf32>,
    %swap3A_348 = vector.shape_cast %swap3A_347 : vector<1x16xf32> to vector<16xf32>
    %swap3A_349 = vector.shape_cast %broadcast_in_dim3A_32 : vector<16xf32> to vector<1x16xf32>
    tpu.vector_store %arg16[%swap3A_345, %swap3A_346], %swap3A_349 {strides = array<i32>} : memref<16x128xf32, #tpu.memory_space<vmem>>, vector<1x16xf32>,
    %swap3A_350 = arith.constant 6 : i32
    %swap3A_351 = arith.index_cast %swap3A_350 : i32 to index
    %swap3A_352 = arith.constant 80 : index
    %swap3A_353 = tpu.vector_load %arg16[%swap3A_351, %swap3A_352] {strides = array<i32>} : memref<16x128xf32, #tpu.memory_space<vmem>>, vector<1x16xf32>,
    %swap3A_354 = vector.shape_cast %swap3A_353 : vector<1x16xf32> to vector<16xf32>
    %swap3A_355 = vector.shape_cast %broadcast_in_dim3A_32 : vector<16xf32> to vector<1x16xf32>
    tpu.vector_store %arg16[%swap3A_351, %swap3A_352], %swap3A_355 {strides = array<i32>} : memref<16x128xf32, #tpu.memory_space<vmem>>, vector<1x16xf32>,
    %swap3A_356 = arith.constant 6 : i32
    %swap3A_357 = arith.index_cast %swap3A_356 : i32 to index
    %swap3A_358 = arith.constant 96 : index
    %swap3A_359 = tpu.vector_load %arg16[%swap3A_357, %swap3A_358] {strides = array<i32>} : memref<16x128xf32, #tpu.memory_space<vmem>>, vector<1x16xf32>,
    %swap3A_360 = vector.shape_cast %swap3A_359 : vector<1x16xf32> to vector<16xf32>
    %swap3A_361 = vector.shape_cast %broadcast_in_dim3A_32 : vector<16xf32> to vector<1x16xf32>
    tpu.vector_store %arg16[%swap3A_357, %swap3A_358], %swap3A_361 {strides = array<i32>} : memref<16x128xf32, #tpu.memory_space<vmem>>, vector<1x16xf32>,
    %swap3A_362 = arith.constant 6 : i32
    %swap3A_363 = arith.index_cast %swap3A_362 : i32 to index
    %swap3A_364 = arith.constant 112 : index
    %swap3A_365 = tpu.vector_load %arg16[%swap3A_363, %swap3A_364] {strides = array<i32>} : memref<16x128xf32, #tpu.memory_space<vmem>>, vector<1x16xf32>,
    %swap3A_366 = vector.shape_cast %swap3A_365 : vector<1x16xf32> to vector<16xf32>
    %swap3A_367 = vector.shape_cast %broadcast_in_dim3A_32 : vector<16xf32> to vector<1x16xf32>
    tpu.vector_store %arg16[%swap3A_363, %swap3A_364], %swap3A_367 {strides = array<i32>} : memref<16x128xf32, #tpu.memory_space<vmem>>, vector<1x16xf32>,
    %swap3A_368 = arith.constant 7 : i32
    %swap3A_369 = arith.index_cast %swap3A_368 : i32 to index
    %swap3A_370 = arith.constant 0 : index
    %swap3A_371 = tpu.vector_load %arg16[%swap3A_369, %swap3A_370] {strides = array<i32>} : memref<16x128xf32, #tpu.memory_space<vmem>>, vector<1x16xf32>,
    %swap3A_372 = vector.shape_cast %swap3A_371 : vector<1x16xf32> to vector<16xf32>
    %swap3A_373 = vector.shape_cast %broadcast_in_dim3A_32 : vector<16xf32> to vector<1x16xf32>
    tpu.vector_store %arg16[%swap3A_369, %swap3A_370], %swap3A_373 {strides = array<i32>} : memref<16x128xf32, #tpu.memory_space<vmem>>, vector<1x16xf32>,
    %swap3A_374 = arith.constant 7 : i32
    %swap3A_375 = arith.index_cast %swap3A_374 : i32 to index
    %swap3A_376 = arith.constant 16 : index
    %swap3A_377 = tpu.vector_load %arg16[%swap3A_375, %swap3A_376] {strides = array<i32>} : memref<16x128xf32, #tpu.memory_space<vmem>>, vector<1x16xf32>,
    %swap3A_378 = vector.shape_cast %swap3A_377 : vector<1x16xf32> to vector<16xf32>
    %swap3A_379 = vector.shape_cast %broadcast_in_dim3A_32 : vector<16xf32> to vector<1x16xf32>
    tpu.vector_store %arg16[%swap3A_375, %swap3A_376], %swap3A_379 {strides = array<i32>} : memref<16x128xf32, #tpu.memory_space<vmem>>, vector<1x16xf32>,
    %swap3A_380 = arith.constant 7 : i32
    %swap3A_381 = arith.index_cast %swap3A_380 : i32 to index
    %swap3A_382 = arith.constant 32 : index
    %swap3A_383 = tpu.vector_load %arg16[%swap3A_381, %swap3A_382] {strides = array<i32>} : memref<16x128xf32, #tpu.memory_space<vmem>>, vector<1x16xf32>,
    %swap3A_384 = vector.shape_cast %swap3A_383 : vector<1x16xf32> to vector<16xf32>
    %swap3A_385 = vector.shape_cast %broadcast_in_dim3A_32 : vector<16xf32> to vector<1x16xf32>
    tpu.vector_store %arg16[%swap3A_381, %swap3A_382], %swap3A_385 {strides = array<i32>} : memref<16x128xf32, #tpu.memory_space<vmem>>, vector<1x16xf32>,
    %swap3A_386 = arith.constant 7 : i32
    %swap3A_387 = arith.index_cast %swap3A_386 : i32 to index
    %swap3A_388 = arith.constant 48 : index
    %swap3A_389 = tpu.vector_load %arg16[%swap3A_387, %swap3A_388] {strides = array<i32>} : memref<16x128xf32, #tpu.memory_space<vmem>>, vector<1x16xf32>,
    %swap3A_390 = vector.shape_cast %swap3A_389 : vector<1x16xf32> to vector<16xf32>
    %swap3A_391 = vector.shape_cast %broadcast_in_dim3A_32 : vector<16xf32> to vector<1x16xf32>
    tpu.vector_store %arg16[%swap3A_387, %swap3A_388], %swap3A_391 {strides = array<i32>} : memref<16x128xf32, #tpu.memory_space<vmem>>, vector<1x16xf32>,
    %swap3A_392 = arith.constant 7 : i32
    %swap3A_393 = arith.index_cast %swap3A_392 : i32 to index
    %swap3A_394 = arith.constant 64 : index
    %swap3A_395 = tpu.vector_load %arg16[%swap3A_393, %swap3A_394] {strides = array<i32>} : memref<16x128xf32, #tpu.memory_space<vmem>>, vector<1x16xf32>,
    %swap3A_396 = vector.shape_cast %swap3A_395 : vector<1x16xf32> to vector<16xf32>
    %swap3A_397 = vector.shape_cast %broadcast_in_dim3A_32 : vector<16xf32> to vector<1x16xf32>
    tpu.vector_store %arg16[%swap3A_393, %swap3A_394], %swap3A_397 {strides = array<i32>} : memref<16x128xf32, #tpu.memory_space<vmem>>, vector<1x16xf32>,
    %swap3A_398 = arith.constant 7 : i32
    %swap3A_399 = arith.index_cast %swap3A_398 : i32 to index
    %swap3A_400 = arith.constant 80 : index
    %swap3A_401 = tpu.vector_load %arg16[%swap3A_399, %swap3A_400] {strides = array<i32>} : memref<16x128xf32, #tpu.memory_space<vmem>>, vector<1x16xf32>,
    %swap3A_402 = vector.shape_cast %swap3A_401 : vector<1x16xf32> to vector<16xf32>
    %swap3A_403 = vector.shape_cast %broadcast_in_dim3A_32 : vector<16xf32> to vector<1x16xf32>
    tpu.vector_store %arg16[%swap3A_399, %swap3A_400], %swap3A_403 {strides = array<i32>} : memref<16x128xf32, #tpu.memory_space<vmem>>, vector<1x16xf32>,
    %swap3A_404 = arith.constant 7 : i32
    %swap3A_405 = arith.index_cast %swap3A_404 : i32 to index
    %swap3A_406 = arith.constant 96 : index
    %swap3A_407 = tpu.vector_load %arg16[%swap3A_405, %swap3A_406] {strides = array<i32>} : memref<16x128xf32, #tpu.memory_space<vmem>>, vector<1x16xf32>,
    %swap3A_408 = vector.shape_cast %swap3A_407 : vector<1x16xf32> to vector<16xf32>
    %swap3A_409 = vector.shape_cast %broadcast_in_dim3A_32 : vector<16xf32> to vector<1x16xf32>
    tpu.vector_store %arg16[%swap3A_405, %swap3A_406], %swap3A_409 {strides = array<i32>} : memref<16x128xf32, #tpu.memory_space<vmem>>, vector<1x16xf32>,
    %swap3A_410 = arith.constant 7 : i32
    %swap3A_411 = arith.index_cast %swap3A_410 : i32 to index
    %swap3A_412 = arith.constant 112 : index
    %swap3A_413 = tpu.vector_load %arg16[%swap3A_411, %swap3A_412] {strides = array<i32>} : memref<16x128xf32, #tpu.memory_space<vmem>>, vector<1x16xf32>,
    %swap3A_414 = vector.shape_cast %swap3A_413 : vector<1x16xf32> to vector<16xf32>
    %swap3A_415 = vector.shape_cast %broadcast_in_dim3A_32 : vector<16xf32> to vector<1x16xf32>
    tpu.vector_store %arg16[%swap3A_411, %swap3A_412], %swap3A_415 {strides = array<i32>} : memref<16x128xf32, #tpu.memory_space<vmem>>, vector<1x16xf32>,
    %swap3A_416 = arith.constant 8 : i32
    %swap3A_417 = arith.index_cast %swap3A_416 : i32 to index
    %swap3A_418 = arith.constant 0 : index
    %swap3A_419 = tpu.vector_load %arg16[%swap3A_417, %swap3A_418] {strides = array<i32>} : memref<16x128xf32, #tpu.memory_space<vmem>>, vector<1x16xf32>,
    %swap3A_420 = vector.shape_cast %swap3A_419 : vector<1x16xf32> to vector<16xf32>
    %swap3A_421 = vector.shape_cast %broadcast_in_dim3A_32 : vector<16xf32> to vector<1x16xf32>
    tpu.vector_store %arg16[%swap3A_417, %swap3A_418], %swap3A_421 {strides = array<i32>} : memref<16x128xf32, #tpu.memory_space<vmem>>, vector<1x16xf32>,
    %swap3A_422 = arith.constant 8 : i32
    %swap3A_423 = arith.index_cast %swap3A_422 : i32 to index
    %swap3A_424 = arith.constant 16 : index
    %swap3A_425 = tpu.vector_load %arg16[%swap3A_423, %swap3A_424] {strides = array<i32>} : memref<16x128xf32, #tpu.memory_space<vmem>>, vector<1x16xf32>,
    %swap3A_426 = vector.shape_cast %swap3A_425 : vector<1x16xf32> to vector<16xf32>
    %swap3A_427 = vector.shape_cast %broadcast_in_dim3A_32 : vector<16xf32> to vector<1x16xf32>
    tpu.vector_store %arg16[%swap3A_423, %swap3A_424], %swap3A_427 {strides = array<i32>} : memref<16x128xf32, #tpu.memory_space<vmem>>, vector<1x16xf32>,
    %swap3A_428 = arith.constant 8 : i32
    %swap3A_429 = arith.index_cast %swap3A_428 : i32 to index
    %swap3A_430 = arith.constant 32 : index
    %swap3A_431 = tpu.vector_load %arg16[%swap3A_429, %swap3A_430] {strides = array<i32>} : memref<16x128xf32, #tpu.memory_space<vmem>>, vector<1x16xf32>,
    %swap3A_432 = vector.shape_cast %swap3A_431 : vector<1x16xf32> to vector<16xf32>
    %swap3A_433 = vector.shape_cast %broadcast_in_dim3A_32 : vector<16xf32> to vector<1x16xf32>
    tpu.vector_store %arg16[%swap3A_429, %swap3A_430], %swap3A_433 {strides = array<i32>} : memref<16x128xf32, #tpu.memory_space<vmem>>, vector<1x16xf32>,
    %swap3A_434 = arith.constant 8 : i32
    %swap3A_435 = arith.index_cast %swap3A_434 : i32 to index
    %swap3A_436 = arith.constant 48 : index
    %swap3A_437 = tpu.vector_load %arg16[%swap3A_435, %swap3A_436] {strides = array<i32>} : memref<16x128xf32, #tpu.memory_space<vmem>>, vector<1x16xf32>,
    %swap3A_438 = vector.shape_cast %swap3A_437 : vector<1x16xf32> to vector<16xf32>
    %swap3A_439 = vector.shape_cast %broadcast_in_dim3A_32 : vector<16xf32> to vector<1x16xf32>
    tpu.vector_store %arg16[%swap3A_435, %swap3A_436], %swap3A_439 {strides = array<i32>} : memref<16x128xf32, #tpu.memory_space<vmem>>, vector<1x16xf32>,
    %swap3A_440 = arith.constant 8 : i32
    %swap3A_441 = arith.index_cast %swap3A_440 : i32 to index
    %swap3A_442 = arith.constant 64 : index
    %swap3A_443 = tpu.vector_load %arg16[%swap3A_441, %swap3A_442] {strides = array<i32>} : memref<16x128xf32, #tpu.memory_space<vmem>>, vector<1x16xf32>,
    %swap3A_444 = vector.shape_cast %swap3A_443 : vector<1x16xf32> to vector<16xf32>
    %swap3A_445 = vector.shape_cast %broadcast_in_dim3A_32 : vector<16xf32> to vector<1x16xf32>
    tpu.vector_store %arg16[%swap3A_441, %swap3A_442], %swap3A_445 {strides = array<i32>} : memref<16x128xf32, #tpu.memory_space<vmem>>, vector<1x16xf32>,
    %swap3A_446 = arith.constant 8 : i32
    %swap3A_447 = arith.index_cast %swap3A_446 : i32 to index
    %swap3A_448 = arith.constant 80 : index
    %swap3A_449 = tpu.vector_load %arg16[%swap3A_447, %swap3A_448] {strides = array<i32>} : memref<16x128xf32, #tpu.memory_space<vmem>>, vector<1x16xf32>,
    %swap3A_450 = vector.shape_cast %swap3A_449 : vector<1x16xf32> to vector<16xf32>
    %swap3A_451 = vector.shape_cast %broadcast_in_dim3A_32 : vector<16xf32> to vector<1x16xf32>
    tpu.vector_store %arg16[%swap3A_447, %swap3A_448], %swap3A_451 {strides = array<i32>} : memref<16x128xf32, #tpu.memory_space<vmem>>, vector<1x16xf32>,
    %swap3A_452 = arith.constant 8 : i32
    %swap3A_453 = arith.index_cast %swap3A_452 : i32 to index
    %swap3A_454 = arith.constant 96 : index
    %swap3A_455 = tpu.vector_load %arg16[%swap3A_453, %swap3A_454] {strides = array<i32>} : memref<16x128xf32, #tpu.memory_space<vmem>>, vector<1x16xf32>,
    %swap3A_456 = vector.shape_cast %swap3A_455 : vector<1x16xf32> to vector<16xf32>
    %swap3A_457 = vector.shape_cast %broadcast_in_dim3A_32 : vector<16xf32> to vector<1x16xf32>
    tpu.vector_store %arg16[%swap3A_453, %swap3A_454], %swap3A_457 {strides = array<i32>} : memref<16x128xf32, #tpu.memory_space<vmem>>, vector<1x16xf32>,
    %swap3A_458 = arith.constant 8 : i32
    %swap3A_459 = arith.index_cast %swap3A_458 : i32 to index
    %swap3A_460 = arith.constant 112 : index
    %swap3A_461 = tpu.vector_load %arg16[%swap3A_459, %swap3A_460] {strides = array<i32>} : memref<16x128xf32, #tpu.memory_space<vmem>>, vector<1x16xf32>,
    %swap3A_462 = vector.shape_cast %swap3A_461 : vector<1x16xf32> to vector<16xf32>
    %swap3A_463 = vector.shape_cast %broadcast_in_dim3A_32 : vector<16xf32> to vector<1x16xf32>
    tpu.vector_store %arg16[%swap3A_459, %swap3A_460], %swap3A_463 {strides = array<i32>} : memref<16x128xf32, #tpu.memory_space<vmem>>, vector<1x16xf32>,
    %swap3A_464 = arith.constant 9 : i32
    %swap3A_465 = arith.index_cast %swap3A_464 : i32 to index
    %swap3A_466 = arith.constant 0 : index
    %swap3A_467 = tpu.vector_load %arg16[%swap3A_465, %swap3A_466] {strides = array<i32>} : memref<16x128xf32, #tpu.memory_space<vmem>>, vector<1x16xf32>,
    %swap3A_468 = vector.shape_cast %swap3A_467 : vector<1x16xf32> to vector<16xf32>
    %swap3A_469 = vector.shape_cast %broadcast_in_dim3A_32 : vector<16xf32> to vector<1x16xf32>
    tpu.vector_store %arg16[%swap3A_465, %swap3A_466], %swap3A_469 {strides = array<i32>} : memref<16x128xf32, #tpu.memory_space<vmem>>, vector<1x16xf32>,
    %swap3A_470 = arith.constant 9 : i32
    %swap3A_471 = arith.index_cast %swap3A_470 : i32 to index
    %swap3A_472 = arith.constant 16 : index
    %swap3A_473 = tpu.vector_load %arg16[%swap3A_471, %swap3A_472] {strides = array<i32>} : memref<16x128xf32, #tpu.memory_space<vmem>>, vector<1x16xf32>,
    %swap3A_474 = vector.shape_cast %swap3A_473 : vector<1x16xf32> to vector<16xf32>
    %swap3A_475 = vector.shape_cast %broadcast_in_dim3A_32 : vector<16xf32> to vector<1x16xf32>
    tpu.vector_store %arg16[%swap3A_471, %swap3A_472], %swap3A_475 {strides = array<i32>} : memref<16x128xf32, #tpu.memory_space<vmem>>, vector<1x16xf32>,
    %swap3A_476 = arith.constant 9 : i32
    %swap3A_477 = arith.index_cast %swap3A_476 : i32 to index
    %swap3A_478 = arith.constant 32 : index
    %swap3A_479 = tpu.vector_load %arg16[%swap3A_477, %swap3A_478] {strides = array<i32>} : memref<16x128xf32, #tpu.memory_space<vmem>>, vector<1x16xf32>,
    %swap3A_480 = vector.shape_cast %swap3A_479 : vector<1x16xf32> to vector<16xf32>
    %swap3A_481 = vector.shape_cast %broadcast_in_dim3A_32 : vector<16xf32> to vector<1x16xf32>
    tpu.vector_store %arg16[%swap3A_477, %swap3A_478], %swap3A_481 {strides = array<i32>} : memref<16x128xf32, #tpu.memory_space<vmem>>, vector<1x16xf32>,
    %swap3A_482 = arith.constant 9 : i32
    %swap3A_483 = arith.index_cast %swap3A_482 : i32 to index
    %swap3A_484 = arith.constant 48 : index
    %swap3A_485 = tpu.vector_load %arg16[%swap3A_483, %swap3A_484] {strides = array<i32>} : memref<16x128xf32, #tpu.memory_space<vmem>>, vector<1x16xf32>,
    %swap3A_486 = vector.shape_cast %swap3A_485 : vector<1x16xf32> to vector<16xf32>
    %swap3A_487 = vector.shape_cast %broadcast_in_dim3A_32 : vector<16xf32> to vector<1x16xf32>
    tpu.vector_store %arg16[%swap3A_483, %swap3A_484], %swap3A_487 {strides = array<i32>} : memref<16x128xf32, #tpu.memory_space<vmem>>, vector<1x16xf32>,
    %swap3A_488 = arith.constant 9 : i32
    %swap3A_489 = arith.index_cast %swap3A_488 : i32 to index
    %swap3A_490 = arith.constant 64 : index
    %swap3A_491 = tpu.vector_load %arg16[%swap3A_489, %swap3A_490] {strides = array<i32>} : memref<16x128xf32, #tpu.memory_space<vmem>>, vector<1x16xf32>,
    %swap3A_492 = vector.shape_cast %swap3A_491 : vector<1x16xf32> to vector<16xf32>
    %swap3A_493 = vector.shape_cast %broadcast_in_dim3A_32 : vector<16xf32> to vector<1x16xf32>
    tpu.vector_store %arg16[%swap3A_489, %swap3A_490], %swap3A_493 {strides = array<i32>} : memref<16x128xf32, #tpu.memory_space<vmem>>, vector<1x16xf32>,
    %swap3A_494 = arith.constant 9 : i32
    %swap3A_495 = arith.index_cast %swap3A_494 : i32 to index
    %swap3A_496 = arith.constant 80 : index
    %swap3A_497 = tpu.vector_load %arg16[%swap3A_495, %swap3A_496] {strides = array<i32>} : memref<16x128xf32, #tpu.memory_space<vmem>>, vector<1x16xf32>,
    %swap3A_498 = vector.shape_cast %swap3A_497 : vector<1x16xf32> to vector<16xf32>
    %swap3A_499 = vector.shape_cast %broadcast_in_dim3A_32 : vector<16xf32> to vector<1x16xf32>
    tpu.vector_store %arg16[%swap3A_495, %swap3A_496], %swap3A_499 {strides = array<i32>} : memref<16x128xf32, #tpu.memory_space<vmem>>, vector<1x16xf32>,
    %swap3A_500 = arith.constant 9 : i32
    %swap3A_501 = arith.index_cast %swap3A_500 : i32 to index
    %swap3A_502 = arith.constant 96 : index
    %swap3A_503 = tpu.vector_load %arg16[%swap3A_501, %swap3A_502] {strides = array<i32>} : memref<16x128xf32, #tpu.memory_space<vmem>>, vector<1x16xf32>,
    %swap3A_504 = vector.shape_cast %swap3A_503 : vector<1x16xf32> to vector<16xf32>
    %swap3A_505 = vector.shape_cast %broadcast_in_dim3A_32 : vector<16xf32> to vector<1x16xf32>
    tpu.vector_store %arg16[%swap3A_501, %swap3A_502], %swap3A_505 {strides = array<i32>} : memref<16x128xf32, #tpu.memory_space<vmem>>, vector<1x16xf32>,
    %swap3A_506 = arith.constant 9 : i32
    %swap3A_507 = arith.index_cast %swap3A_506 : i32 to index
    %swap3A_508 = arith.constant 112 : index
    %swap3A_509 = tpu.vector_load %arg16[%swap3A_507, %swap3A_508] {strides = array<i32>} : memref<16x128xf32, #tpu.memory_space<vmem>>, vector<1x16xf32>,
    %swap3A_510 = vector.shape_cast %swap3A_509 : vector<1x16xf32> to vector<16xf32>
    %swap3A_511 = vector.shape_cast %broadcast_in_dim3A_32 : vector<16xf32> to vector<1x16xf32>
    tpu.vector_store %arg16[%swap3A_507, %swap3A_508], %swap3A_511 {strides = array<i32>} : memref<16x128xf32, #tpu.memory_space<vmem>>, vector<1x16xf32>,
    %swap3A_512 = arith.constant 10 : i32
    %swap3A_513 = arith.index_cast %swap3A_512 : i32 to index
    %swap3A_514 = arith.constant 0 : index
    %swap3A_515 = tpu.vector_load %arg16[%swap3A_513, %swap3A_514] {strides = array<i32>} : memref<16x128xf32, #tpu.memory_space<vmem>>, vector<1x16xf32>,
    %swap3A_516 = vector.shape_cast %swap3A_515 : vector<1x16xf32> to vector<16xf32>
    %swap3A_517 = vector.shape_cast %broadcast_in_dim3A_32 : vector<16xf32> to vector<1x16xf32>
    tpu.vector_store %arg16[%swap3A_513, %swap3A_514], %swap3A_517 {strides = array<i32>} : memref<16x128xf32, #tpu.memory_space<vmem>>, vector<1x16xf32>,
    %swap3A_518 = arith.constant 10 : i32
    %swap3A_519 = arith.index_cast %swap3A_518 : i32 to index
    %swap3A_520 = arith.constant 16 : index
    %swap3A_521 = tpu.vector_load %arg16[%swap3A_519, %swap3A_520] {strides = array<i32>} : memref<16x128xf32, #tpu.memory_space<vmem>>, vector<1x16xf32>,
    %swap3A_522 = vector.shape_cast %swap3A_521 : vector<1x16xf32> to vector<16xf32>
    %swap3A_523 = vector.shape_cast %broadcast_in_dim3A_32 : vector<16xf32> to vector<1x16xf32>
    tpu.vector_store %arg16[%swap3A_519, %swap3A_520], %swap3A_523 {strides = array<i32>} : memref<16x128xf32, #tpu.memory_space<vmem>>, vector<1x16xf32>,
    %swap3A_524 = arith.constant 10 : i32
    %swap3A_525 = arith.index_cast %swap3A_524 : i32 to index
    %swap3A_526 = arith.constant 32 : index
    %swap3A_527 = tpu.vector_load %arg16[%swap3A_525, %swap3A_526] {strides = array<i32>} : memref<16x128xf32, #tpu.memory_space<vmem>>, vector<1x16xf32>,
    %swap3A_528 = vector.shape_cast %swap3A_527 : vector<1x16xf32> to vector<16xf32>
    %swap3A_529 = vector.shape_cast %broadcast_in_dim3A_32 : vector<16xf32> to vector<1x16xf32>
    tpu.vector_store %arg16[%swap3A_525, %swap3A_526], %swap3A_529 {strides = array<i32>} : memref<16x128xf32, #tpu.memory_space<vmem>>, vector<1x16xf32>,
    %swap3A_530 = arith.constant 10 : i32
    %swap3A_531 = arith.index_cast %swap3A_530 : i32 to index
    %swap3A_532 = arith.constant 48 : index
    %swap3A_533 = tpu.vector_load %arg16[%swap3A_531, %swap3A_532] {strides = array<i32>} : memref<16x128xf32, #tpu.memory_space<vmem>>, vector<1x16xf32>,
    %swap3A_534 = vector.shape_cast %swap3A_533 : vector<1x16xf32> to vector<16xf32>
    %swap3A_535 = vector.shape_cast %broadcast_in_dim3A_32 : vector<16xf32> to vector<1x16xf32>
    tpu.vector_store %arg16[%swap3A_531, %swap3A_532], %swap3A_535 {strides = array<i32>} : memref<16x128xf32, #tpu.memory_space<vmem>>, vector<1x16xf32>,
    %swap3A_536 = arith.constant 10 : i32
    %swap3A_537 = arith.index_cast %swap3A_536 : i32 to index
    %swap3A_538 = arith.constant 64 : index
    %swap3A_539 = tpu.vector_load %arg16[%swap3A_537, %swap3A_538] {strides = array<i32>} : memref<16x128xf32, #tpu.memory_space<vmem>>, vector<1x16xf32>,
    %swap3A_540 = vector.shape_cast %swap3A_539 : vector<1x16xf32> to vector<16xf32>
    %swap3A_541 = vector.shape_cast %broadcast_in_dim3A_32 : vector<16xf32> to vector<1x16xf32>
    tpu.vector_store %arg16[%swap3A_537, %swap3A_538], %swap3A_541 {strides = array<i32>} : memref<16x128xf32, #tpu.memory_space<vmem>>, vector<1x16xf32>,
    %swap3A_542 = arith.constant 10 : i32
    %swap3A_543 = arith.index_cast %swap3A_542 : i32 to index
    %swap3A_544 = arith.constant 80 : index
    %swap3A_545 = tpu.vector_load %arg16[%swap3A_543, %swap3A_544] {strides = array<i32>} : memref<16x128xf32, #tpu.memory_space<vmem>>, vector<1x16xf32>,
    %swap3A_546 = vector.shape_cast %swap3A_545 : vector<1x16xf32> to vector<16xf32>
    %swap3A_547 = vector.shape_cast %broadcast_in_dim3A_32 : vector<16xf32> to vector<1x16xf32>
    tpu.vector_store %arg16[%swap3A_543, %swap3A_544], %swap3A_547 {strides = array<i32>} : memref<16x128xf32, #tpu.memory_space<vmem>>, vector<1x16xf32>,
    %swap3A_548 = arith.constant 10 : i32
    %swap3A_549 = arith.index_cast %swap3A_548 : i32 to index
    %swap3A_550 = arith.constant 96 : index
    %swap3A_551 = tpu.vector_load %arg16[%swap3A_549, %swap3A_550] {strides = array<i32>} : memref<16x128xf32, #tpu.memory_space<vmem>>, vector<1x16xf32>,
    %swap3A_552 = vector.shape_cast %swap3A_551 : vector<1x16xf32> to vector<16xf32>
    %swap3A_553 = vector.shape_cast %broadcast_in_dim3A_32 : vector<16xf32> to vector<1x16xf32>
    tpu.vector_store %arg16[%swap3A_549, %swap3A_550], %swap3A_553 {strides = array<i32>} : memref<16x128xf32, #tpu.memory_space<vmem>>, vector<1x16xf32>,
    %swap3A_554 = arith.constant 10 : i32
    %swap3A_555 = arith.index_cast %swap3A_554 : i32 to index
    %swap3A_556 = arith.constant 112 : index
    %swap3A_557 = tpu.vector_load %arg16[%swap3A_555, %swap3A_556] {strides = array<i32>} : memref<16x128xf32, #tpu.memory_space<vmem>>, vector<1x16xf32>,
    %swap3A_558 = vector.shape_cast %swap3A_557 : vector<1x16xf32> to vector<16xf32>
    %swap3A_559 = vector.shape_cast %broadcast_in_dim3A_32 : vector<16xf32> to vector<1x16xf32>
    tpu.vector_store %arg16[%swap3A_555, %swap3A_556], %swap3A_559 {strides = array<i32>} : memref<16x128xf32, #tpu.memory_space<vmem>>, vector<1x16xf32>,
    %swap3A_560 = arith.constant 11 : i32
    %swap3A_561 = arith.index_cast %swap3A_560 : i32 to index
    %swap3A_562 = arith.constant 0 : index
    %swap3A_563 = tpu.vector_load %arg16[%swap3A_561, %swap3A_562] {strides = array<i32>} : memref<16x128xf32, #tpu.memory_space<vmem>>, vector<1x16xf32>,
    %swap3A_564 = vector.shape_cast %swap3A_563 : vector<1x16xf32> to vector<16xf32>
    %swap3A_565 = vector.shape_cast %broadcast_in_dim3A_32 : vector<16xf32> to vector<1x16xf32>
    tpu.vector_store %arg16[%swap3A_561, %swap3A_562], %swap3A_565 {strides = array<i32>} : memref<16x128xf32, #tpu.memory_space<vmem>>, vector<1x16xf32>,
    %swap3A_566 = arith.constant 11 : i32
    %swap3A_567 = arith.index_cast %swap3A_566 : i32 to index
    %swap3A_568 = arith.constant 16 : index
    %swap3A_569 = tpu.vector_load %arg16[%swap3A_567, %swap3A_568] {strides = array<i32>} : memref<16x128xf32, #tpu.memory_space<vmem>>, vector<1x16xf32>,
    %swap3A_570 = vector.shape_cast %swap3A_569 : vector<1x16xf32> to vector<16xf32>
    %swap3A_571 = vector.shape_cast %broadcast_in_dim3A_32 : vector<16xf32> to vector<1x16xf32>
    tpu.vector_store %arg16[%swap3A_567, %swap3A_568], %swap3A_571 {strides = array<i32>} : memref<16x128xf32, #tpu.memory_space<vmem>>, vector<1x16xf32>,
    %swap3A_572 = arith.constant 11 : i32
    %swap3A_573 = arith.index_cast %swap3A_572 : i32 to index
    %swap3A_574 = arith.constant 32 : index
    %swap3A_575 = tpu.vector_load %arg16[%swap3A_573, %swap3A_574] {strides = array<i32>} : memref<16x128xf32, #tpu.memory_space<vmem>>, vector<1x16xf32>,
    %swap3A_576 = vector.shape_cast %swap3A_575 : vector<1x16xf32> to vector<16xf32>
    %swap3A_577 = vector.shape_cast %broadcast_in_dim3A_32 : vector<16xf32> to vector<1x16xf32>
    tpu.vector_store %arg16[%swap3A_573, %swap3A_574], %swap3A_577 {strides = array<i32>} : memref<16x128xf32, #tpu.memory_space<vmem>>, vector<1x16xf32>,
    %swap3A_578 = arith.constant 11 : i32
    %swap3A_579 = arith.index_cast %swap3A_578 : i32 to index
    %swap3A_580 = arith.constant 48 : index
    %swap3A_581 = tpu.vector_load %arg16[%swap3A_579, %swap3A_580] {strides = array<i32>} : memref<16x128xf32, #tpu.memory_space<vmem>>, vector<1x16xf32>,
    %swap3A_582 = vector.shape_cast %swap3A_581 : vector<1x16xf32> to vector<16xf32>
    %swap3A_583 = vector.shape_cast %broadcast_in_dim3A_32 : vector<16xf32> to vector<1x16xf32>
    tpu.vector_store %arg16[%swap3A_579, %swap3A_580], %swap3A_583 {strides = array<i32>} : memref<16x128xf32, #tpu.memory_space<vmem>>, vector<1x16xf32>,
    %swap3A_584 = arith.constant 11 : i32
    %swap3A_585 = arith.index_cast %swap3A_584 : i32 to index
    %swap3A_586 = arith.constant 64 : index
    %swap3A_587 = tpu.vector_load %arg16[%swap3A_585, %swap3A_586] {strides = array<i32>} : memref<16x128xf32, #tpu.memory_space<vmem>>, vector<1x16xf32>,
    %swap3A_588 = vector.shape_cast %swap3A_587 : vector<1x16xf32> to vector<16xf32>
    %swap3A_589 = vector.shape_cast %broadcast_in_dim3A_32 : vector<16xf32> to vector<1x16xf32>
    tpu.vector_store %arg16[%swap3A_585, %swap3A_586], %swap3A_589 {strides = array<i32>} : memref<16x128xf32, #tpu.memory_space<vmem>>, vector<1x16xf32>,
    %swap3A_590 = arith.constant 11 : i32
    %swap3A_591 = arith.index_cast %swap3A_590 : i32 to index
    %swap3A_592 = arith.constant 80 : index
    %swap3A_593 = tpu.vector_load %arg16[%swap3A_591, %swap3A_592] {strides = array<i32>} : memref<16x128xf32, #tpu.memory_space<vmem>>, vector<1x16xf32>,
    %swap3A_594 = vector.shape_cast %swap3A_593 : vector<1x16xf32> to vector<16xf32>
    %swap3A_595 = vector.shape_cast %broadcast_in_dim3A_32 : vector<16xf32> to vector<1x16xf32>
    tpu.vector_store %arg16[%swap3A_591, %swap3A_592], %swap3A_595 {strides = array<i32>} : memref<16x128xf32, #tpu.memory_space<vmem>>, vector<1x16xf32>,
    %swap3A_596 = arith.constant 11 : i32
    %swap3A_597 = arith.index_cast %swap3A_596 : i32 to index
    %swap3A_598 = arith.constant 96 : index
    %swap3A_599 = tpu.vector_load %arg16[%swap3A_597, %swap3A_598] {strides = array<i32>} : memref<16x128xf32, #tpu.memory_space<vmem>>, vector<1x16xf32>,
    %swap3A_600 = vector.shape_cast %swap3A_599 : vector<1x16xf32> to vector<16xf32>
    %swap3A_601 = vector.shape_cast %broadcast_in_dim3A_32 : vector<16xf32> to vector<1x16xf32>
    tpu.vector_store %arg16[%swap3A_597, %swap3A_598], %swap3A_601 {strides = array<i32>} : memref<16x128xf32, #tpu.memory_space<vmem>>, vector<1x16xf32>,
    %swap3A_602 = arith.constant 11 : i32
    %swap3A_603 = arith.index_cast %swap3A_602 : i32 to index
    %swap3A_604 = arith.constant 112 : index
    %swap3A_605 = tpu.vector_load %arg16[%swap3A_603, %swap3A_604] {strides = array<i32>} : memref<16x128xf32, #tpu.memory_space<vmem>>, vector<1x16xf32>,
    %swap3A_606 = vector.shape_cast %swap3A_605 : vector<1x16xf32> to vector<16xf32>
    %swap3A_607 = vector.shape_cast %broadcast_in_dim3A_32 : vector<16xf32> to vector<1x16xf32>
    tpu.vector_store %arg16[%swap3A_603, %swap3A_604], %swap3A_607 {strides = array<i32>} : memref<16x128xf32, #tpu.memory_space<vmem>>, vector<1x16xf32>,
    %swap3A_608 = arith.constant 12 : i32
    %swap3A_609 = arith.index_cast %swap3A_608 : i32 to index
    %swap3A_610 = arith.constant 0 : index
    %swap3A_611 = tpu.vector_load %arg16[%swap3A_609, %swap3A_610] {strides = array<i32>} : memref<16x128xf32, #tpu.memory_space<vmem>>, vector<1x16xf32>,
    %swap3A_612 = vector.shape_cast %swap3A_611 : vector<1x16xf32> to vector<16xf32>
    %swap3A_613 = vector.shape_cast %broadcast_in_dim3A_32 : vector<16xf32> to vector<1x16xf32>
    tpu.vector_store %arg16[%swap3A_609, %swap3A_610], %swap3A_613 {strides = array<i32>} : memref<16x128xf32, #tpu.memory_space<vmem>>, vector<1x16xf32>,
    %swap3A_614 = arith.constant 12 : i32
    %swap3A_615 = arith.index_cast %swap3A_614 : i32 to index
    %swap3A_616 = arith.constant 16 : index
    %swap3A_617 = tpu.vector_load %arg16[%swap3A_615, %swap3A_616] {strides = array<i32>} : memref<16x128xf32, #tpu.memory_space<vmem>>, vector<1x16xf32>,
    %swap3A_618 = vector.shape_cast %swap3A_617 : vector<1x16xf32> to vector<16xf32>
    %swap3A_619 = vector.shape_cast %broadcast_in_dim3A_32 : vector<16xf32> to vector<1x16xf32>
    tpu.vector_store %arg16[%swap3A_615, %swap3A_616], %swap3A_619 {strides = array<i32>} : memref<16x128xf32, #tpu.memory_space<vmem>>, vector<1x16xf32>,
    %swap3A_620 = arith.constant 12 : i32
    %swap3A_621 = arith.index_cast %swap3A_620 : i32 to index
    %swap3A_622 = arith.constant 32 : index
    %swap3A_623 = tpu.vector_load %arg16[%swap3A_621, %swap3A_622] {strides = array<i32>} : memref<16x128xf32, #tpu.memory_space<vmem>>, vector<1x16xf32>,
    %swap3A_624 = vector.shape_cast %swap3A_623 : vector<1x16xf32> to vector<16xf32>
    %swap3A_625 = vector.shape_cast %broadcast_in_dim3A_32 : vector<16xf32> to vector<1x16xf32>
    tpu.vector_store %arg16[%swap3A_621, %swap3A_622], %swap3A_625 {strides = array<i32>} : memref<16x128xf32, #tpu.memory_space<vmem>>, vector<1x16xf32>,
    %swap3A_626 = arith.constant 12 : i32
    %swap3A_627 = arith.index_cast %swap3A_626 : i32 to index
    %swap3A_628 = arith.constant 48 : index
    %swap3A_629 = tpu.vector_load %arg16[%swap3A_627, %swap3A_628] {strides = array<i32>} : memref<16x128xf32, #tpu.memory_space<vmem>>, vector<1x16xf32>,
    %swap3A_630 = vector.shape_cast %swap3A_629 : vector<1x16xf32> to vector<16xf32>
    %swap3A_631 = vector.shape_cast %broadcast_in_dim3A_32 : vector<16xf32> to vector<1x16xf32>
    tpu.vector_store %arg16[%swap3A_627, %swap3A_628], %swap3A_631 {strides = array<i32>} : memref<16x128xf32, #tpu.memory_space<vmem>>, vector<1x16xf32>,
    %swap3A_632 = arith.constant 12 : i32
    %swap3A_633 = arith.index_cast %swap3A_632 : i32 to index
    %swap3A_634 = arith.constant 64 : index
    %swap3A_635 = tpu.vector_load %arg16[%swap3A_633, %swap3A_634] {strides = array<i32>} : memref<16x128xf32, #tpu.memory_space<vmem>>, vector<1x16xf32>,
    %swap3A_636 = vector.shape_cast %swap3A_635 : vector<1x16xf32> to vector<16xf32>
    %swap3A_637 = vector.shape_cast %broadcast_in_dim3A_32 : vector<16xf32> to vector<1x16xf32>
    tpu.vector_store %arg16[%swap3A_633, %swap3A_634], %swap3A_637 {strides = array<i32>} : memref<16x128xf32, #tpu.memory_space<vmem>>, vector<1x16xf32>,
    %swap3A_638 = arith.constant 12 : i32
    %swap3A_639 = arith.index_cast %swap3A_638 : i32 to index
    %swap3A_640 = arith.constant 80 : index
    %swap3A_641 = tpu.vector_load %arg16[%swap3A_639, %swap3A_640] {strides = array<i32>} : memref<16x128xf32, #tpu.memory_space<vmem>>, vector<1x16xf32>,
    %swap3A_642 = vector.shape_cast %swap3A_641 : vector<1x16xf32> to vector<16xf32>
    %swap3A_643 = vector.shape_cast %broadcast_in_dim3A_32 : vector<16xf32> to vector<1x16xf32>
    tpu.vector_store %arg16[%swap3A_639, %swap3A_640], %swap3A_643 {strides = array<i32>} : memref<16x128xf32, #tpu.memory_space<vmem>>, vector<1x16xf32>,
    %swap3A_644 = arith.constant 12 : i32
    %swap3A_645 = arith.index_cast %swap3A_644 : i32 to index
    %swap3A_646 = arith.constant 96 : index
    %swap3A_647 = tpu.vector_load %arg16[%swap3A_645, %swap3A_646] {strides = array<i32>} : memref<16x128xf32, #tpu.memory_space<vmem>>, vector<1x16xf32>,
    %swap3A_648 = vector.shape_cast %swap3A_647 : vector<1x16xf32> to vector<16xf32>
    %swap3A_649 = vector.shape_cast %broadcast_in_dim3A_32 : vector<16xf32> to vector<1x16xf32>
    tpu.vector_store %arg16[%swap3A_645, %swap3A_646], %swap3A_649 {strides = array<i32>} : memref<16x128xf32, #tpu.memory_space<vmem>>, vector<1x16xf32>,
    %swap3A_650 = arith.constant 12 : i32
    %swap3A_651 = arith.index_cast %swap3A_650 : i32 to index
    %swap3A_652 = arith.constant 112 : index
    %swap3A_653 = tpu.vector_load %arg16[%swap3A_651, %swap3A_652] {strides = array<i32>} : memref<16x128xf32, #tpu.memory_space<vmem>>, vector<1x16xf32>,
    %swap3A_654 = vector.shape_cast %swap3A_653 : vector<1x16xf32> to vector<16xf32>
    %swap3A_655 = vector.shape_cast %broadcast_in_dim3A_32 : vector<16xf32> to vector<1x16xf32>
    tpu.vector_store %arg16[%swap3A_651, %swap3A_652], %swap3A_655 {strides = array<i32>} : memref<16x128xf32, #tpu.memory_space<vmem>>, vector<1x16xf32>,
    %swap3A_656 = arith.constant 13 : i32
    %swap3A_657 = arith.index_cast %swap3A_656 : i32 to index
    %swap3A_658 = arith.constant 0 : index
    %swap3A_659 = tpu.vector_load %arg16[%swap3A_657, %swap3A_658] {strides = array<i32>} : memref<16x128xf32, #tpu.memory_space<vmem>>, vector<1x16xf32>,
    %swap3A_660 = vector.shape_cast %swap3A_659 : vector<1x16xf32> to vector<16xf32>
    %swap3A_661 = vector.shape_cast %broadcast_in_dim3A_32 : vector<16xf32> to vector<1x16xf32>
    tpu.vector_store %arg16[%swap3A_657, %swap3A_658], %swap3A_661 {strides = array<i32>} : memref<16x128xf32, #tpu.memory_space<vmem>>, vector<1x16xf32>,
    %swap3A_662 = arith.constant 13 : i32
    %swap3A_663 = arith.index_cast %swap3A_662 : i32 to index
    %swap3A_664 = arith.constant 16 : index
    %swap3A_665 = tpu.vector_load %arg16[%swap3A_663, %swap3A_664] {strides = array<i32>} : memref<16x128xf32, #tpu.memory_space<vmem>>, vector<1x16xf32>,
    %swap3A_666 = vector.shape_cast %swap3A_665 : vector<1x16xf32> to vector<16xf32>
    %swap3A_667 = vector.shape_cast %broadcast_in_dim3A_32 : vector<16xf32> to vector<1x16xf32>
    tpu.vector_store %arg16[%swap3A_663, %swap3A_664], %swap3A_667 {strides = array<i32>} : memref<16x128xf32, #tpu.memory_space<vmem>>, vector<1x16xf32>,
    %swap3A_668 = arith.constant 13 : i32
    %swap3A_669 = arith.index_cast %swap3A_668 : i32 to index
    %swap3A_670 = arith.constant 32 : index
    %swap3A_671 = tpu.vector_load %arg16[%swap3A_669, %swap3A_670] {strides = array<i32>} : memref<16x128xf32, #tpu.memory_space<vmem>>, vector<1x16xf32>,
    %swap3A_672 = vector.shape_cast %swap3A_671 : vector<1x16xf32> to vector<16xf32>
    %swap3A_673 = vector.shape_cast %broadcast_in_dim3A_32 : vector<16xf32> to vector<1x16xf32>
    tpu.vector_store %arg16[%swap3A_669, %swap3A_670], %swap3A_673 {strides = array<i32>} : memref<16x128xf32, #tpu.memory_space<vmem>>, vector<1x16xf32>,
    %swap3A_674 = arith.constant 13 : i32
    %swap3A_675 = arith.index_cast %swap3A_674 : i32 to index
    %swap3A_676 = arith.constant 48 : index
    %swap3A_677 = tpu.vector_load %arg16[%swap3A_675, %swap3A_676] {strides = array<i32>} : memref<16x128xf32, #tpu.memory_space<vmem>>, vector<1x16xf32>,
    %swap3A_678 = vector.shape_cast %swap3A_677 : vector<1x16xf32> to vector<16xf32>
    %swap3A_679 = vector.shape_cast %broadcast_in_dim3A_32 : vector<16xf32> to vector<1x16xf32>
    tpu.vector_store %arg16[%swap3A_675, %swap3A_676], %swap3A_679 {strides = array<i32>} : memref<16x128xf32, #tpu.memory_space<vmem>>, vector<1x16xf32>,
    %swap3A_680 = arith.constant 13 : i32
    %swap3A_681 = arith.index_cast %swap3A_680 : i32 to index
    %swap3A_682 = arith.constant 64 : index
    %swap3A_683 = tpu.vector_load %arg16[%swap3A_681, %swap3A_682] {strides = array<i32>} : memref<16x128xf32, #tpu.memory_space<vmem>>, vector<1x16xf32>,
    %swap3A_684 = vector.shape_cast %swap3A_683 : vector<1x16xf32> to vector<16xf32>
    %swap3A_685 = vector.shape_cast %broadcast_in_dim3A_32 : vector<16xf32> to vector<1x16xf32>
    tpu.vector_store %arg16[%swap3A_681, %swap3A_682], %swap3A_685 {strides = array<i32>} : memref<16x128xf32, #tpu.memory_space<vmem>>, vector<1x16xf32>,
    %swap3A_686 = arith.constant 13 : i32
    %swap3A_687 = arith.index_cast %swap3A_686 : i32 to index
    %swap3A_688 = arith.constant 80 : index
    %swap3A_689 = tpu.vector_load %arg16[%swap3A_687, %swap3A_688] {strides = array<i32>} : memref<16x128xf32, #tpu.memory_space<vmem>>, vector<1x16xf32>,
    %swap3A_690 = vector.shape_cast %swap3A_689 : vector<1x16xf32> to vector<16xf32>
    %swap3A_691 = vector.shape_cast %broadcast_in_dim3A_32 : vector<16xf32> to vector<1x16xf32>
    tpu.vector_store %arg16[%swap3A_687, %swap3A_688], %swap3A_691 {strides = array<i32>} : memref<16x128xf32, #tpu.memory_space<vmem>>, vector<1x16xf32>,
    %swap3A_692 = arith.constant 13 : i32
    %swap3A_693 = arith.index_cast %swap3A_692 : i32 to index
    %swap3A_694 = arith.constant 96 : index
    %swap3A_695 = tpu.vector_load %arg16[%swap3A_693, %swap3A_694] {strides = array<i32>} : memref<16x128xf32, #tpu.memory_space<vmem>>, vector<1x16xf32>,
    %swap3A_696 = vector.shape_cast %swap3A_695 : vector<1x16xf32> to vector<16xf32>
    %swap3A_697 = vector.shape_cast %broadcast_in_dim3A_32 : vector<16xf32> to vector<1x16xf32>
    tpu.vector_store %arg16[%swap3A_693, %swap3A_694], %swap3A_697 {strides = array<i32>} : memref<16x128xf32, #tpu.memory_space<vmem>>, vector<1x16xf32>,
    %swap3A_698 = arith.constant 13 : i32
    %swap3A_699 = arith.index_cast %swap3A_698 : i32 to index
    %swap3A_700 = arith.constant 112 : index
    %swap3A_701 = tpu.vector_load %arg16[%swap3A_699, %swap3A_700] {strides = array<i32>} : memref<16x128xf32, #tpu.memory_space<vmem>>, vector<1x16xf32>,
    %swap3A_702 = vector.shape_cast %swap3A_701 : vector<1x16xf32> to vector<16xf32>
    %swap3A_703 = vector.shape_cast %broadcast_in_dim3A_32 : vector<16xf32> to vector<1x16xf32>
    tpu.vector_store %arg16[%swap3A_699, %swap3A_700], %swap3A_703 {strides = array<i32>} : memref<16x128xf32, #tpu.memory_space<vmem>>, vector<1x16xf32>,
    %swap3A_704 = arith.constant 14 : i32
    %swap3A_705 = arith.index_cast %swap3A_704 : i32 to index
    %swap3A_706 = arith.constant 0 : index
    %swap3A_707 = tpu.vector_load %arg16[%swap3A_705, %swap3A_706] {strides = array<i32>} : memref<16x128xf32, #tpu.memory_space<vmem>>, vector<1x16xf32>,
    %swap3A_708 = vector.shape_cast %swap3A_707 : vector<1x16xf32> to vector<16xf32>
    %swap3A_709 = vector.shape_cast %broadcast_in_dim3A_32 : vector<16xf32> to vector<1x16xf32>
    tpu.vector_store %arg16[%swap3A_705, %swap3A_706], %swap3A_709 {strides = array<i32>} : memref<16x128xf32, #tpu.memory_space<vmem>>, vector<1x16xf32>,
    %swap3A_710 = arith.constant 14 : i32
    %swap3A_711 = arith.index_cast %swap3A_710 : i32 to index
    %swap3A_712 = arith.constant 16 : index
    %swap3A_713 = tpu.vector_load %arg16[%swap3A_711, %swap3A_712] {strides = array<i32>} : memref<16x128xf32, #tpu.memory_space<vmem>>, vector<1x16xf32>,
    %swap3A_714 = vector.shape_cast %swap3A_713 : vector<1x16xf32> to vector<16xf32>
    %swap3A_715 = vector.shape_cast %broadcast_in_dim3A_32 : vector<16xf32> to vector<1x16xf32>
    tpu.vector_store %arg16[%swap3A_711, %swap3A_712], %swap3A_715 {strides = array<i32>} : memref<16x128xf32, #tpu.memory_space<vmem>>, vector<1x16xf32>,
    %swap3A_716 = arith.constant 14 : i32
    %swap3A_717 = arith.index_cast %swap3A_716 : i32 to index
    %swap3A_718 = arith.constant 32 : index
    %swap3A_719 = tpu.vector_load %arg16[%swap3A_717, %swap3A_718] {strides = array<i32>} : memref<16x128xf32, #tpu.memory_space<vmem>>, vector<1x16xf32>,
    %swap3A_720 = vector.shape_cast %swap3A_719 : vector<1x16xf32> to vector<16xf32>
    %swap3A_721 = vector.shape_cast %broadcast_in_dim3A_32 : vector<16xf32> to vector<1x16xf32>
    tpu.vector_store %arg16[%swap3A_717, %swap3A_718], %swap3A_721 {strides = array<i32>} : memref<16x128xf32, #tpu.memory_space<vmem>>, vector<1x16xf32>,
    %swap3A_722 = arith.constant 14 : i32
    %swap3A_723 = arith.index_cast %swap3A_722 : i32 to index
    %swap3A_724 = arith.constant 48 : index
    %swap3A_725 = tpu.vector_load %arg16[%swap3A_723, %swap3A_724] {strides = array<i32>} : memref<16x128xf32, #tpu.memory_space<vmem>>, vector<1x16xf32>,
    %swap3A_726 = vector.shape_cast %swap3A_725 : vector<1x16xf32> to vector<16xf32>
    %swap3A_727 = vector.shape_cast %broadcast_in_dim3A_32 : vector<16xf32> to vector<1x16xf32>
    tpu.vector_store %arg16[%swap3A_723, %swap3A_724], %swap3A_727 {strides = array<i32>} : memref<16x128xf32, #tpu.memory_space<vmem>>, vector<1x16xf32>,
    %swap3A_728 = arith.constant 14 : i32
    %swap3A_729 = arith.index_cast %swap3A_728 : i32 to index
    %swap3A_730 = arith.constant 64 : index
    %swap3A_731 = tpu.vector_load %arg16[%swap3A_729, %swap3A_730] {strides = array<i32>} : memref<16x128xf32, #tpu.memory_space<vmem>>, vector<1x16xf32>,
    %swap3A_732 = vector.shape_cast %swap3A_731 : vector<1x16xf32> to vector<16xf32>
    %swap3A_733 = vector.shape_cast %broadcast_in_dim3A_32 : vector<16xf32> to vector<1x16xf32>
    tpu.vector_store %arg16[%swap3A_729, %swap3A_730], %swap3A_733 {strides = array<i32>} : memref<16x128xf32, #tpu.memory_space<vmem>>, vector<1x16xf32>,
    %swap3A_734 = arith.constant 14 : i32
    %swap3A_735 = arith.index_cast %swap3A_734 : i32 to index
    %swap3A_736 = arith.constant 80 : index
    %swap3A_737 = tpu.vector_load %arg16[%swap3A_735, %swap3A_736] {strides = array<i32>} : memref<16x128xf32, #tpu.memory_space<vmem>>, vector<1x16xf32>,
    %swap3A_738 = vector.shape_cast %swap3A_737 : vector<1x16xf32> to vector<16xf32>
    %swap3A_739 = vector.shape_cast %broadcast_in_dim3A_32 : vector<16xf32> to vector<1x16xf32>
    tpu.vector_store %arg16[%swap3A_735, %swap3A_736], %swap3A_739 {strides = array<i32>} : memref<16x128xf32, #tpu.memory_space<vmem>>, vector<1x16xf32>,
    %swap3A_740 = arith.constant 14 : i32
    %swap3A_741 = arith.index_cast %swap3A_740 : i32 to index
    %swap3A_742 = arith.constant 96 : index
    %swap3A_743 = tpu.vector_load %arg16[%swap3A_741, %swap3A_742] {strides = array<i32>} : memref<16x128xf32, #tpu.memory_space<vmem>>, vector<1x16xf32>,
    %swap3A_744 = vector.shape_cast %swap3A_743 : vector<1x16xf32> to vector<16xf32>
    %swap3A_745 = vector.shape_cast %broadcast_in_dim3A_32 : vector<16xf32> to vector<1x16xf32>
    tpu.vector_store %arg16[%swap3A_741, %swap3A_742], %swap3A_745 {strides = array<i32>} : memref<16x128xf32, #tpu.memory_space<vmem>>, vector<1x16xf32>,
    %swap3A_746 = arith.constant 14 : i32
    %swap3A_747 = arith.index_cast %swap3A_746 : i32 to index
    %swap3A_748 = arith.constant 112 : index
    %swap3A_749 = tpu.vector_load %arg16[%swap3A_747, %swap3A_748] {strides = array<i32>} : memref<16x128xf32, #tpu.memory_space<vmem>>, vector<1x16xf32>,
    %swap3A_750 = vector.shape_cast %swap3A_749 : vector<1x16xf32> to vector<16xf32>
    %swap3A_751 = vector.shape_cast %broadcast_in_dim3A_32 : vector<16xf32> to vector<1x16xf32>
    tpu.vector_store %arg16[%swap3A_747, %swap3A_748], %swap3A_751 {strides = array<i32>} : memref<16x128xf32, #tpu.memory_space<vmem>>, vector<1x16xf32>,
    %swap3A_752 = arith.constant 15 : i32
    %swap3A_753 = arith.index_cast %swap3A_752 : i32 to index
    %swap3A_754 = arith.constant 0 : index
    %swap3A_755 = tpu.vector_load %arg16[%swap3A_753, %swap3A_754] {strides = array<i32>} : memref<16x128xf32, #tpu.memory_space<vmem>>, vector<1x16xf32>,
    %swap3A_756 = vector.shape_cast %swap3A_755 : vector<1x16xf32> to vector<16xf32>
    %swap3A_757 = vector.shape_cast %broadcast_in_dim3A_32 : vector<16xf32> to vector<1x16xf32>
    tpu.vector_store %arg16[%swap3A_753, %swap3A_754], %swap3A_757 {strides = array<i32>} : memref<16x128xf32, #tpu.memory_space<vmem>>, vector<1x16xf32>,
    %swap3A_758 = arith.constant 15 : i32
    %swap3A_759 = arith.index_cast %swap3A_758 : i32 to index
    %swap3A_760 = arith.constant 16 : index
    %swap3A_761 = tpu.vector_load %arg16[%swap3A_759, %swap3A_760] {strides = array<i32>} : memref<16x128xf32, #tpu.memory_space<vmem>>, vector<1x16xf32>,
    %swap3A_762 = vector.shape_cast %swap3A_761 : vector<1x16xf32> to vector<16xf32>
    %swap3A_763 = vector.shape_cast %broadcast_in_dim3A_32 : vector<16xf32> to vector<1x16xf32>
    tpu.vector_store %arg16[%swap3A_759, %swap3A_760], %swap3A_763 {strides = array<i32>} : memref<16x128xf32, #tpu.memory_space<vmem>>, vector<1x16xf32>,
    %swap3A_764 = arith.constant 15 : i32
    %swap3A_765 = arith.index_cast %swap3A_764 : i32 to index
    %swap3A_766 = arith.constant 32 : index
    %swap3A_767 = tpu.vector_load %arg16[%swap3A_765, %swap3A_766] {strides = array<i32>} : memref<16x128xf32, #tpu.memory_space<vmem>>, vector<1x16xf32>,
    %swap3A_768 = vector.shape_cast %swap3A_767 : vector<1x16xf32> to vector<16xf32>
    %swap3A_769 = vector.shape_cast %broadcast_in_dim3A_32 : vector<16xf32> to vector<1x16xf32>
    tpu.vector_store %arg16[%swap3A_765, %swap3A_766], %swap3A_769 {strides = array<i32>} : memref<16x128xf32, #tpu.memory_space<vmem>>, vector<1x16xf32>,
    %swap3A_770 = arith.constant 15 : i32
    %swap3A_771 = arith.index_cast %swap3A_770 : i32 to index
    %swap3A_772 = arith.constant 48 : index
    %swap3A_773 = tpu.vector_load %arg16[%swap3A_771, %swap3A_772] {strides = array<i32>} : memref<16x128xf32, #tpu.memory_space<vmem>>, vector<1x16xf32>,
    %swap3A_774 = vector.shape_cast %swap3A_773 : vector<1x16xf32> to vector<16xf32>
    %swap3A_775 = vector.shape_cast %broadcast_in_dim3A_32 : vector<16xf32> to vector<1x16xf32>
    tpu.vector_store %arg16[%swap3A_771, %swap3A_772], %swap3A_775 {strides = array<i32>} : memref<16x128xf32, #tpu.memory_space<vmem>>, vector<1x16xf32>,
    %swap3A_776 = arith.constant 15 : i32
    %swap3A_777 = arith.index_cast %swap3A_776 : i32 to index
    %swap3A_778 = arith.constant 64 : index
    %swap3A_779 = tpu.vector_load %arg16[%swap3A_777, %swap3A_778] {strides = array<i32>} : memref<16x128xf32, #tpu.memory_space<vmem>>, vector<1x16xf32>,
    %swap3A_780 = vector.shape_cast %swap3A_779 : vector<1x16xf32> to vector<16xf32>
    %swap3A_781 = vector.shape_cast %broadcast_in_dim3A_32 : vector<16xf32> to vector<1x16xf32>
    tpu.vector_store %arg16[%swap3A_777, %swap3A_778], %swap3A_781 {strides = array<i32>} : memref<16x128xf32, #tpu.memory_space<vmem>>, vector<1x16xf32>,
    %swap3A_782 = arith.constant 15 : i32
    %swap3A_783 = arith.index_cast %swap3A_782 : i32 to index
    %swap3A_784 = arith.constant 80 : index
    %swap3A_785 = tpu.vector_load %arg16[%swap3A_783, %swap3A_784] {strides = array<i32>} : memref<16x128xf32, #tpu.memory_space<vmem>>, vector<1x16xf32>,
    %swap3A_786 = vector.shape_cast %swap3A_785 : vector<1x16xf32> to vector<16xf32>
    %swap3A_787 = vector.shape_cast %broadcast_in_dim3A_32 : vector<16xf32> to vector<1x16xf32>
    tpu.vector_store %arg16[%swap3A_783, %swap3A_784], %swap3A_787 {strides = array<i32>} : memref<16x128xf32, #tpu.memory_space<vmem>>, vector<1x16xf32>,
    %swap3A_788 = arith.constant 15 : i32
    %swap3A_789 = arith.index_cast %swap3A_788 : i32 to index
    %swap3A_790 = arith.constant 96 : index
    %swap3A_791 = tpu.vector_load %arg16[%swap3A_789, %swap3A_790] {strides = array<i32>} : memref<16x128xf32, #tpu.memory_space<vmem>>, vector<1x16xf32>,
    %swap3A_792 = vector.shape_cast %swap3A_791 : vector<1x16xf32> to vector<16xf32>
    %swap3A_793 = vector.shape_cast %broadcast_in_dim3A_32 : vector<16xf32> to vector<1x16xf32>
    tpu.vector_store %arg16[%swap3A_789, %swap3A_790], %swap3A_793 {strides = array<i32>} : memref<16x128xf32, #tpu.memory_space<vmem>>, vector<1x16xf32>,
    %swap3A_794 = arith.constant 15 : i32
    %swap3A_795 = arith.index_cast %swap3A_794 : i32 to index
    %swap3A_796 = arith.constant 112 : index
    %swap3A_797 = tpu.vector_load %arg16[%swap3A_795, %swap3A_796] {strides = array<i32>} : memref<16x128xf32, #tpu.memory_space<vmem>>, vector<1x16xf32>,
    %swap3A_798 = vector.shape_cast %swap3A_797 : vector<1x16xf32> to vector<16xf32>
    %swap3A_799 = vector.shape_cast %broadcast_in_dim3A_32 : vector<16xf32> to vector<1x16xf32>
    tpu.vector_store %arg16[%swap3A_795, %swap3A_796], %swap3A_799 {strides = array<i32>} : memref<16x128xf32, #tpu.memory_space<vmem>>, vector<1x16xf32>,
    %mul3A_800 = arith.constant 624 : i32
    %mul3A_801 = arith.muli %arg1, %mul3A_800 : i32
    %multiple_of3A_802 = tpu.assume_multiple %mul3A_801, 8 : i32
    %lt3A = arith.constant 15 : i32
    %lt3A_803 = arith.cmpi slt, %arg1, %lt3A : i32
    %convert_element_type3A = arith.extui %lt3A_803 : i1 to i32
    %cond3A = arith.constant 0 : i32
    %cond3A_804 = arith.cmpi ne, %convert_element_type3A, %cond3A : i32
    scf.if %cond3A_804 {
      %add3A_848 = arith.constant 0 : i32
      %add3A_849 = arith.addi %multiple_of3A_802, %add3A_848 : i32
      %dma_start3A_850 = arith.constant 0 : i32
      %dma_start3A_851 = tpu.memref_slice %arg6[%add3A_849, %dma_start3A_850] : memref<10000x128xf32, #tpu.memory_space<vmem_shared>> -> memref<16x128xf32, #tpu.memory_space<vmem_shared>>
      %dma_start3A_852 = arith.constant 0 : i32
      %dma_start3A_853 = tpu.memref_slice %arg6[%add3A_849, %dma_start3A_852] : memref<10000x128xf32, #tpu.memory_space<vmem_shared>> -> memref<16x128xf32, #tpu.memory_space<vmem_shared>>
      tpu.enqueue_dma source(%arg16 : memref<16x128xf32, #tpu.memory_space<vmem>>) target(%dma_start3A_853 : memref<16x128xf32, #tpu.memory_space<vmem_shared>>) target_semaphore(%arg21 : memref<!tpu.dma_semaphore, #tpu.memory_space<semaphore_mem>>)
      %add3A_854 = arith.constant 16 : i32
      %add3A_855 = arith.addi %multiple_of3A_802, %add3A_854 : i32
      %dma_start3A_856 = arith.constant 0 : i32
      %dma_start3A_857 = tpu.memref_slice %arg6[%add3A_855, %dma_start3A_856] : memref<10000x128xf32, #tpu.memory_space<vmem_shared>> -> memref<16x128xf32, #tpu.memory_space<vmem_shared>>
      %dma_start3A_858 = arith.constant 0 : i32
      %dma_start3A_859 = tpu.memref_slice %arg6[%add3A_855, %dma_start3A_858] : memref<10000x128xf32, #tpu.memory_space<vmem_shared>> -> memref<16x128xf32, #tpu.memory_space<vmem_shared>>
      tpu.enqueue_dma source(%arg16 : memref<16x128xf32, #tpu.memory_space<vmem>>) target(%dma_start3A_859 : memref<16x128xf32, #tpu.memory_space<vmem_shared>>) target_semaphore(%arg21 : memref<!tpu.dma_semaphore, #tpu.memory_space<semaphore_mem>>)
      %add3A_860 = arith.constant 32 : i32
      %add3A_861 = arith.addi %multiple_of3A_802, %add3A_860 : i32
      %dma_start3A_862 = arith.constant 0 : i32
      %dma_start3A_863 = tpu.memref_slice %arg6[%add3A_861, %dma_start3A_862] : memref<10000x128xf32, #tpu.memory_space<vmem_shared>> -> memref<16x128xf32, #tpu.memory_space<vmem_shared>>
      %dma_start3A_864 = arith.constant 0 : i32
      %dma_start3A_865 = tpu.memref_slice %arg6[%add3A_861, %dma_start3A_864] : memref<10000x128xf32, #tpu.memory_space<vmem_shared>> -> memref<16x128xf32, #tpu.memory_space<vmem_shared>>
      tpu.enqueue_dma source(%arg16 : memref<16x128xf32, #tpu.memory_space<vmem>>) target(%dma_start3A_865 : memref<16x128xf32, #tpu.memory_space<vmem_shared>>) target_semaphore(%arg21 : memref<!tpu.dma_semaphore, #tpu.memory_space<semaphore_mem>>)
      %add3A_866 = arith.constant 48 : i32
      %add3A_867 = arith.addi %multiple_of3A_802, %add3A_866 : i32
      %dma_start3A_868 = arith.constant 0 : i32
      %dma_start3A_869 = tpu.memref_slice %arg6[%add3A_867, %dma_start3A_868] : memref<10000x128xf32, #tpu.memory_space<vmem_shared>> -> memref<16x128xf32, #tpu.memory_space<vmem_shared>>
      %dma_start3A_870 = arith.constant 0 : i32
      %dma_start3A_871 = tpu.memref_slice %arg6[%add3A_867, %dma_start3A_870] : memref<10000x128xf32, #tpu.memory_space<vmem_shared>> -> memref<16x128xf32, #tpu.memory_space<vmem_shared>>
      tpu.enqueue_dma source(%arg16 : memref<16x128xf32, #tpu.memory_space<vmem>>) target(%dma_start3A_871 : memref<16x128xf32, #tpu.memory_space<vmem_shared>>) target_semaphore(%arg21 : memref<!tpu.dma_semaphore, #tpu.memory_space<semaphore_mem>>)
      %add3A_872 = arith.constant 64 : i32
      %add3A_873 = arith.addi %multiple_of3A_802, %add3A_872 : i32
      %dma_start3A_874 = arith.constant 0 : i32
      %dma_start3A_875 = tpu.memref_slice %arg6[%add3A_873, %dma_start3A_874] : memref<10000x128xf32, #tpu.memory_space<vmem_shared>> -> memref<16x128xf32, #tpu.memory_space<vmem_shared>>
      %dma_start3A_876 = arith.constant 0 : i32
      %dma_start3A_877 = tpu.memref_slice %arg6[%add3A_873, %dma_start3A_876] : memref<10000x128xf32, #tpu.memory_space<vmem_shared>> -> memref<16x128xf32, #tpu.memory_space<vmem_shared>>
      tpu.enqueue_dma source(%arg16 : memref<16x128xf32, #tpu.memory_space<vmem>>) target(%dma_start3A_877 : memref<16x128xf32, #tpu.memory_space<vmem_shared>>) target_semaphore(%arg21 : memref<!tpu.dma_semaphore, #tpu.memory_space<semaphore_mem>>)
      %add3A_878 = arith.constant 80 : i32
      %add3A_879 = arith.addi %multiple_of3A_802, %add3A_878 : i32
      %dma_start3A_880 = arith.constant 0 : i32
      %dma_start3A_881 = tpu.memref_slice %arg6[%add3A_879, %dma_start3A_880] : memref<10000x128xf32, #tpu.memory_space<vmem_shared>> -> memref<16x128xf32, #tpu.memory_space<vmem_shared>>
      %dma_start3A_882 = arith.constant 0 : i32
      %dma_start3A_883 = tpu.memref_slice %arg6[%add3A_879, %dma_start3A_882] : memref<10000x128xf32, #tpu.memory_space<vmem_shared>> -> memref<16x128xf32, #tpu.memory_space<vmem_shared>>
      tpu.enqueue_dma source(%arg16 : memref<16x128xf32, #tpu.memory_space<vmem>>) target(%dma_start3A_883 : memref<16x128xf32, #tpu.memory_space<vmem_shared>>) target_semaphore(%arg21 : memref<!tpu.dma_semaphore, #tpu.memory_space<semaphore_mem>>)
      %add3A_884 = arith.constant 96 : i32
      %add3A_885 = arith.addi %multiple_of3A_802, %add3A_884 : i32
      %dma_start3A_886 = arith.constant 0 : i32
      %dma_start3A_887 = tpu.memref_slice %arg6[%add3A_885, %dma_start3A_886] : memref<10000x128xf32, #tpu.memory_space<vmem_shared>> -> memref<16x128xf32, #tpu.memory_space<vmem_shared>>
      %dma_start3A_888 = arith.constant 0 : i32
      %dma_start3A_889 = tpu.memref_slice %arg6[%add3A_885, %dma_start3A_888] : memref<10000x128xf32, #tpu.memory_space<vmem_shared>> -> memref<16x128xf32, #tpu.memory_space<vmem_shared>>
      tpu.enqueue_dma source(%arg16 : memref<16x128xf32, #tpu.memory_space<vmem>>) target(%dma_start3A_889 : memref<16x128xf32, #tpu.memory_space<vmem_shared>>) target_semaphore(%arg21 : memref<!tpu.dma_semaphore, #tpu.memory_space<semaphore_mem>>)
      %add3A_890 = arith.constant 112 : i32
      %add3A_891 = arith.addi %multiple_of3A_802, %add3A_890 : i32
      %dma_start3A_892 = arith.constant 0 : i32
      %dma_start3A_893 = tpu.memref_slice %arg6[%add3A_891, %dma_start3A_892] : memref<10000x128xf32, #tpu.memory_space<vmem_shared>> -> memref<16x128xf32, #tpu.memory_space<vmem_shared>>
      %dma_start3A_894 = arith.constant 0 : i32
      %dma_start3A_895 = tpu.memref_slice %arg6[%add3A_891, %dma_start3A_894] : memref<10000x128xf32, #tpu.memory_space<vmem_shared>> -> memref<16x128xf32, #tpu.memory_space<vmem_shared>>
      tpu.enqueue_dma source(%arg16 : memref<16x128xf32, #tpu.memory_space<vmem>>) target(%dma_start3A_895 : memref<16x128xf32, #tpu.memory_space<vmem_shared>>) target_semaphore(%arg21 : memref<!tpu.dma_semaphore, #tpu.memory_space<semaphore_mem>>)
      %add3A_896 = arith.constant 128 : i32
      %add3A_897 = arith.addi %multiple_of3A_802, %add3A_896 : i32
      %dma_start3A_898 = arith.constant 0 : i32
      %dma_start3A_899 = tpu.memref_slice %arg6[%add3A_897, %dma_start3A_898] : memref<10000x128xf32, #tpu.memory_space<vmem_shared>> -> memref<16x128xf32, #tpu.memory_space<vmem_shared>>
      %dma_start3A_900 = arith.constant 0 : i32
      %dma_start3A_901 = tpu.memref_slice %arg6[%add3A_897, %dma_start3A_900] : memref<10000x128xf32, #tpu.memory_space<vmem_shared>> -> memref<16x128xf32, #tpu.memory_space<vmem_shared>>
      tpu.enqueue_dma source(%arg16 : memref<16x128xf32, #tpu.memory_space<vmem>>) target(%dma_start3A_901 : memref<16x128xf32, #tpu.memory_space<vmem_shared>>) target_semaphore(%arg21 : memref<!tpu.dma_semaphore, #tpu.memory_space<semaphore_mem>>)
      %add3A_902 = arith.constant 144 : i32
      %add3A_903 = arith.addi %multiple_of3A_802, %add3A_902 : i32
      %dma_start3A_904 = arith.constant 0 : i32
      %dma_start3A_905 = tpu.memref_slice %arg6[%add3A_903, %dma_start3A_904] : memref<10000x128xf32, #tpu.memory_space<vmem_shared>> -> memref<16x128xf32, #tpu.memory_space<vmem_shared>>
      %dma_start3A_906 = arith.constant 0 : i32
      %dma_start3A_907 = tpu.memref_slice %arg6[%add3A_903, %dma_start3A_906] : memref<10000x128xf32, #tpu.memory_space<vmem_shared>> -> memref<16x128xf32, #tpu.memory_space<vmem_shared>>
      tpu.enqueue_dma source(%arg16 : memref<16x128xf32, #tpu.memory_space<vmem>>) target(%dma_start3A_907 : memref<16x128xf32, #tpu.memory_space<vmem_shared>>) target_semaphore(%arg21 : memref<!tpu.dma_semaphore, #tpu.memory_space<semaphore_mem>>)
      %add3A_908 = arith.constant 160 : i32
      %add3A_909 = arith.addi %multiple_of3A_802, %add3A_908 : i32
      %dma_start3A_910 = arith.constant 0 : i32
      %dma_start3A_911 = tpu.memref_slice %arg6[%add3A_909, %dma_start3A_910] : memref<10000x128xf32, #tpu.memory_space<vmem_shared>> -> memref<16x128xf32, #tpu.memory_space<vmem_shared>>
      %dma_start3A_912 = arith.constant 0 : i32
      %dma_start3A_913 = tpu.memref_slice %arg6[%add3A_909, %dma_start3A_912] : memref<10000x128xf32, #tpu.memory_space<vmem_shared>> -> memref<16x128xf32, #tpu.memory_space<vmem_shared>>
      tpu.enqueue_dma source(%arg16 : memref<16x128xf32, #tpu.memory_space<vmem>>) target(%dma_start3A_913 : memref<16x128xf32, #tpu.memory_space<vmem_shared>>) target_semaphore(%arg21 : memref<!tpu.dma_semaphore, #tpu.memory_space<semaphore_mem>>)
      %add3A_914 = arith.constant 176 : i32
      %add3A_915 = arith.addi %multiple_of3A_802, %add3A_914 : i32
      %dma_start3A_916 = arith.constant 0 : i32
      %dma_start3A_917 = tpu.memref_slice %arg6[%add3A_915, %dma_start3A_916] : memref<10000x128xf32, #tpu.memory_space<vmem_shared>> -> memref<16x128xf32, #tpu.memory_space<vmem_shared>>
      %dma_start3A_918 = arith.constant 0 : i32
      %dma_start3A_919 = tpu.memref_slice %arg6[%add3A_915, %dma_start3A_918] : memref<10000x128xf32, #tpu.memory_space<vmem_shared>> -> memref<16x128xf32, #tpu.memory_space<vmem_shared>>
      tpu.enqueue_dma source(%arg16 : memref<16x128xf32, #tpu.memory_space<vmem>>) target(%dma_start3A_919 : memref<16x128xf32, #tpu.memory_space<vmem_shared>>) target_semaphore(%arg21 : memref<!tpu.dma_semaphore, #tpu.memory_space<semaphore_mem>>)
      %add3A_920 = arith.constant 192 : i32
      %add3A_921 = arith.addi %multiple_of3A_802, %add3A_920 : i32
      %dma_start3A_922 = arith.constant 0 : i32
      %dma_start3A_923 = tpu.memref_slice %arg6[%add3A_921, %dma_start3A_922] : memref<10000x128xf32, #tpu.memory_space<vmem_shared>> -> memref<16x128xf32, #tpu.memory_space<vmem_shared>>
      %dma_start3A_924 = arith.constant 0 : i32
      %dma_start3A_925 = tpu.memref_slice %arg6[%add3A_921, %dma_start3A_924] : memref<10000x128xf32, #tpu.memory_space<vmem_shared>> -> memref<16x128xf32, #tpu.memory_space<vmem_shared>>
      tpu.enqueue_dma source(%arg16 : memref<16x128xf32, #tpu.memory_space<vmem>>) target(%dma_start3A_925 : memref<16x128xf32, #tpu.memory_space<vmem_shared>>) target_semaphore(%arg21 : memref<!tpu.dma_semaphore, #tpu.memory_space<semaphore_mem>>)
      %add3A_926 = arith.constant 208 : i32
      %add3A_927 = arith.addi %multiple_of3A_802, %add3A_926 : i32
      %dma_start3A_928 = arith.constant 0 : i32
      %dma_start3A_929 = tpu.memref_slice %arg6[%add3A_927, %dma_start3A_928] : memref<10000x128xf32, #tpu.memory_space<vmem_shared>> -> memref<16x128xf32, #tpu.memory_space<vmem_shared>>
      %dma_start3A_930 = arith.constant 0 : i32
      %dma_start3A_931 = tpu.memref_slice %arg6[%add3A_927, %dma_start3A_930] : memref<10000x128xf32, #tpu.memory_space<vmem_shared>> -> memref<16x128xf32, #tpu.memory_space<vmem_shared>>
      tpu.enqueue_dma source(%arg16 : memref<16x128xf32, #tpu.memory_space<vmem>>) target(%dma_start3A_931 : memref<16x128xf32, #tpu.memory_space<vmem_shared>>) target_semaphore(%arg21 : memref<!tpu.dma_semaphore, #tpu.memory_space<semaphore_mem>>)
      %add3A_932 = arith.constant 224 : i32
      %add3A_933 = arith.addi %multiple_of3A_802, %add3A_932 : i32
      %dma_start3A_934 = arith.constant 0 : i32
      %dma_start3A_935 = tpu.memref_slice %arg6[%add3A_933, %dma_start3A_934] : memref<10000x128xf32, #tpu.memory_space<vmem_shared>> -> memref<16x128xf32, #tpu.memory_space<vmem_shared>>
      %dma_start3A_936 = arith.constant 0 : i32
      %dma_start3A_937 = tpu.memref_slice %arg6[%add3A_933, %dma_start3A_936] : memref<10000x128xf32, #tpu.memory_space<vmem_shared>> -> memref<16x128xf32, #tpu.memory_space<vmem_shared>>
      tpu.enqueue_dma source(%arg16 : memref<16x128xf32, #tpu.memory_space<vmem>>) target(%dma_start3A_937 : memref<16x128xf32, #tpu.memory_space<vmem_shared>>) target_semaphore(%arg21 : memref<!tpu.dma_semaphore, #tpu.memory_space<semaphore_mem>>)
      %add3A_938 = arith.constant 240 : i32
      %add3A_939 = arith.addi %multiple_of3A_802, %add3A_938 : i32
      %dma_start3A_940 = arith.constant 0 : i32
      %dma_start3A_941 = tpu.memref_slice %arg6[%add3A_939, %dma_start3A_940] : memref<10000x128xf32, #tpu.memory_space<vmem_shared>> -> memref<16x128xf32, #tpu.memory_space<vmem_shared>>
      %dma_start3A_942 = arith.constant 0 : i32
      %dma_start3A_943 = tpu.memref_slice %arg6[%add3A_939, %dma_start3A_942] : memref<10000x128xf32, #tpu.memory_space<vmem_shared>> -> memref<16x128xf32, #tpu.memory_space<vmem_shared>>
      tpu.enqueue_dma source(%arg16 : memref<16x128xf32, #tpu.memory_space<vmem>>) target(%dma_start3A_943 : memref<16x128xf32, #tpu.memory_space<vmem_shared>>) target_semaphore(%arg21 : memref<!tpu.dma_semaphore, #tpu.memory_space<semaphore_mem>>)
      %add3A_944 = arith.constant 256 : i32
      %add3A_945 = arith.addi %multiple_of3A_802, %add3A_944 : i32
      %dma_start3A_946 = arith.constant 0 : i32
      %dma_start3A_947 = tpu.memref_slice %arg6[%add3A_945, %dma_start3A_946] : memref<10000x128xf32, #tpu.memory_space<vmem_shared>> -> memref<16x128xf32, #tpu.memory_space<vmem_shared>>
      %dma_start3A_948 = arith.constant 0 : i32
      %dma_start3A_949 = tpu.memref_slice %arg6[%add3A_945, %dma_start3A_948] : memref<10000x128xf32, #tpu.memory_space<vmem_shared>> -> memref<16x128xf32, #tpu.memory_space<vmem_shared>>
      tpu.enqueue_dma source(%arg16 : memref<16x128xf32, #tpu.memory_space<vmem>>) target(%dma_start3A_949 : memref<16x128xf32, #tpu.memory_space<vmem_shared>>) target_semaphore(%arg21 : memref<!tpu.dma_semaphore, #tpu.memory_space<semaphore_mem>>)
      %add3A_950 = arith.constant 272 : i32
      %add3A_951 = arith.addi %multiple_of3A_802, %add3A_950 : i32
      %dma_start3A_952 = arith.constant 0 : i32
      %dma_start3A_953 = tpu.memref_slice %arg6[%add3A_951, %dma_start3A_952] : memref<10000x128xf32, #tpu.memory_space<vmem_shared>> -> memref<16x128xf32, #tpu.memory_space<vmem_shared>>
      %dma_start3A_954 = arith.constant 0 : i32
      %dma_start3A_955 = tpu.memref_slice %arg6[%add3A_951, %dma_start3A_954] : memref<10000x128xf32, #tpu.memory_space<vmem_shared>> -> memref<16x128xf32, #tpu.memory_space<vmem_shared>>
      tpu.enqueue_dma source(%arg16 : memref<16x128xf32, #tpu.memory_space<vmem>>) target(%dma_start3A_955 : memref<16x128xf32, #tpu.memory_space<vmem_shared>>) target_semaphore(%arg21 : memref<!tpu.dma_semaphore, #tpu.memory_space<semaphore_mem>>)
      %add3A_956 = arith.constant 288 : i32
      %add3A_957 = arith.addi %multiple_of3A_802, %add3A_956 : i32
      %dma_start3A_958 = arith.constant 0 : i32
      %dma_start3A_959 = tpu.memref_slice %arg6[%add3A_957, %dma_start3A_958] : memref<10000x128xf32, #tpu.memory_space<vmem_shared>> -> memref<16x128xf32, #tpu.memory_space<vmem_shared>>
      %dma_start3A_960 = arith.constant 0 : i32
      %dma_start3A_961 = tpu.memref_slice %arg6[%add3A_957, %dma_start3A_960] : memref<10000x128xf32, #tpu.memory_space<vmem_shared>> -> memref<16x128xf32, #tpu.memory_space<vmem_shared>>
      tpu.enqueue_dma source(%arg16 : memref<16x128xf32, #tpu.memory_space<vmem>>) target(%dma_start3A_961 : memref<16x128xf32, #tpu.memory_space<vmem_shared>>) target_semaphore(%arg21 : memref<!tpu.dma_semaphore, #tpu.memory_space<semaphore_mem>>)
      %add3A_962 = arith.constant 304 : i32
      %add3A_963 = arith.addi %multiple_of3A_802, %add3A_962 : i32
      %dma_start3A_964 = arith.constant 0 : i32
      %dma_start3A_965 = tpu.memref_slice %arg6[%add3A_963, %dma_start3A_964] : memref<10000x128xf32, #tpu.memory_space<vmem_shared>> -> memref<16x128xf32, #tpu.memory_space<vmem_shared>>
      %dma_start3A_966 = arith.constant 0 : i32
      %dma_start3A_967 = tpu.memref_slice %arg6[%add3A_963, %dma_start3A_966] : memref<10000x128xf32, #tpu.memory_space<vmem_shared>> -> memref<16x128xf32, #tpu.memory_space<vmem_shared>>
      tpu.enqueue_dma source(%arg16 : memref<16x128xf32, #tpu.memory_space<vmem>>) target(%dma_start3A_967 : memref<16x128xf32, #tpu.memory_space<vmem_shared>>) target_semaphore(%arg21 : memref<!tpu.dma_semaphore, #tpu.memory_space<semaphore_mem>>)
      %add3A_968 = arith.constant 320 : i32
      %add3A_969 = arith.addi %multiple_of3A_802, %add3A_968 : i32
      %dma_start3A_970 = arith.constant 0 : i32
      %dma_start3A_971 = tpu.memref_slice %arg6[%add3A_969, %dma_start3A_970] : memref<10000x128xf32, #tpu.memory_space<vmem_shared>> -> memref<16x128xf32, #tpu.memory_space<vmem_shared>>
      %dma_start3A_972 = arith.constant 0 : i32
      %dma_start3A_973 = tpu.memref_slice %arg6[%add3A_969, %dma_start3A_972] : memref<10000x128xf32, #tpu.memory_space<vmem_shared>> -> memref<16x128xf32, #tpu.memory_space<vmem_shared>>
      tpu.enqueue_dma source(%arg16 : memref<16x128xf32, #tpu.memory_space<vmem>>) target(%dma_start3A_973 : memref<16x128xf32, #tpu.memory_space<vmem_shared>>) target_semaphore(%arg21 : memref<!tpu.dma_semaphore, #tpu.memory_space<semaphore_mem>>)
      %add3A_974 = arith.constant 336 : i32
      %add3A_975 = arith.addi %multiple_of3A_802, %add3A_974 : i32
      %dma_start3A_976 = arith.constant 0 : i32
      %dma_start3A_977 = tpu.memref_slice %arg6[%add3A_975, %dma_start3A_976] : memref<10000x128xf32, #tpu.memory_space<vmem_shared>> -> memref<16x128xf32, #tpu.memory_space<vmem_shared>>
      %dma_start3A_978 = arith.constant 0 : i32
      %dma_start3A_979 = tpu.memref_slice %arg6[%add3A_975, %dma_start3A_978] : memref<10000x128xf32, #tpu.memory_space<vmem_shared>> -> memref<16x128xf32, #tpu.memory_space<vmem_shared>>
      tpu.enqueue_dma source(%arg16 : memref<16x128xf32, #tpu.memory_space<vmem>>) target(%dma_start3A_979 : memref<16x128xf32, #tpu.memory_space<vmem_shared>>) target_semaphore(%arg21 : memref<!tpu.dma_semaphore, #tpu.memory_space<semaphore_mem>>)
      %add3A_980 = arith.constant 352 : i32
      %add3A_981 = arith.addi %multiple_of3A_802, %add3A_980 : i32
      %dma_start3A_982 = arith.constant 0 : i32
      %dma_start3A_983 = tpu.memref_slice %arg6[%add3A_981, %dma_start3A_982] : memref<10000x128xf32, #tpu.memory_space<vmem_shared>> -> memref<16x128xf32, #tpu.memory_space<vmem_shared>>
      %dma_start3A_984 = arith.constant 0 : i32
      %dma_start3A_985 = tpu.memref_slice %arg6[%add3A_981, %dma_start3A_984] : memref<10000x128xf32, #tpu.memory_space<vmem_shared>> -> memref<16x128xf32, #tpu.memory_space<vmem_shared>>
      tpu.enqueue_dma source(%arg16 : memref<16x128xf32, #tpu.memory_space<vmem>>) target(%dma_start3A_985 : memref<16x128xf32, #tpu.memory_space<vmem_shared>>) target_semaphore(%arg21 : memref<!tpu.dma_semaphore, #tpu.memory_space<semaphore_mem>>)
      %add3A_986 = arith.constant 368 : i32
      %add3A_987 = arith.addi %multiple_of3A_802, %add3A_986 : i32
      %dma_start3A_988 = arith.constant 0 : i32
      %dma_start3A_989 = tpu.memref_slice %arg6[%add3A_987, %dma_start3A_988] : memref<10000x128xf32, #tpu.memory_space<vmem_shared>> -> memref<16x128xf32, #tpu.memory_space<vmem_shared>>
      %dma_start3A_990 = arith.constant 0 : i32
      %dma_start3A_991 = tpu.memref_slice %arg6[%add3A_987, %dma_start3A_990] : memref<10000x128xf32, #tpu.memory_space<vmem_shared>> -> memref<16x128xf32, #tpu.memory_space<vmem_shared>>
      tpu.enqueue_dma source(%arg16 : memref<16x128xf32, #tpu.memory_space<vmem>>) target(%dma_start3A_991 : memref<16x128xf32, #tpu.memory_space<vmem_shared>>) target_semaphore(%arg21 : memref<!tpu.dma_semaphore, #tpu.memory_space<semaphore_mem>>)
      %add3A_992 = arith.constant 384 : i32
      %add3A_993 = arith.addi %multiple_of3A_802, %add3A_992 : i32
      %dma_start3A_994 = arith.constant 0 : i32
      %dma_start3A_995 = tpu.memref_slice %arg6[%add3A_993, %dma_start3A_994] : memref<10000x128xf32, #tpu.memory_space<vmem_shared>> -> memref<16x128xf32, #tpu.memory_space<vmem_shared>>
      %dma_start3A_996 = arith.constant 0 : i32
      %dma_start3A_997 = tpu.memref_slice %arg6[%add3A_993, %dma_start3A_996] : memref<10000x128xf32, #tpu.memory_space<vmem_shared>> -> memref<16x128xf32, #tpu.memory_space<vmem_shared>>
      tpu.enqueue_dma source(%arg16 : memref<16x128xf32, #tpu.memory_space<vmem>>) target(%dma_start3A_997 : memref<16x128xf32, #tpu.memory_space<vmem_shared>>) target_semaphore(%arg21 : memref<!tpu.dma_semaphore, #tpu.memory_space<semaphore_mem>>)
      %add3A_998 = arith.constant 400 : i32
      %add3A_999 = arith.addi %multiple_of3A_802, %add3A_998 : i32
      %dma_start3A_1000 = arith.constant 0 : i32
      %dma_start3A_1001 = tpu.memref_slice %arg6[%add3A_999, %dma_start3A_1000] : memref<10000x128xf32, #tpu.memory_space<vmem_shared>> -> memref<16x128xf32, #tpu.memory_space<vmem_shared>>
      %dma_start3A_1002 = arith.constant 0 : i32
      %dma_start3A_1003 = tpu.memref_slice %arg6[%add3A_999, %dma_start3A_1002] : memref<10000x128xf32, #tpu.memory_space<vmem_shared>> -> memref<16x128xf32, #tpu.memory_space<vmem_shared>>
      tpu.enqueue_dma source(%arg16 : memref<16x128xf32, #tpu.memory_space<vmem>>) target(%dma_start3A_1003 : memref<16x128xf32, #tpu.memory_space<vmem_shared>>) target_semaphore(%arg21 : memref<!tpu.dma_semaphore, #tpu.memory_space<semaphore_mem>>)
      %add3A_1004 = arith.constant 416 : i32
      %add3A_1005 = arith.addi %multiple_of3A_802, %add3A_1004 : i32
      %dma_start3A_1006 = arith.constant 0 : i32
      %dma_start3A_1007 = tpu.memref_slice %arg6[%add3A_1005, %dma_start3A_1006] : memref<10000x128xf32, #tpu.memory_space<vmem_shared>> -> memref<16x128xf32, #tpu.memory_space<vmem_shared>>
      %dma_start3A_1008 = arith.constant 0 : i32
      %dma_start3A_1009 = tpu.memref_slice %arg6[%add3A_1005, %dma_start3A_1008] : memref<10000x128xf32, #tpu.memory_space<vmem_shared>> -> memref<16x128xf32, #tpu.memory_space<vmem_shared>>
      tpu.enqueue_dma source(%arg16 : memref<16x128xf32, #tpu.memory_space<vmem>>) target(%dma_start3A_1009 : memref<16x128xf32, #tpu.memory_space<vmem_shared>>) target_semaphore(%arg21 : memref<!tpu.dma_semaphore, #tpu.memory_space<semaphore_mem>>)
      %add3A_1010 = arith.constant 432 : i32
      %add3A_1011 = arith.addi %multiple_of3A_802, %add3A_1010 : i32
      %dma_start3A_1012 = arith.constant 0 : i32
      %dma_start3A_1013 = tpu.memref_slice %arg6[%add3A_1011, %dma_start3A_1012] : memref<10000x128xf32, #tpu.memory_space<vmem_shared>> -> memref<16x128xf32, #tpu.memory_space<vmem_shared>>
      %dma_start3A_1014 = arith.constant 0 : i32
      %dma_start3A_1015 = tpu.memref_slice %arg6[%add3A_1011, %dma_start3A_1014] : memref<10000x128xf32, #tpu.memory_space<vmem_shared>> -> memref<16x128xf32, #tpu.memory_space<vmem_shared>>
      tpu.enqueue_dma source(%arg16 : memref<16x128xf32, #tpu.memory_space<vmem>>) target(%dma_start3A_1015 : memref<16x128xf32, #tpu.memory_space<vmem_shared>>) target_semaphore(%arg21 : memref<!tpu.dma_semaphore, #tpu.memory_space<semaphore_mem>>)
      %add3A_1016 = arith.constant 448 : i32
      %add3A_1017 = arith.addi %multiple_of3A_802, %add3A_1016 : i32
      %dma_start3A_1018 = arith.constant 0 : i32
      %dma_start3A_1019 = tpu.memref_slice %arg6[%add3A_1017, %dma_start3A_1018] : memref<10000x128xf32, #tpu.memory_space<vmem_shared>> -> memref<16x128xf32, #tpu.memory_space<vmem_shared>>
      %dma_start3A_1020 = arith.constant 0 : i32
      %dma_start3A_1021 = tpu.memref_slice %arg6[%add3A_1017, %dma_start3A_1020] : memref<10000x128xf32, #tpu.memory_space<vmem_shared>> -> memref<16x128xf32, #tpu.memory_space<vmem_shared>>
      tpu.enqueue_dma source(%arg16 : memref<16x128xf32, #tpu.memory_space<vmem>>) target(%dma_start3A_1021 : memref<16x128xf32, #tpu.memory_space<vmem_shared>>) target_semaphore(%arg21 : memref<!tpu.dma_semaphore, #tpu.memory_space<semaphore_mem>>)
      %add3A_1022 = arith.constant 464 : i32
      %add3A_1023 = arith.addi %multiple_of3A_802, %add3A_1022 : i32
      %dma_start3A_1024 = arith.constant 0 : i32
      %dma_start3A_1025 = tpu.memref_slice %arg6[%add3A_1023, %dma_start3A_1024] : memref<10000x128xf32, #tpu.memory_space<vmem_shared>> -> memref<16x128xf32, #tpu.memory_space<vmem_shared>>
      %dma_start3A_1026 = arith.constant 0 : i32
      %dma_start3A_1027 = tpu.memref_slice %arg6[%add3A_1023, %dma_start3A_1026] : memref<10000x128xf32, #tpu.memory_space<vmem_shared>> -> memref<16x128xf32, #tpu.memory_space<vmem_shared>>
      tpu.enqueue_dma source(%arg16 : memref<16x128xf32, #tpu.memory_space<vmem>>) target(%dma_start3A_1027 : memref<16x128xf32, #tpu.memory_space<vmem_shared>>) target_semaphore(%arg21 : memref<!tpu.dma_semaphore, #tpu.memory_space<semaphore_mem>>)
      %add3A_1028 = arith.constant 480 : i32
      %add3A_1029 = arith.addi %multiple_of3A_802, %add3A_1028 : i32
      %dma_start3A_1030 = arith.constant 0 : i32
      %dma_start3A_1031 = tpu.memref_slice %arg6[%add3A_1029, %dma_start3A_1030] : memref<10000x128xf32, #tpu.memory_space<vmem_shared>> -> memref<16x128xf32, #tpu.memory_space<vmem_shared>>
      %dma_start3A_1032 = arith.constant 0 : i32
      %dma_start3A_1033 = tpu.memref_slice %arg6[%add3A_1029, %dma_start3A_1032] : memref<10000x128xf32, #tpu.memory_space<vmem_shared>> -> memref<16x128xf32, #tpu.memory_space<vmem_shared>>
      tpu.enqueue_dma source(%arg16 : memref<16x128xf32, #tpu.memory_space<vmem>>) target(%dma_start3A_1033 : memref<16x128xf32, #tpu.memory_space<vmem_shared>>) target_semaphore(%arg21 : memref<!tpu.dma_semaphore, #tpu.memory_space<semaphore_mem>>)
      %add3A_1034 = arith.constant 496 : i32
      %add3A_1035 = arith.addi %multiple_of3A_802, %add3A_1034 : i32
      %dma_start3A_1036 = arith.constant 0 : i32
      %dma_start3A_1037 = tpu.memref_slice %arg6[%add3A_1035, %dma_start3A_1036] : memref<10000x128xf32, #tpu.memory_space<vmem_shared>> -> memref<16x128xf32, #tpu.memory_space<vmem_shared>>
      %dma_start3A_1038 = arith.constant 0 : i32
      %dma_start3A_1039 = tpu.memref_slice %arg6[%add3A_1035, %dma_start3A_1038] : memref<10000x128xf32, #tpu.memory_space<vmem_shared>> -> memref<16x128xf32, #tpu.memory_space<vmem_shared>>
      tpu.enqueue_dma source(%arg16 : memref<16x128xf32, #tpu.memory_space<vmem>>) target(%dma_start3A_1039 : memref<16x128xf32, #tpu.memory_space<vmem_shared>>) target_semaphore(%arg21 : memref<!tpu.dma_semaphore, #tpu.memory_space<semaphore_mem>>)
      %add3A_1040 = arith.constant 512 : i32
      %add3A_1041 = arith.addi %multiple_of3A_802, %add3A_1040 : i32
      %dma_start3A_1042 = arith.constant 0 : i32
      %dma_start3A_1043 = tpu.memref_slice %arg6[%add3A_1041, %dma_start3A_1042] : memref<10000x128xf32, #tpu.memory_space<vmem_shared>> -> memref<16x128xf32, #tpu.memory_space<vmem_shared>>
      %dma_start3A_1044 = arith.constant 0 : i32
      %dma_start3A_1045 = tpu.memref_slice %arg6[%add3A_1041, %dma_start3A_1044] : memref<10000x128xf32, #tpu.memory_space<vmem_shared>> -> memref<16x128xf32, #tpu.memory_space<vmem_shared>>
      tpu.enqueue_dma source(%arg16 : memref<16x128xf32, #tpu.memory_space<vmem>>) target(%dma_start3A_1045 : memref<16x128xf32, #tpu.memory_space<vmem_shared>>) target_semaphore(%arg21 : memref<!tpu.dma_semaphore, #tpu.memory_space<semaphore_mem>>)
      %add3A_1046 = arith.constant 528 : i32
      %add3A_1047 = arith.addi %multiple_of3A_802, %add3A_1046 : i32
      %dma_start3A_1048 = arith.constant 0 : i32
      %dma_start3A_1049 = tpu.memref_slice %arg6[%add3A_1047, %dma_start3A_1048] : memref<10000x128xf32, #tpu.memory_space<vmem_shared>> -> memref<16x128xf32, #tpu.memory_space<vmem_shared>>
      %dma_start3A_1050 = arith.constant 0 : i32
      %dma_start3A_1051 = tpu.memref_slice %arg6[%add3A_1047, %dma_start3A_1050] : memref<10000x128xf32, #tpu.memory_space<vmem_shared>> -> memref<16x128xf32, #tpu.memory_space<vmem_shared>>
      tpu.enqueue_dma source(%arg16 : memref<16x128xf32, #tpu.memory_space<vmem>>) target(%dma_start3A_1051 : memref<16x128xf32, #tpu.memory_space<vmem_shared>>) target_semaphore(%arg21 : memref<!tpu.dma_semaphore, #tpu.memory_space<semaphore_mem>>)
      %add3A_1052 = arith.constant 544 : i32
      %add3A_1053 = arith.addi %multiple_of3A_802, %add3A_1052 : i32
      %dma_start3A_1054 = arith.constant 0 : i32
      %dma_start3A_1055 = tpu.memref_slice %arg6[%add3A_1053, %dma_start3A_1054] : memref<10000x128xf32, #tpu.memory_space<vmem_shared>> -> memref<16x128xf32, #tpu.memory_space<vmem_shared>>
      %dma_start3A_1056 = arith.constant 0 : i32
      %dma_start3A_1057 = tpu.memref_slice %arg6[%add3A_1053, %dma_start3A_1056] : memref<10000x128xf32, #tpu.memory_space<vmem_shared>> -> memref<16x128xf32, #tpu.memory_space<vmem_shared>>
      tpu.enqueue_dma source(%arg16 : memref<16x128xf32, #tpu.memory_space<vmem>>) target(%dma_start3A_1057 : memref<16x128xf32, #tpu.memory_space<vmem_shared>>) target_semaphore(%arg21 : memref<!tpu.dma_semaphore, #tpu.memory_space<semaphore_mem>>)
      %add3A_1058 = arith.constant 560 : i32
      %add3A_1059 = arith.addi %multiple_of3A_802, %add3A_1058 : i32
      %dma_start3A_1060 = arith.constant 0 : i32
      %dma_start3A_1061 = tpu.memref_slice %arg6[%add3A_1059, %dma_start3A_1060] : memref<10000x128xf32, #tpu.memory_space<vmem_shared>> -> memref<16x128xf32, #tpu.memory_space<vmem_shared>>
      %dma_start3A_1062 = arith.constant 0 : i32
      %dma_start3A_1063 = tpu.memref_slice %arg6[%add3A_1059, %dma_start3A_1062] : memref<10000x128xf32, #tpu.memory_space<vmem_shared>> -> memref<16x128xf32, #tpu.memory_space<vmem_shared>>
      tpu.enqueue_dma source(%arg16 : memref<16x128xf32, #tpu.memory_space<vmem>>) target(%dma_start3A_1063 : memref<16x128xf32, #tpu.memory_space<vmem_shared>>) target_semaphore(%arg21 : memref<!tpu.dma_semaphore, #tpu.memory_space<semaphore_mem>>)
      %add3A_1064 = arith.constant 576 : i32
      %add3A_1065 = arith.addi %multiple_of3A_802, %add3A_1064 : i32
      %dma_start3A_1066 = arith.constant 0 : i32
      %dma_start3A_1067 = tpu.memref_slice %arg6[%add3A_1065, %dma_start3A_1066] : memref<10000x128xf32, #tpu.memory_space<vmem_shared>> -> memref<16x128xf32, #tpu.memory_space<vmem_shared>>
      %dma_start3A_1068 = arith.constant 0 : i32
      %dma_start3A_1069 = tpu.memref_slice %arg6[%add3A_1065, %dma_start3A_1068] : memref<10000x128xf32, #tpu.memory_space<vmem_shared>> -> memref<16x128xf32, #tpu.memory_space<vmem_shared>>
      tpu.enqueue_dma source(%arg16 : memref<16x128xf32, #tpu.memory_space<vmem>>) target(%dma_start3A_1069 : memref<16x128xf32, #tpu.memory_space<vmem_shared>>) target_semaphore(%arg21 : memref<!tpu.dma_semaphore, #tpu.memory_space<semaphore_mem>>)
      %add3A_1070 = arith.constant 592 : i32
      %add3A_1071 = arith.addi %multiple_of3A_802, %add3A_1070 : i32
      %dma_start3A_1072 = arith.constant 0 : i32
      %dma_start3A_1073 = tpu.memref_slice %arg6[%add3A_1071, %dma_start3A_1072] : memref<10000x128xf32, #tpu.memory_space<vmem_shared>> -> memref<16x128xf32, #tpu.memory_space<vmem_shared>>
      %dma_start3A_1074 = arith.constant 0 : i32
      %dma_start3A_1075 = tpu.memref_slice %arg6[%add3A_1071, %dma_start3A_1074] : memref<10000x128xf32, #tpu.memory_space<vmem_shared>> -> memref<16x128xf32, #tpu.memory_space<vmem_shared>>
      tpu.enqueue_dma source(%arg16 : memref<16x128xf32, #tpu.memory_space<vmem>>) target(%dma_start3A_1075 : memref<16x128xf32, #tpu.memory_space<vmem_shared>>) target_semaphore(%arg21 : memref<!tpu.dma_semaphore, #tpu.memory_space<semaphore_mem>>)
      %add3A_1076 = arith.constant 608 : i32
      %add3A_1077 = arith.addi %multiple_of3A_802, %add3A_1076 : i32
      %dma_start3A_1078 = arith.constant 0 : i32
      %dma_start3A_1079 = tpu.memref_slice %arg6[%add3A_1077, %dma_start3A_1078] : memref<10000x128xf32, #tpu.memory_space<vmem_shared>> -> memref<16x128xf32, #tpu.memory_space<vmem_shared>>
      %dma_start3A_1080 = arith.constant 0 : i32
      %dma_start3A_1081 = tpu.memref_slice %arg6[%add3A_1077, %dma_start3A_1080] : memref<10000x128xf32, #tpu.memory_space<vmem_shared>> -> memref<16x128xf32, #tpu.memory_space<vmem_shared>>
      tpu.enqueue_dma source(%arg16 : memref<16x128xf32, #tpu.memory_space<vmem>>) target(%dma_start3A_1081 : memref<16x128xf32, #tpu.memory_space<vmem_shared>>) target_semaphore(%arg21 : memref<!tpu.dma_semaphore, #tpu.memory_space<semaphore_mem>>)
      %add3A_1082 = arith.constant 0 : i32
      %add3A_1083 = arith.addi %multiple_of3A_802, %add3A_1082 : i32
      %dma_wait3A_1084 = arith.constant 0 : i32
      %dma_wait3A_1085 = tpu.memref_slice %arg6[%add3A_1083, %dma_wait3A_1084] : memref<10000x128xf32, #tpu.memory_space<vmem_shared>> -> memref<16x128xf32, #tpu.memory_space<vmem_shared>>
      %dma_wait3A_1086 = arith.constant 0 : i32
      %dma_wait3A_1087 = tpu.memref_slice %arg6[%add3A_1083, %dma_wait3A_1086] : memref<10000x128xf32, #tpu.memory_space<vmem_shared>> -> memref<16x128xf32, #tpu.memory_space<vmem_shared>>
      tpu.wait_dma2 semaphore(%arg21 : memref<!tpu.dma_semaphore, #tpu.memory_space<semaphore_mem>>) src(%arg16 : memref<16x128xf32, #tpu.memory_space<vmem>>) dst(%dma_wait3A_1087 : memref<16x128xf32, #tpu.memory_space<vmem_shared>>)
      %add3A_1088 = arith.constant 16 : i32
      %add3A_1089 = arith.addi %multiple_of3A_802, %add3A_1088 : i32
      %dma_wait3A_1090 = arith.constant 0 : i32
      %dma_wait3A_1091 = tpu.memref_slice %arg6[%add3A_1089, %dma_wait3A_1090] : memref<10000x128xf32, #tpu.memory_space<vmem_shared>> -> memref<16x128xf32, #tpu.memory_space<vmem_shared>>
      %dma_wait3A_1092 = arith.constant 0 : i32
      %dma_wait3A_1093 = tpu.memref_slice %arg6[%add3A_1089, %dma_wait3A_1092] : memref<10000x128xf32, #tpu.memory_space<vmem_shared>> -> memref<16x128xf32, #tpu.memory_space<vmem_shared>>
      tpu.wait_dma2 semaphore(%arg21 : memref<!tpu.dma_semaphore, #tpu.memory_space<semaphore_mem>>) src(%arg16 : memref<16x128xf32, #tpu.memory_space<vmem>>) dst(%dma_wait3A_1093 : memref<16x128xf32, #tpu.memory_space<vmem_shared>>)
      %add3A_1094 = arith.constant 32 : i32
      %add3A_1095 = arith.addi %multiple_of3A_802, %add3A_1094 : i32
      %dma_wait3A_1096 = arith.constant 0 : i32
      %dma_wait3A_1097 = tpu.memref_slice %arg6[%add3A_1095, %dma_wait3A_1096] : memref<10000x128xf32, #tpu.memory_space<vmem_shared>> -> memref<16x128xf32, #tpu.memory_space<vmem_shared>>
      %dma_wait3A_1098 = arith.constant 0 : i32
      %dma_wait3A_1099 = tpu.memref_slice %arg6[%add3A_1095, %dma_wait3A_1098] : memref<10000x128xf32, #tpu.memory_space<vmem_shared>> -> memref<16x128xf32, #tpu.memory_space<vmem_shared>>
      tpu.wait_dma2 semaphore(%arg21 : memref<!tpu.dma_semaphore, #tpu.memory_space<semaphore_mem>>) src(%arg16 : memref<16x128xf32, #tpu.memory_space<vmem>>) dst(%dma_wait3A_1099 : memref<16x128xf32, #tpu.memory_space<vmem_shared>>)
      %add3A_1100 = arith.constant 48 : i32
      %add3A_1101 = arith.addi %multiple_of3A_802, %add3A_1100 : i32
      %dma_wait3A_1102 = arith.constant 0 : i32
      %dma_wait3A_1103 = tpu.memref_slice %arg6[%add3A_1101, %dma_wait3A_1102] : memref<10000x128xf32, #tpu.memory_space<vmem_shared>> -> memref<16x128xf32, #tpu.memory_space<vmem_shared>>
      %dma_wait3A_1104 = arith.constant 0 : i32
      %dma_wait3A_1105 = tpu.memref_slice %arg6[%add3A_1101, %dma_wait3A_1104] : memref<10000x128xf32, #tpu.memory_space<vmem_shared>> -> memref<16x128xf32, #tpu.memory_space<vmem_shared>>
      tpu.wait_dma2 semaphore(%arg21 : memref<!tpu.dma_semaphore, #tpu.memory_space<semaphore_mem>>) src(%arg16 : memref<16x128xf32, #tpu.memory_space<vmem>>) dst(%dma_wait3A_1105 : memref<16x128xf32, #tpu.memory_space<vmem_shared>>)
      %add3A_1106 = arith.constant 64 : i32
      %add3A_1107 = arith.addi %multiple_of3A_802, %add3A_1106 : i32
      %dma_wait3A_1108 = arith.constant 0 : i32
      %dma_wait3A_1109 = tpu.memref_slice %arg6[%add3A_1107, %dma_wait3A_1108] : memref<10000x128xf32, #tpu.memory_space<vmem_shared>> -> memref<16x128xf32, #tpu.memory_space<vmem_shared>>
      %dma_wait3A_1110 = arith.constant 0 : i32
      %dma_wait3A_1111 = tpu.memref_slice %arg6[%add3A_1107, %dma_wait3A_1110] : memref<10000x128xf32, #tpu.memory_space<vmem_shared>> -> memref<16x128xf32, #tpu.memory_space<vmem_shared>>
      tpu.wait_dma2 semaphore(%arg21 : memref<!tpu.dma_semaphore, #tpu.memory_space<semaphore_mem>>) src(%arg16 : memref<16x128xf32, #tpu.memory_space<vmem>>) dst(%dma_wait3A_1111 : memref<16x128xf32, #tpu.memory_space<vmem_shared>>)
      %add3A_1112 = arith.constant 80 : i32
      %add3A_1113 = arith.addi %multiple_of3A_802, %add3A_1112 : i32
      %dma_wait3A_1114 = arith.constant 0 : i32
      %dma_wait3A_1115 = tpu.memref_slice %arg6[%add3A_1113, %dma_wait3A_1114] : memref<10000x128xf32, #tpu.memory_space<vmem_shared>> -> memref<16x128xf32, #tpu.memory_space<vmem_shared>>
      %dma_wait3A_1116 = arith.constant 0 : i32
      %dma_wait3A_1117 = tpu.memref_slice %arg6[%add3A_1113, %dma_wait3A_1116] : memref<10000x128xf32, #tpu.memory_space<vmem_shared>> -> memref<16x128xf32, #tpu.memory_space<vmem_shared>>
      tpu.wait_dma2 semaphore(%arg21 : memref<!tpu.dma_semaphore, #tpu.memory_space<semaphore_mem>>) src(%arg16 : memref<16x128xf32, #tpu.memory_space<vmem>>) dst(%dma_wait3A_1117 : memref<16x128xf32, #tpu.memory_space<vmem_shared>>)
      %add3A_1118 = arith.constant 96 : i32
      %add3A_1119 = arith.addi %multiple_of3A_802, %add3A_1118 : i32
      %dma_wait3A_1120 = arith.constant 0 : i32
      %dma_wait3A_1121 = tpu.memref_slice %arg6[%add3A_1119, %dma_wait3A_1120] : memref<10000x128xf32, #tpu.memory_space<vmem_shared>> -> memref<16x128xf32, #tpu.memory_space<vmem_shared>>
      %dma_wait3A_1122 = arith.constant 0 : i32
      %dma_wait3A_1123 = tpu.memref_slice %arg6[%add3A_1119, %dma_wait3A_1122] : memref<10000x128xf32, #tpu.memory_space<vmem_shared>> -> memref<16x128xf32, #tpu.memory_space<vmem_shared>>
      tpu.wait_dma2 semaphore(%arg21 : memref<!tpu.dma_semaphore, #tpu.memory_space<semaphore_mem>>) src(%arg16 : memref<16x128xf32, #tpu.memory_space<vmem>>) dst(%dma_wait3A_1123 : memref<16x128xf32, #tpu.memory_space<vmem_shared>>)
      %add3A_1124 = arith.constant 112 : i32
      %add3A_1125 = arith.addi %multiple_of3A_802, %add3A_1124 : i32
      %dma_wait3A_1126 = arith.constant 0 : i32
      %dma_wait3A_1127 = tpu.memref_slice %arg6[%add3A_1125, %dma_wait3A_1126] : memref<10000x128xf32, #tpu.memory_space<vmem_shared>> -> memref<16x128xf32, #tpu.memory_space<vmem_shared>>
      %dma_wait3A_1128 = arith.constant 0 : i32
      %dma_wait3A_1129 = tpu.memref_slice %arg6[%add3A_1125, %dma_wait3A_1128] : memref<10000x128xf32, #tpu.memory_space<vmem_shared>> -> memref<16x128xf32, #tpu.memory_space<vmem_shared>>
      tpu.wait_dma2 semaphore(%arg21 : memref<!tpu.dma_semaphore, #tpu.memory_space<semaphore_mem>>) src(%arg16 : memref<16x128xf32, #tpu.memory_space<vmem>>) dst(%dma_wait3A_1129 : memref<16x128xf32, #tpu.memory_space<vmem_shared>>)
      %add3A_1130 = arith.constant 128 : i32
      %add3A_1131 = arith.addi %multiple_of3A_802, %add3A_1130 : i32
      %dma_wait3A_1132 = arith.constant 0 : i32
      %dma_wait3A_1133 = tpu.memref_slice %arg6[%add3A_1131, %dma_wait3A_1132] : memref<10000x128xf32, #tpu.memory_space<vmem_shared>> -> memref<16x128xf32, #tpu.memory_space<vmem_shared>>
      %dma_wait3A_1134 = arith.constant 0 : i32
      %dma_wait3A_1135 = tpu.memref_slice %arg6[%add3A_1131, %dma_wait3A_1134] : memref<10000x128xf32, #tpu.memory_space<vmem_shared>> -> memref<16x128xf32, #tpu.memory_space<vmem_shared>>
      tpu.wait_dma2 semaphore(%arg21 : memref<!tpu.dma_semaphore, #tpu.memory_space<semaphore_mem>>) src(%arg16 : memref<16x128xf32, #tpu.memory_space<vmem>>) dst(%dma_wait3A_1135 : memref<16x128xf32, #tpu.memory_space<vmem_shared>>)
      %add3A_1136 = arith.constant 144 : i32
      %add3A_1137 = arith.addi %multiple_of3A_802, %add3A_1136 : i32
      %dma_wait3A_1138 = arith.constant 0 : i32
      %dma_wait3A_1139 = tpu.memref_slice %arg6[%add3A_1137, %dma_wait3A_1138] : memref<10000x128xf32, #tpu.memory_space<vmem_shared>> -> memref<16x128xf32, #tpu.memory_space<vmem_shared>>
      %dma_wait3A_1140 = arith.constant 0 : i32
      %dma_wait3A_1141 = tpu.memref_slice %arg6[%add3A_1137, %dma_wait3A_1140] : memref<10000x128xf32, #tpu.memory_space<vmem_shared>> -> memref<16x128xf32, #tpu.memory_space<vmem_shared>>
      tpu.wait_dma2 semaphore(%arg21 : memref<!tpu.dma_semaphore, #tpu.memory_space<semaphore_mem>>) src(%arg16 : memref<16x128xf32, #tpu.memory_space<vmem>>) dst(%dma_wait3A_1141 : memref<16x128xf32, #tpu.memory_space<vmem_shared>>)
      %add3A_1142 = arith.constant 160 : i32
      %add3A_1143 = arith.addi %multiple_of3A_802, %add3A_1142 : i32
      %dma_wait3A_1144 = arith.constant 0 : i32
      %dma_wait3A_1145 = tpu.memref_slice %arg6[%add3A_1143, %dma_wait3A_1144] : memref<10000x128xf32, #tpu.memory_space<vmem_shared>> -> memref<16x128xf32, #tpu.memory_space<vmem_shared>>
      %dma_wait3A_1146 = arith.constant 0 : i32
      %dma_wait3A_1147 = tpu.memref_slice %arg6[%add3A_1143, %dma_wait3A_1146] : memref<10000x128xf32, #tpu.memory_space<vmem_shared>> -> memref<16x128xf32, #tpu.memory_space<vmem_shared>>
      tpu.wait_dma2 semaphore(%arg21 : memref<!tpu.dma_semaphore, #tpu.memory_space<semaphore_mem>>) src(%arg16 : memref<16x128xf32, #tpu.memory_space<vmem>>) dst(%dma_wait3A_1147 : memref<16x128xf32, #tpu.memory_space<vmem_shared>>)
      %add3A_1148 = arith.constant 176 : i32
      %add3A_1149 = arith.addi %multiple_of3A_802, %add3A_1148 : i32
      %dma_wait3A_1150 = arith.constant 0 : i32
      %dma_wait3A_1151 = tpu.memref_slice %arg6[%add3A_1149, %dma_wait3A_1150] : memref<10000x128xf32, #tpu.memory_space<vmem_shared>> -> memref<16x128xf32, #tpu.memory_space<vmem_shared>>
      %dma_wait3A_1152 = arith.constant 0 : i32
      %dma_wait3A_1153 = tpu.memref_slice %arg6[%add3A_1149, %dma_wait3A_1152] : memref<10000x128xf32, #tpu.memory_space<vmem_shared>> -> memref<16x128xf32, #tpu.memory_space<vmem_shared>>
      tpu.wait_dma2 semaphore(%arg21 : memref<!tpu.dma_semaphore, #tpu.memory_space<semaphore_mem>>) src(%arg16 : memref<16x128xf32, #tpu.memory_space<vmem>>) dst(%dma_wait3A_1153 : memref<16x128xf32, #tpu.memory_space<vmem_shared>>)
      %add3A_1154 = arith.constant 192 : i32
      %add3A_1155 = arith.addi %multiple_of3A_802, %add3A_1154 : i32
      %dma_wait3A_1156 = arith.constant 0 : i32
      %dma_wait3A_1157 = tpu.memref_slice %arg6[%add3A_1155, %dma_wait3A_1156] : memref<10000x128xf32, #tpu.memory_space<vmem_shared>> -> memref<16x128xf32, #tpu.memory_space<vmem_shared>>
      %dma_wait3A_1158 = arith.constant 0 : i32
      %dma_wait3A_1159 = tpu.memref_slice %arg6[%add3A_1155, %dma_wait3A_1158] : memref<10000x128xf32, #tpu.memory_space<vmem_shared>> -> memref<16x128xf32, #tpu.memory_space<vmem_shared>>
      tpu.wait_dma2 semaphore(%arg21 : memref<!tpu.dma_semaphore, #tpu.memory_space<semaphore_mem>>) src(%arg16 : memref<16x128xf32, #tpu.memory_space<vmem>>) dst(%dma_wait3A_1159 : memref<16x128xf32, #tpu.memory_space<vmem_shared>>)
      %add3A_1160 = arith.constant 208 : i32
      %add3A_1161 = arith.addi %multiple_of3A_802, %add3A_1160 : i32
      %dma_wait3A_1162 = arith.constant 0 : i32
      %dma_wait3A_1163 = tpu.memref_slice %arg6[%add3A_1161, %dma_wait3A_1162] : memref<10000x128xf32, #tpu.memory_space<vmem_shared>> -> memref<16x128xf32, #tpu.memory_space<vmem_shared>>
      %dma_wait3A_1164 = arith.constant 0 : i32
      %dma_wait3A_1165 = tpu.memref_slice %arg6[%add3A_1161, %dma_wait3A_1164] : memref<10000x128xf32, #tpu.memory_space<vmem_shared>> -> memref<16x128xf32, #tpu.memory_space<vmem_shared>>
      tpu.wait_dma2 semaphore(%arg21 : memref<!tpu.dma_semaphore, #tpu.memory_space<semaphore_mem>>) src(%arg16 : memref<16x128xf32, #tpu.memory_space<vmem>>) dst(%dma_wait3A_1165 : memref<16x128xf32, #tpu.memory_space<vmem_shared>>)
      %add3A_1166 = arith.constant 224 : i32
      %add3A_1167 = arith.addi %multiple_of3A_802, %add3A_1166 : i32
      %dma_wait3A_1168 = arith.constant 0 : i32
      %dma_wait3A_1169 = tpu.memref_slice %arg6[%add3A_1167, %dma_wait3A_1168] : memref<10000x128xf32, #tpu.memory_space<vmem_shared>> -> memref<16x128xf32, #tpu.memory_space<vmem_shared>>
      %dma_wait3A_1170 = arith.constant 0 : i32
      %dma_wait3A_1171 = tpu.memref_slice %arg6[%add3A_1167, %dma_wait3A_1170] : memref<10000x128xf32, #tpu.memory_space<vmem_shared>> -> memref<16x128xf32, #tpu.memory_space<vmem_shared>>
      tpu.wait_dma2 semaphore(%arg21 : memref<!tpu.dma_semaphore, #tpu.memory_space<semaphore_mem>>) src(%arg16 : memref<16x128xf32, #tpu.memory_space<vmem>>) dst(%dma_wait3A_1171 : memref<16x128xf32, #tpu.memory_space<vmem_shared>>)
      %add3A_1172 = arith.constant 240 : i32
      %add3A_1173 = arith.addi %multiple_of3A_802, %add3A_1172 : i32
      %dma_wait3A_1174 = arith.constant 0 : i32
      %dma_wait3A_1175 = tpu.memref_slice %arg6[%add3A_1173, %dma_wait3A_1174] : memref<10000x128xf32, #tpu.memory_space<vmem_shared>> -> memref<16x128xf32, #tpu.memory_space<vmem_shared>>
      %dma_wait3A_1176 = arith.constant 0 : i32
      %dma_wait3A_1177 = tpu.memref_slice %arg6[%add3A_1173, %dma_wait3A_1176] : memref<10000x128xf32, #tpu.memory_space<vmem_shared>> -> memref<16x128xf32, #tpu.memory_space<vmem_shared>>
      tpu.wait_dma2 semaphore(%arg21 : memref<!tpu.dma_semaphore, #tpu.memory_space<semaphore_mem>>) src(%arg16 : memref<16x128xf32, #tpu.memory_space<vmem>>) dst(%dma_wait3A_1177 : memref<16x128xf32, #tpu.memory_space<vmem_shared>>)
      %add3A_1178 = arith.constant 256 : i32
      %add3A_1179 = arith.addi %multiple_of3A_802, %add3A_1178 : i32
      %dma_wait3A_1180 = arith.constant 0 : i32
      %dma_wait3A_1181 = tpu.memref_slice %arg6[%add3A_1179, %dma_wait3A_1180] : memref<10000x128xf32, #tpu.memory_space<vmem_shared>> -> memref<16x128xf32, #tpu.memory_space<vmem_shared>>
      %dma_wait3A_1182 = arith.constant 0 : i32
      %dma_wait3A_1183 = tpu.memref_slice %arg6[%add3A_1179, %dma_wait3A_1182] : memref<10000x128xf32, #tpu.memory_space<vmem_shared>> -> memref<16x128xf32, #tpu.memory_space<vmem_shared>>
      tpu.wait_dma2 semaphore(%arg21 : memref<!tpu.dma_semaphore, #tpu.memory_space<semaphore_mem>>) src(%arg16 : memref<16x128xf32, #tpu.memory_space<vmem>>) dst(%dma_wait3A_1183 : memref<16x128xf32, #tpu.memory_space<vmem_shared>>)
      %add3A_1184 = arith.constant 272 : i32
      %add3A_1185 = arith.addi %multiple_of3A_802, %add3A_1184 : i32
      %dma_wait3A_1186 = arith.constant 0 : i32
      %dma_wait3A_1187 = tpu.memref_slice %arg6[%add3A_1185, %dma_wait3A_1186] : memref<10000x128xf32, #tpu.memory_space<vmem_shared>> -> memref<16x128xf32, #tpu.memory_space<vmem_shared>>
      %dma_wait3A_1188 = arith.constant 0 : i32
      %dma_wait3A_1189 = tpu.memref_slice %arg6[%add3A_1185, %dma_wait3A_1188] : memref<10000x128xf32, #tpu.memory_space<vmem_shared>> -> memref<16x128xf32, #tpu.memory_space<vmem_shared>>
      tpu.wait_dma2 semaphore(%arg21 : memref<!tpu.dma_semaphore, #tpu.memory_space<semaphore_mem>>) src(%arg16 : memref<16x128xf32, #tpu.memory_space<vmem>>) dst(%dma_wait3A_1189 : memref<16x128xf32, #tpu.memory_space<vmem_shared>>)
      %add3A_1190 = arith.constant 288 : i32
      %add3A_1191 = arith.addi %multiple_of3A_802, %add3A_1190 : i32
      %dma_wait3A_1192 = arith.constant 0 : i32
      %dma_wait3A_1193 = tpu.memref_slice %arg6[%add3A_1191, %dma_wait3A_1192] : memref<10000x128xf32, #tpu.memory_space<vmem_shared>> -> memref<16x128xf32, #tpu.memory_space<vmem_shared>>
      %dma_wait3A_1194 = arith.constant 0 : i32
      %dma_wait3A_1195 = tpu.memref_slice %arg6[%add3A_1191, %dma_wait3A_1194] : memref<10000x128xf32, #tpu.memory_space<vmem_shared>> -> memref<16x128xf32, #tpu.memory_space<vmem_shared>>
      tpu.wait_dma2 semaphore(%arg21 : memref<!tpu.dma_semaphore, #tpu.memory_space<semaphore_mem>>) src(%arg16 : memref<16x128xf32, #tpu.memory_space<vmem>>) dst(%dma_wait3A_1195 : memref<16x128xf32, #tpu.memory_space<vmem_shared>>)
      %add3A_1196 = arith.constant 304 : i32
      %add3A_1197 = arith.addi %multiple_of3A_802, %add3A_1196 : i32
      %dma_wait3A_1198 = arith.constant 0 : i32
      %dma_wait3A_1199 = tpu.memref_slice %arg6[%add3A_1197, %dma_wait3A_1198] : memref<10000x128xf32, #tpu.memory_space<vmem_shared>> -> memref<16x128xf32, #tpu.memory_space<vmem_shared>>
      %dma_wait3A_1200 = arith.constant 0 : i32
      %dma_wait3A_1201 = tpu.memref_slice %arg6[%add3A_1197, %dma_wait3A_1200] : memref<10000x128xf32, #tpu.memory_space<vmem_shared>> -> memref<16x128xf32, #tpu.memory_space<vmem_shared>>
      tpu.wait_dma2 semaphore(%arg21 : memref<!tpu.dma_semaphore, #tpu.memory_space<semaphore_mem>>) src(%arg16 : memref<16x128xf32, #tpu.memory_space<vmem>>) dst(%dma_wait3A_1201 : memref<16x128xf32, #tpu.memory_space<vmem_shared>>)
      %add3A_1202 = arith.constant 320 : i32
      %add3A_1203 = arith.addi %multiple_of3A_802, %add3A_1202 : i32
      %dma_wait3A_1204 = arith.constant 0 : i32
      %dma_wait3A_1205 = tpu.memref_slice %arg6[%add3A_1203, %dma_wait3A_1204] : memref<10000x128xf32, #tpu.memory_space<vmem_shared>> -> memref<16x128xf32, #tpu.memory_space<vmem_shared>>
      %dma_wait3A_1206 = arith.constant 0 : i32
      %dma_wait3A_1207 = tpu.memref_slice %arg6[%add3A_1203, %dma_wait3A_1206] : memref<10000x128xf32, #tpu.memory_space<vmem_shared>> -> memref<16x128xf32, #tpu.memory_space<vmem_shared>>
      tpu.wait_dma2 semaphore(%arg21 : memref<!tpu.dma_semaphore, #tpu.memory_space<semaphore_mem>>) src(%arg16 : memref<16x128xf32, #tpu.memory_space<vmem>>) dst(%dma_wait3A_1207 : memref<16x128xf32, #tpu.memory_space<vmem_shared>>)
      %add3A_1208 = arith.constant 336 : i32
      %add3A_1209 = arith.addi %multiple_of3A_802, %add3A_1208 : i32
      %dma_wait3A_1210 = arith.constant 0 : i32
      %dma_wait3A_1211 = tpu.memref_slice %arg6[%add3A_1209, %dma_wait3A_1210] : memref<10000x128xf32, #tpu.memory_space<vmem_shared>> -> memref<16x128xf32, #tpu.memory_space<vmem_shared>>
      %dma_wait3A_1212 = arith.constant 0 : i32
      %dma_wait3A_1213 = tpu.memref_slice %arg6[%add3A_1209, %dma_wait3A_1212] : memref<10000x128xf32, #tpu.memory_space<vmem_shared>> -> memref<16x128xf32, #tpu.memory_space<vmem_shared>>
      tpu.wait_dma2 semaphore(%arg21 : memref<!tpu.dma_semaphore, #tpu.memory_space<semaphore_mem>>) src(%arg16 : memref<16x128xf32, #tpu.memory_space<vmem>>) dst(%dma_wait3A_1213 : memref<16x128xf32, #tpu.memory_space<vmem_shared>>)
      %add3A_1214 = arith.constant 352 : i32
      %add3A_1215 = arith.addi %multiple_of3A_802, %add3A_1214 : i32
      %dma_wait3A_1216 = arith.constant 0 : i32
      %dma_wait3A_1217 = tpu.memref_slice %arg6[%add3A_1215, %dma_wait3A_1216] : memref<10000x128xf32, #tpu.memory_space<vmem_shared>> -> memref<16x128xf32, #tpu.memory_space<vmem_shared>>
      %dma_wait3A_1218 = arith.constant 0 : i32
      %dma_wait3A_1219 = tpu.memref_slice %arg6[%add3A_1215, %dma_wait3A_1218] : memref<10000x128xf32, #tpu.memory_space<vmem_shared>> -> memref<16x128xf32, #tpu.memory_space<vmem_shared>>
      tpu.wait_dma2 semaphore(%arg21 : memref<!tpu.dma_semaphore, #tpu.memory_space<semaphore_mem>>) src(%arg16 : memref<16x128xf32, #tpu.memory_space<vmem>>) dst(%dma_wait3A_1219 : memref<16x128xf32, #tpu.memory_space<vmem_shared>>)
      %add3A_1220 = arith.constant 368 : i32
      %add3A_1221 = arith.addi %multiple_of3A_802, %add3A_1220 : i32
      %dma_wait3A_1222 = arith.constant 0 : i32
      %dma_wait3A_1223 = tpu.memref_slice %arg6[%add3A_1221, %dma_wait3A_1222] : memref<10000x128xf32, #tpu.memory_space<vmem_shared>> -> memref<16x128xf32, #tpu.memory_space<vmem_shared>>
      %dma_wait3A_1224 = arith.constant 0 : i32
      %dma_wait3A_1225 = tpu.memref_slice %arg6[%add3A_1221, %dma_wait3A_1224] : memref<10000x128xf32, #tpu.memory_space<vmem_shared>> -> memref<16x128xf32, #tpu.memory_space<vmem_shared>>
      tpu.wait_dma2 semaphore(%arg21 : memref<!tpu.dma_semaphore, #tpu.memory_space<semaphore_mem>>) src(%arg16 : memref<16x128xf32, #tpu.memory_space<vmem>>) dst(%dma_wait3A_1225 : memref<16x128xf32, #tpu.memory_space<vmem_shared>>)
      %add3A_1226 = arith.constant 384 : i32
      %add3A_1227 = arith.addi %multiple_of3A_802, %add3A_1226 : i32
      %dma_wait3A_1228 = arith.constant 0 : i32
      %dma_wait3A_1229 = tpu.memref_slice %arg6[%add3A_1227, %dma_wait3A_1228] : memref<10000x128xf32, #tpu.memory_space<vmem_shared>> -> memref<16x128xf32, #tpu.memory_space<vmem_shared>>
      %dma_wait3A_1230 = arith.constant 0 : i32
      %dma_wait3A_1231 = tpu.memref_slice %arg6[%add3A_1227, %dma_wait3A_1230] : memref<10000x128xf32, #tpu.memory_space<vmem_shared>> -> memref<16x128xf32, #tpu.memory_space<vmem_shared>>
      tpu.wait_dma2 semaphore(%arg21 : memref<!tpu.dma_semaphore, #tpu.memory_space<semaphore_mem>>) src(%arg16 : memref<16x128xf32, #tpu.memory_space<vmem>>) dst(%dma_wait3A_1231 : memref<16x128xf32, #tpu.memory_space<vmem_shared>>)
      %add3A_1232 = arith.constant 400 : i32
      %add3A_1233 = arith.addi %multiple_of3A_802, %add3A_1232 : i32
      %dma_wait3A_1234 = arith.constant 0 : i32
      %dma_wait3A_1235 = tpu.memref_slice %arg6[%add3A_1233, %dma_wait3A_1234] : memref<10000x128xf32, #tpu.memory_space<vmem_shared>> -> memref<16x128xf32, #tpu.memory_space<vmem_shared>>
      %dma_wait3A_1236 = arith.constant 0 : i32
      %dma_wait3A_1237 = tpu.memref_slice %arg6[%add3A_1233, %dma_wait3A_1236] : memref<10000x128xf32, #tpu.memory_space<vmem_shared>> -> memref<16x128xf32, #tpu.memory_space<vmem_shared>>
      tpu.wait_dma2 semaphore(%arg21 : memref<!tpu.dma_semaphore, #tpu.memory_space<semaphore_mem>>) src(%arg16 : memref<16x128xf32, #tpu.memory_space<vmem>>) dst(%dma_wait3A_1237 : memref<16x128xf32, #tpu.memory_space<vmem_shared>>)
      %add3A_1238 = arith.constant 416 : i32
      %add3A_1239 = arith.addi %multiple_of3A_802, %add3A_1238 : i32
      %dma_wait3A_1240 = arith.constant 0 : i32
      %dma_wait3A_1241 = tpu.memref_slice %arg6[%add3A_1239, %dma_wait3A_1240] : memref<10000x128xf32, #tpu.memory_space<vmem_shared>> -> memref<16x128xf32, #tpu.memory_space<vmem_shared>>
      %dma_wait3A_1242 = arith.constant 0 : i32
      %dma_wait3A_1243 = tpu.memref_slice %arg6[%add3A_1239, %dma_wait3A_1242] : memref<10000x128xf32, #tpu.memory_space<vmem_shared>> -> memref<16x128xf32, #tpu.memory_space<vmem_shared>>
      tpu.wait_dma2 semaphore(%arg21 : memref<!tpu.dma_semaphore, #tpu.memory_space<semaphore_mem>>) src(%arg16 : memref<16x128xf32, #tpu.memory_space<vmem>>) dst(%dma_wait3A_1243 : memref<16x128xf32, #tpu.memory_space<vmem_shared>>)
      %add3A_1244 = arith.constant 432 : i32
      %add3A_1245 = arith.addi %multiple_of3A_802, %add3A_1244 : i32
      %dma_wait3A_1246 = arith.constant 0 : i32
      %dma_wait3A_1247 = tpu.memref_slice %arg6[%add3A_1245, %dma_wait3A_1246] : memref<10000x128xf32, #tpu.memory_space<vmem_shared>> -> memref<16x128xf32, #tpu.memory_space<vmem_shared>>
      %dma_wait3A_1248 = arith.constant 0 : i32
      %dma_wait3A_1249 = tpu.memref_slice %arg6[%add3A_1245, %dma_wait3A_1248] : memref<10000x128xf32, #tpu.memory_space<vmem_shared>> -> memref<16x128xf32, #tpu.memory_space<vmem_shared>>
      tpu.wait_dma2 semaphore(%arg21 : memref<!tpu.dma_semaphore, #tpu.memory_space<semaphore_mem>>) src(%arg16 : memref<16x128xf32, #tpu.memory_space<vmem>>) dst(%dma_wait3A_1249 : memref<16x128xf32, #tpu.memory_space<vmem_shared>>)
      %add3A_1250 = arith.constant 448 : i32
      %add3A_1251 = arith.addi %multiple_of3A_802, %add3A_1250 : i32
      %dma_wait3A_1252 = arith.constant 0 : i32
      %dma_wait3A_1253 = tpu.memref_slice %arg6[%add3A_1251, %dma_wait3A_1252] : memref<10000x128xf32, #tpu.memory_space<vmem_shared>> -> memref<16x128xf32, #tpu.memory_space<vmem_shared>>
      %dma_wait3A_1254 = arith.constant 0 : i32
      %dma_wait3A_1255 = tpu.memref_slice %arg6[%add3A_1251, %dma_wait3A_1254] : memref<10000x128xf32, #tpu.memory_space<vmem_shared>> -> memref<16x128xf32, #tpu.memory_space<vmem_shared>>
      tpu.wait_dma2 semaphore(%arg21 : memref<!tpu.dma_semaphore, #tpu.memory_space<semaphore_mem>>) src(%arg16 : memref<16x128xf32, #tpu.memory_space<vmem>>) dst(%dma_wait3A_1255 : memref<16x128xf32, #tpu.memory_space<vmem_shared>>)
      %add3A_1256 = arith.constant 464 : i32
      %add3A_1257 = arith.addi %multiple_of3A_802, %add3A_1256 : i32
      %dma_wait3A_1258 = arith.constant 0 : i32
      %dma_wait3A_1259 = tpu.memref_slice %arg6[%add3A_1257, %dma_wait3A_1258] : memref<10000x128xf32, #tpu.memory_space<vmem_shared>> -> memref<16x128xf32, #tpu.memory_space<vmem_shared>>
      %dma_wait3A_1260 = arith.constant 0 : i32
      %dma_wait3A_1261 = tpu.memref_slice %arg6[%add3A_1257, %dma_wait3A_1260] : memref<10000x128xf32, #tpu.memory_space<vmem_shared>> -> memref<16x128xf32, #tpu.memory_space<vmem_shared>>
      tpu.wait_dma2 semaphore(%arg21 : memref<!tpu.dma_semaphore, #tpu.memory_space<semaphore_mem>>) src(%arg16 : memref<16x128xf32, #tpu.memory_space<vmem>>) dst(%dma_wait3A_1261 : memref<16x128xf32, #tpu.memory_space<vmem_shared>>)
      %add3A_1262 = arith.constant 480 : i32
      %add3A_1263 = arith.addi %multiple_of3A_802, %add3A_1262 : i32
      %dma_wait3A_1264 = arith.constant 0 : i32
      %dma_wait3A_1265 = tpu.memref_slice %arg6[%add3A_1263, %dma_wait3A_1264] : memref<10000x128xf32, #tpu.memory_space<vmem_shared>> -> memref<16x128xf32, #tpu.memory_space<vmem_shared>>
      %dma_wait3A_1266 = arith.constant 0 : i32
      %dma_wait3A_1267 = tpu.memref_slice %arg6[%add3A_1263, %dma_wait3A_1266] : memref<10000x128xf32, #tpu.memory_space<vmem_shared>> -> memref<16x128xf32, #tpu.memory_space<vmem_shared>>
      tpu.wait_dma2 semaphore(%arg21 : memref<!tpu.dma_semaphore, #tpu.memory_space<semaphore_mem>>) src(%arg16 : memref<16x128xf32, #tpu.memory_space<vmem>>) dst(%dma_wait3A_1267 : memref<16x128xf32, #tpu.memory_space<vmem_shared>>)
      %add3A_1268 = arith.constant 496 : i32
      %add3A_1269 = arith.addi %multiple_of3A_802, %add3A_1268 : i32
      %dma_wait3A_1270 = arith.constant 0 : i32
      %dma_wait3A_1271 = tpu.memref_slice %arg6[%add3A_1269, %dma_wait3A_1270] : memref<10000x128xf32, #tpu.memory_space<vmem_shared>> -> memref<16x128xf32, #tpu.memory_space<vmem_shared>>
      %dma_wait3A_1272 = arith.constant 0 : i32
      %dma_wait3A_1273 = tpu.memref_slice %arg6[%add3A_1269, %dma_wait3A_1272] : memref<10000x128xf32, #tpu.memory_space<vmem_shared>> -> memref<16x128xf32, #tpu.memory_space<vmem_shared>>
      tpu.wait_dma2 semaphore(%arg21 : memref<!tpu.dma_semaphore, #tpu.memory_space<semaphore_mem>>) src(%arg16 : memref<16x128xf32, #tpu.memory_space<vmem>>) dst(%dma_wait3A_1273 : memref<16x128xf32, #tpu.memory_space<vmem_shared>>)
      %add3A_1274 = arith.constant 512 : i32
      %add3A_1275 = arith.addi %multiple_of3A_802, %add3A_1274 : i32
      %dma_wait3A_1276 = arith.constant 0 : i32
      %dma_wait3A_1277 = tpu.memref_slice %arg6[%add3A_1275, %dma_wait3A_1276] : memref<10000x128xf32, #tpu.memory_space<vmem_shared>> -> memref<16x128xf32, #tpu.memory_space<vmem_shared>>
      %dma_wait3A_1278 = arith.constant 0 : i32
      %dma_wait3A_1279 = tpu.memref_slice %arg6[%add3A_1275, %dma_wait3A_1278] : memref<10000x128xf32, #tpu.memory_space<vmem_shared>> -> memref<16x128xf32, #tpu.memory_space<vmem_shared>>
      tpu.wait_dma2 semaphore(%arg21 : memref<!tpu.dma_semaphore, #tpu.memory_space<semaphore_mem>>) src(%arg16 : memref<16x128xf32, #tpu.memory_space<vmem>>) dst(%dma_wait3A_1279 : memref<16x128xf32, #tpu.memory_space<vmem_shared>>)
      %add3A_1280 = arith.constant 528 : i32
      %add3A_1281 = arith.addi %multiple_of3A_802, %add3A_1280 : i32
      %dma_wait3A_1282 = arith.constant 0 : i32
      %dma_wait3A_1283 = tpu.memref_slice %arg6[%add3A_1281, %dma_wait3A_1282] : memref<10000x128xf32, #tpu.memory_space<vmem_shared>> -> memref<16x128xf32, #tpu.memory_space<vmem_shared>>
      %dma_wait3A_1284 = arith.constant 0 : i32
      %dma_wait3A_1285 = tpu.memref_slice %arg6[%add3A_1281, %dma_wait3A_1284] : memref<10000x128xf32, #tpu.memory_space<vmem_shared>> -> memref<16x128xf32, #tpu.memory_space<vmem_shared>>
      tpu.wait_dma2 semaphore(%arg21 : memref<!tpu.dma_semaphore, #tpu.memory_space<semaphore_mem>>) src(%arg16 : memref<16x128xf32, #tpu.memory_space<vmem>>) dst(%dma_wait3A_1285 : memref<16x128xf32, #tpu.memory_space<vmem_shared>>)
      %add3A_1286 = arith.constant 544 : i32
      %add3A_1287 = arith.addi %multiple_of3A_802, %add3A_1286 : i32
      %dma_wait3A_1288 = arith.constant 0 : i32
      %dma_wait3A_1289 = tpu.memref_slice %arg6[%add3A_1287, %dma_wait3A_1288] : memref<10000x128xf32, #tpu.memory_space<vmem_shared>> -> memref<16x128xf32, #tpu.memory_space<vmem_shared>>
      %dma_wait3A_1290 = arith.constant 0 : i32
      %dma_wait3A_1291 = tpu.memref_slice %arg6[%add3A_1287, %dma_wait3A_1290] : memref<10000x128xf32, #tpu.memory_space<vmem_shared>> -> memref<16x128xf32, #tpu.memory_space<vmem_shared>>
      tpu.wait_dma2 semaphore(%arg21 : memref<!tpu.dma_semaphore, #tpu.memory_space<semaphore_mem>>) src(%arg16 : memref<16x128xf32, #tpu.memory_space<vmem>>) dst(%dma_wait3A_1291 : memref<16x128xf32, #tpu.memory_space<vmem_shared>>)
      %add3A_1292 = arith.constant 560 : i32
      %add3A_1293 = arith.addi %multiple_of3A_802, %add3A_1292 : i32
      %dma_wait3A_1294 = arith.constant 0 : i32
      %dma_wait3A_1295 = tpu.memref_slice %arg6[%add3A_1293, %dma_wait3A_1294] : memref<10000x128xf32, #tpu.memory_space<vmem_shared>> -> memref<16x128xf32, #tpu.memory_space<vmem_shared>>
      %dma_wait3A_1296 = arith.constant 0 : i32
      %dma_wait3A_1297 = tpu.memref_slice %arg6[%add3A_1293, %dma_wait3A_1296] : memref<10000x128xf32, #tpu.memory_space<vmem_shared>> -> memref<16x128xf32, #tpu.memory_space<vmem_shared>>
      tpu.wait_dma2 semaphore(%arg21 : memref<!tpu.dma_semaphore, #tpu.memory_space<semaphore_mem>>) src(%arg16 : memref<16x128xf32, #tpu.memory_space<vmem>>) dst(%dma_wait3A_1297 : memref<16x128xf32, #tpu.memory_space<vmem_shared>>)
      %add3A_1298 = arith.constant 576 : i32
      %add3A_1299 = arith.addi %multiple_of3A_802, %add3A_1298 : i32
      %dma_wait3A_1300 = arith.constant 0 : i32
      %dma_wait3A_1301 = tpu.memref_slice %arg6[%add3A_1299, %dma_wait3A_1300] : memref<10000x128xf32, #tpu.memory_space<vmem_shared>> -> memref<16x128xf32, #tpu.memory_space<vmem_shared>>
      %dma_wait3A_1302 = arith.constant 0 : i32
      %dma_wait3A_1303 = tpu.memref_slice %arg6[%add3A_1299, %dma_wait3A_1302] : memref<10000x128xf32, #tpu.memory_space<vmem_shared>> -> memref<16x128xf32, #tpu.memory_space<vmem_shared>>
      tpu.wait_dma2 semaphore(%arg21 : memref<!tpu.dma_semaphore, #tpu.memory_space<semaphore_mem>>) src(%arg16 : memref<16x128xf32, #tpu.memory_space<vmem>>) dst(%dma_wait3A_1303 : memref<16x128xf32, #tpu.memory_space<vmem_shared>>)
      %add3A_1304 = arith.constant 592 : i32
      %add3A_1305 = arith.addi %multiple_of3A_802, %add3A_1304 : i32
      %dma_wait3A_1306 = arith.constant 0 : i32
      %dma_wait3A_1307 = tpu.memref_slice %arg6[%add3A_1305, %dma_wait3A_1306] : memref<10000x128xf32, #tpu.memory_space<vmem_shared>> -> memref<16x128xf32, #tpu.memory_space<vmem_shared>>
      %dma_wait3A_1308 = arith.constant 0 : i32
      %dma_wait3A_1309 = tpu.memref_slice %arg6[%add3A_1305, %dma_wait3A_1308] : memref<10000x128xf32, #tpu.memory_space<vmem_shared>> -> memref<16x128xf32, #tpu.memory_space<vmem_shared>>
      tpu.wait_dma2 semaphore(%arg21 : memref<!tpu.dma_semaphore, #tpu.memory_space<semaphore_mem>>) src(%arg16 : memref<16x128xf32, #tpu.memory_space<vmem>>) dst(%dma_wait3A_1309 : memref<16x128xf32, #tpu.memory_space<vmem_shared>>)
      %add3A_1310 = arith.constant 608 : i32
      %add3A_1311 = arith.addi %multiple_of3A_802, %add3A_1310 : i32
      %dma_wait3A_1312 = arith.constant 0 : i32
      %dma_wait3A_1313 = tpu.memref_slice %arg6[%add3A_1311, %dma_wait3A_1312] : memref<10000x128xf32, #tpu.memory_space<vmem_shared>> -> memref<16x128xf32, #tpu.memory_space<vmem_shared>>
      %dma_wait3A_1314 = arith.constant 0 : i32
      %dma_wait3A_1315 = tpu.memref_slice %arg6[%add3A_1311, %dma_wait3A_1314] : memref<10000x128xf32, #tpu.memory_space<vmem_shared>> -> memref<16x128xf32, #tpu.memory_space<vmem_shared>>
      tpu.wait_dma2 semaphore(%arg21 : memref<!tpu.dma_semaphore, #tpu.memory_space<semaphore_mem>>) src(%arg16 : memref<16x128xf32, #tpu.memory_space<vmem>>) dst(%dma_wait3A_1315 : memref<16x128xf32, #tpu.memory_space<vmem_shared>>)
    } else {
    }
    %eq3A = arith.constant 15 : i32
    %eq3A_805 = arith.cmpi eq, %arg1, %eq3A : i32
    %convert_element_type3A_806 = arith.extui %eq3A_805 : i1 to i32
    %cond3A_807 = arith.constant 0 : i32
    %cond3A_808 = arith.cmpi ne, %convert_element_type3A_806, %cond3A_807 : i32
    scf.if %cond3A_808 {
      %dma_start3A_848 = arith.constant 9360 : i32
      %dma_start3A_849 = arith.constant 0 : i32
      %dma_start3A_850 = tpu.memref_slice %arg6[%dma_start3A_848, %dma_start3A_849] : memref<10000x128xf32, #tpu.memory_space<vmem_shared>> -> memref<16x128xf32, #tpu.memory_space<vmem_shared>>
      %dma_start3A_851 = arith.constant 9360 : i32
      %dma_start3A_852 = arith.constant 0 : i32
      %dma_start3A_853 = tpu.memref_slice %arg6[%dma_start3A_851, %dma_start3A_852] : memref<10000x128xf32, #tpu.memory_space<vmem_shared>> -> memref<16x128xf32, #tpu.memory_space<vmem_shared>>
      tpu.enqueue_dma source(%arg16 : memref<16x128xf32, #tpu.memory_space<vmem>>) target(%dma_start3A_853 : memref<16x128xf32, #tpu.memory_space<vmem_shared>>) target_semaphore(%arg21 : memref<!tpu.dma_semaphore, #tpu.memory_space<semaphore_mem>>)
      %dma_start3A_854 = arith.constant 9376 : i32
      %dma_start3A_855 = arith.constant 0 : i32
      %dma_start3A_856 = tpu.memref_slice %arg6[%dma_start3A_854, %dma_start3A_855] : memref<10000x128xf32, #tpu.memory_space<vmem_shared>> -> memref<16x128xf32, #tpu.memory_space<vmem_shared>>
      %dma_start3A_857 = arith.constant 9376 : i32
      %dma_start3A_858 = arith.constant 0 : i32
      %dma_start3A_859 = tpu.memref_slice %arg6[%dma_start3A_857, %dma_start3A_858] : memref<10000x128xf32, #tpu.memory_space<vmem_shared>> -> memref<16x128xf32, #tpu.memory_space<vmem_shared>>
      tpu.enqueue_dma source(%arg16 : memref<16x128xf32, #tpu.memory_space<vmem>>) target(%dma_start3A_859 : memref<16x128xf32, #tpu.memory_space<vmem_shared>>) target_semaphore(%arg21 : memref<!tpu.dma_semaphore, #tpu.memory_space<semaphore_mem>>)
      %dma_start3A_860 = arith.constant 9392 : i32
      %dma_start3A_861 = arith.constant 0 : i32
      %dma_start3A_862 = tpu.memref_slice %arg6[%dma_start3A_860, %dma_start3A_861] : memref<10000x128xf32, #tpu.memory_space<vmem_shared>> -> memref<16x128xf32, #tpu.memory_space<vmem_shared>>
      %dma_start3A_863 = arith.constant 9392 : i32
      %dma_start3A_864 = arith.constant 0 : i32
      %dma_start3A_865 = tpu.memref_slice %arg6[%dma_start3A_863, %dma_start3A_864] : memref<10000x128xf32, #tpu.memory_space<vmem_shared>> -> memref<16x128xf32, #tpu.memory_space<vmem_shared>>
      tpu.enqueue_dma source(%arg16 : memref<16x128xf32, #tpu.memory_space<vmem>>) target(%dma_start3A_865 : memref<16x128xf32, #tpu.memory_space<vmem_shared>>) target_semaphore(%arg21 : memref<!tpu.dma_semaphore, #tpu.memory_space<semaphore_mem>>)
      %dma_start3A_866 = arith.constant 9408 : i32
      %dma_start3A_867 = arith.constant 0 : i32
      %dma_start3A_868 = tpu.memref_slice %arg6[%dma_start3A_866, %dma_start3A_867] : memref<10000x128xf32, #tpu.memory_space<vmem_shared>> -> memref<16x128xf32, #tpu.memory_space<vmem_shared>>
      %dma_start3A_869 = arith.constant 9408 : i32
      %dma_start3A_870 = arith.constant 0 : i32
      %dma_start3A_871 = tpu.memref_slice %arg6[%dma_start3A_869, %dma_start3A_870] : memref<10000x128xf32, #tpu.memory_space<vmem_shared>> -> memref<16x128xf32, #tpu.memory_space<vmem_shared>>
      tpu.enqueue_dma source(%arg16 : memref<16x128xf32, #tpu.memory_space<vmem>>) target(%dma_start3A_871 : memref<16x128xf32, #tpu.memory_space<vmem_shared>>) target_semaphore(%arg21 : memref<!tpu.dma_semaphore, #tpu.memory_space<semaphore_mem>>)
      %dma_start3A_872 = arith.constant 9424 : i32
      %dma_start3A_873 = arith.constant 0 : i32
      %dma_start3A_874 = tpu.memref_slice %arg6[%dma_start3A_872, %dma_start3A_873] : memref<10000x128xf32, #tpu.memory_space<vmem_shared>> -> memref<16x128xf32, #tpu.memory_space<vmem_shared>>
      %dma_start3A_875 = arith.constant 9424 : i32
      %dma_start3A_876 = arith.constant 0 : i32
      %dma_start3A_877 = tpu.memref_slice %arg6[%dma_start3A_875, %dma_start3A_876] : memref<10000x128xf32, #tpu.memory_space<vmem_shared>> -> memref<16x128xf32, #tpu.memory_space<vmem_shared>>
      tpu.enqueue_dma source(%arg16 : memref<16x128xf32, #tpu.memory_space<vmem>>) target(%dma_start3A_877 : memref<16x128xf32, #tpu.memory_space<vmem_shared>>) target_semaphore(%arg21 : memref<!tpu.dma_semaphore, #tpu.memory_space<semaphore_mem>>)
      %dma_start3A_878 = arith.constant 9440 : i32
      %dma_start3A_879 = arith.constant 0 : i32
      %dma_start3A_880 = tpu.memref_slice %arg6[%dma_start3A_878, %dma_start3A_879] : memref<10000x128xf32, #tpu.memory_space<vmem_shared>> -> memref<16x128xf32, #tpu.memory_space<vmem_shared>>
      %dma_start3A_881 = arith.constant 9440 : i32
      %dma_start3A_882 = arith.constant 0 : i32
      %dma_start3A_883 = tpu.memref_slice %arg6[%dma_start3A_881, %dma_start3A_882] : memref<10000x128xf32, #tpu.memory_space<vmem_shared>> -> memref<16x128xf32, #tpu.memory_space<vmem_shared>>
      tpu.enqueue_dma source(%arg16 : memref<16x128xf32, #tpu.memory_space<vmem>>) target(%dma_start3A_883 : memref<16x128xf32, #tpu.memory_space<vmem_shared>>) target_semaphore(%arg21 : memref<!tpu.dma_semaphore, #tpu.memory_space<semaphore_mem>>)
      %dma_start3A_884 = arith.constant 9456 : i32
      %dma_start3A_885 = arith.constant 0 : i32
      %dma_start3A_886 = tpu.memref_slice %arg6[%dma_start3A_884, %dma_start3A_885] : memref<10000x128xf32, #tpu.memory_space<vmem_shared>> -> memref<16x128xf32, #tpu.memory_space<vmem_shared>>
      %dma_start3A_887 = arith.constant 9456 : i32
      %dma_start3A_888 = arith.constant 0 : i32
      %dma_start3A_889 = tpu.memref_slice %arg6[%dma_start3A_887, %dma_start3A_888] : memref<10000x128xf32, #tpu.memory_space<vmem_shared>> -> memref<16x128xf32, #tpu.memory_space<vmem_shared>>
      tpu.enqueue_dma source(%arg16 : memref<16x128xf32, #tpu.memory_space<vmem>>) target(%dma_start3A_889 : memref<16x128xf32, #tpu.memory_space<vmem_shared>>) target_semaphore(%arg21 : memref<!tpu.dma_semaphore, #tpu.memory_space<semaphore_mem>>)
      %dma_start3A_890 = arith.constant 9472 : i32
      %dma_start3A_891 = arith.constant 0 : i32
      %dma_start3A_892 = tpu.memref_slice %arg6[%dma_start3A_890, %dma_start3A_891] : memref<10000x128xf32, #tpu.memory_space<vmem_shared>> -> memref<16x128xf32, #tpu.memory_space<vmem_shared>>
      %dma_start3A_893 = arith.constant 9472 : i32
      %dma_start3A_894 = arith.constant 0 : i32
      %dma_start3A_895 = tpu.memref_slice %arg6[%dma_start3A_893, %dma_start3A_894] : memref<10000x128xf32, #tpu.memory_space<vmem_shared>> -> memref<16x128xf32, #tpu.memory_space<vmem_shared>>
      tpu.enqueue_dma source(%arg16 : memref<16x128xf32, #tpu.memory_space<vmem>>) target(%dma_start3A_895 : memref<16x128xf32, #tpu.memory_space<vmem_shared>>) target_semaphore(%arg21 : memref<!tpu.dma_semaphore, #tpu.memory_space<semaphore_mem>>)
      %dma_start3A_896 = arith.constant 9488 : i32
      %dma_start3A_897 = arith.constant 0 : i32
      %dma_start3A_898 = tpu.memref_slice %arg6[%dma_start3A_896, %dma_start3A_897] : memref<10000x128xf32, #tpu.memory_space<vmem_shared>> -> memref<16x128xf32, #tpu.memory_space<vmem_shared>>
      %dma_start3A_899 = arith.constant 9488 : i32
      %dma_start3A_900 = arith.constant 0 : i32
      %dma_start3A_901 = tpu.memref_slice %arg6[%dma_start3A_899, %dma_start3A_900] : memref<10000x128xf32, #tpu.memory_space<vmem_shared>> -> memref<16x128xf32, #tpu.memory_space<vmem_shared>>
      tpu.enqueue_dma source(%arg16 : memref<16x128xf32, #tpu.memory_space<vmem>>) target(%dma_start3A_901 : memref<16x128xf32, #tpu.memory_space<vmem_shared>>) target_semaphore(%arg21 : memref<!tpu.dma_semaphore, #tpu.memory_space<semaphore_mem>>)
      %dma_start3A_902 = arith.constant 9504 : i32
      %dma_start3A_903 = arith.constant 0 : i32
      %dma_start3A_904 = tpu.memref_slice %arg6[%dma_start3A_902, %dma_start3A_903] : memref<10000x128xf32, #tpu.memory_space<vmem_shared>> -> memref<16x128xf32, #tpu.memory_space<vmem_shared>>
      %dma_start3A_905 = arith.constant 9504 : i32
      %dma_start3A_906 = arith.constant 0 : i32
      %dma_start3A_907 = tpu.memref_slice %arg6[%dma_start3A_905, %dma_start3A_906] : memref<10000x128xf32, #tpu.memory_space<vmem_shared>> -> memref<16x128xf32, #tpu.memory_space<vmem_shared>>
      tpu.enqueue_dma source(%arg16 : memref<16x128xf32, #tpu.memory_space<vmem>>) target(%dma_start3A_907 : memref<16x128xf32, #tpu.memory_space<vmem_shared>>) target_semaphore(%arg21 : memref<!tpu.dma_semaphore, #tpu.memory_space<semaphore_mem>>)
      %dma_start3A_908 = arith.constant 9520 : i32
      %dma_start3A_909 = arith.constant 0 : i32
      %dma_start3A_910 = tpu.memref_slice %arg6[%dma_start3A_908, %dma_start3A_909] : memref<10000x128xf32, #tpu.memory_space<vmem_shared>> -> memref<16x128xf32, #tpu.memory_space<vmem_shared>>
      %dma_start3A_911 = arith.constant 9520 : i32
      %dma_start3A_912 = arith.constant 0 : i32
      %dma_start3A_913 = tpu.memref_slice %arg6[%dma_start3A_911, %dma_start3A_912] : memref<10000x128xf32, #tpu.memory_space<vmem_shared>> -> memref<16x128xf32, #tpu.memory_space<vmem_shared>>
      tpu.enqueue_dma source(%arg16 : memref<16x128xf32, #tpu.memory_space<vmem>>) target(%dma_start3A_913 : memref<16x128xf32, #tpu.memory_space<vmem_shared>>) target_semaphore(%arg21 : memref<!tpu.dma_semaphore, #tpu.memory_space<semaphore_mem>>)
      %dma_start3A_914 = arith.constant 9536 : i32
      %dma_start3A_915 = arith.constant 0 : i32
      %dma_start3A_916 = tpu.memref_slice %arg6[%dma_start3A_914, %dma_start3A_915] : memref<10000x128xf32, #tpu.memory_space<vmem_shared>> -> memref<16x128xf32, #tpu.memory_space<vmem_shared>>
      %dma_start3A_917 = arith.constant 9536 : i32
      %dma_start3A_918 = arith.constant 0 : i32
      %dma_start3A_919 = tpu.memref_slice %arg6[%dma_start3A_917, %dma_start3A_918] : memref<10000x128xf32, #tpu.memory_space<vmem_shared>> -> memref<16x128xf32, #tpu.memory_space<vmem_shared>>
      tpu.enqueue_dma source(%arg16 : memref<16x128xf32, #tpu.memory_space<vmem>>) target(%dma_start3A_919 : memref<16x128xf32, #tpu.memory_space<vmem_shared>>) target_semaphore(%arg21 : memref<!tpu.dma_semaphore, #tpu.memory_space<semaphore_mem>>)
      %dma_start3A_920 = arith.constant 9552 : i32
      %dma_start3A_921 = arith.constant 0 : i32
      %dma_start3A_922 = tpu.memref_slice %arg6[%dma_start3A_920, %dma_start3A_921] : memref<10000x128xf32, #tpu.memory_space<vmem_shared>> -> memref<16x128xf32, #tpu.memory_space<vmem_shared>>
      %dma_start3A_923 = arith.constant 9552 : i32
      %dma_start3A_924 = arith.constant 0 : i32
      %dma_start3A_925 = tpu.memref_slice %arg6[%dma_start3A_923, %dma_start3A_924] : memref<10000x128xf32, #tpu.memory_space<vmem_shared>> -> memref<16x128xf32, #tpu.memory_space<vmem_shared>>
      tpu.enqueue_dma source(%arg16 : memref<16x128xf32, #tpu.memory_space<vmem>>) target(%dma_start3A_925 : memref<16x128xf32, #tpu.memory_space<vmem_shared>>) target_semaphore(%arg21 : memref<!tpu.dma_semaphore, #tpu.memory_space<semaphore_mem>>)
      %dma_start3A_926 = arith.constant 9568 : i32
      %dma_start3A_927 = arith.constant 0 : i32
      %dma_start3A_928 = tpu.memref_slice %arg6[%dma_start3A_926, %dma_start3A_927] : memref<10000x128xf32, #tpu.memory_space<vmem_shared>> -> memref<16x128xf32, #tpu.memory_space<vmem_shared>>
      %dma_start3A_929 = arith.constant 9568 : i32
      %dma_start3A_930 = arith.constant 0 : i32
      %dma_start3A_931 = tpu.memref_slice %arg6[%dma_start3A_929, %dma_start3A_930] : memref<10000x128xf32, #tpu.memory_space<vmem_shared>> -> memref<16x128xf32, #tpu.memory_space<vmem_shared>>
      tpu.enqueue_dma source(%arg16 : memref<16x128xf32, #tpu.memory_space<vmem>>) target(%dma_start3A_931 : memref<16x128xf32, #tpu.memory_space<vmem_shared>>) target_semaphore(%arg21 : memref<!tpu.dma_semaphore, #tpu.memory_space<semaphore_mem>>)
      %dma_start3A_932 = arith.constant 9584 : i32
      %dma_start3A_933 = arith.constant 0 : i32
      %dma_start3A_934 = tpu.memref_slice %arg6[%dma_start3A_932, %dma_start3A_933] : memref<10000x128xf32, #tpu.memory_space<vmem_shared>> -> memref<16x128xf32, #tpu.memory_space<vmem_shared>>
      %dma_start3A_935 = arith.constant 9584 : i32
      %dma_start3A_936 = arith.constant 0 : i32
      %dma_start3A_937 = tpu.memref_slice %arg6[%dma_start3A_935, %dma_start3A_936] : memref<10000x128xf32, #tpu.memory_space<vmem_shared>> -> memref<16x128xf32, #tpu.memory_space<vmem_shared>>
      tpu.enqueue_dma source(%arg16 : memref<16x128xf32, #tpu.memory_space<vmem>>) target(%dma_start3A_937 : memref<16x128xf32, #tpu.memory_space<vmem_shared>>) target_semaphore(%arg21 : memref<!tpu.dma_semaphore, #tpu.memory_space<semaphore_mem>>)
      %dma_start3A_938 = arith.constant 9600 : i32
      %dma_start3A_939 = arith.constant 0 : i32
      %dma_start3A_940 = tpu.memref_slice %arg6[%dma_start3A_938, %dma_start3A_939] : memref<10000x128xf32, #tpu.memory_space<vmem_shared>> -> memref<16x128xf32, #tpu.memory_space<vmem_shared>>
      %dma_start3A_941 = arith.constant 9600 : i32
      %dma_start3A_942 = arith.constant 0 : i32
      %dma_start3A_943 = tpu.memref_slice %arg6[%dma_start3A_941, %dma_start3A_942] : memref<10000x128xf32, #tpu.memory_space<vmem_shared>> -> memref<16x128xf32, #tpu.memory_space<vmem_shared>>
      tpu.enqueue_dma source(%arg16 : memref<16x128xf32, #tpu.memory_space<vmem>>) target(%dma_start3A_943 : memref<16x128xf32, #tpu.memory_space<vmem_shared>>) target_semaphore(%arg21 : memref<!tpu.dma_semaphore, #tpu.memory_space<semaphore_mem>>)
      %dma_start3A_944 = arith.constant 9616 : i32
      %dma_start3A_945 = arith.constant 0 : i32
      %dma_start3A_946 = tpu.memref_slice %arg6[%dma_start3A_944, %dma_start3A_945] : memref<10000x128xf32, #tpu.memory_space<vmem_shared>> -> memref<16x128xf32, #tpu.memory_space<vmem_shared>>
      %dma_start3A_947 = arith.constant 9616 : i32
      %dma_start3A_948 = arith.constant 0 : i32
      %dma_start3A_949 = tpu.memref_slice %arg6[%dma_start3A_947, %dma_start3A_948] : memref<10000x128xf32, #tpu.memory_space<vmem_shared>> -> memref<16x128xf32, #tpu.memory_space<vmem_shared>>
      tpu.enqueue_dma source(%arg16 : memref<16x128xf32, #tpu.memory_space<vmem>>) target(%dma_start3A_949 : memref<16x128xf32, #tpu.memory_space<vmem_shared>>) target_semaphore(%arg21 : memref<!tpu.dma_semaphore, #tpu.memory_space<semaphore_mem>>)
      %dma_start3A_950 = arith.constant 9632 : i32
      %dma_start3A_951 = arith.constant 0 : i32
      %dma_start3A_952 = tpu.memref_slice %arg6[%dma_start3A_950, %dma_start3A_951] : memref<10000x128xf32, #tpu.memory_space<vmem_shared>> -> memref<16x128xf32, #tpu.memory_space<vmem_shared>>
      %dma_start3A_953 = arith.constant 9632 : i32
      %dma_start3A_954 = arith.constant 0 : i32
      %dma_start3A_955 = tpu.memref_slice %arg6[%dma_start3A_953, %dma_start3A_954] : memref<10000x128xf32, #tpu.memory_space<vmem_shared>> -> memref<16x128xf32, #tpu.memory_space<vmem_shared>>
      tpu.enqueue_dma source(%arg16 : memref<16x128xf32, #tpu.memory_space<vmem>>) target(%dma_start3A_955 : memref<16x128xf32, #tpu.memory_space<vmem_shared>>) target_semaphore(%arg21 : memref<!tpu.dma_semaphore, #tpu.memory_space<semaphore_mem>>)
      %dma_start3A_956 = arith.constant 9648 : i32
      %dma_start3A_957 = arith.constant 0 : i32
      %dma_start3A_958 = tpu.memref_slice %arg6[%dma_start3A_956, %dma_start3A_957] : memref<10000x128xf32, #tpu.memory_space<vmem_shared>> -> memref<16x128xf32, #tpu.memory_space<vmem_shared>>
      %dma_start3A_959 = arith.constant 9648 : i32
      %dma_start3A_960 = arith.constant 0 : i32
      %dma_start3A_961 = tpu.memref_slice %arg6[%dma_start3A_959, %dma_start3A_960] : memref<10000x128xf32, #tpu.memory_space<vmem_shared>> -> memref<16x128xf32, #tpu.memory_space<vmem_shared>>
      tpu.enqueue_dma source(%arg16 : memref<16x128xf32, #tpu.memory_space<vmem>>) target(%dma_start3A_961 : memref<16x128xf32, #tpu.memory_space<vmem_shared>>) target_semaphore(%arg21 : memref<!tpu.dma_semaphore, #tpu.memory_space<semaphore_mem>>)
      %dma_start3A_962 = arith.constant 9664 : i32
      %dma_start3A_963 = arith.constant 0 : i32
      %dma_start3A_964 = tpu.memref_slice %arg6[%dma_start3A_962, %dma_start3A_963] : memref<10000x128xf32, #tpu.memory_space<vmem_shared>> -> memref<16x128xf32, #tpu.memory_space<vmem_shared>>
      %dma_start3A_965 = arith.constant 9664 : i32
      %dma_start3A_966 = arith.constant 0 : i32
      %dma_start3A_967 = tpu.memref_slice %arg6[%dma_start3A_965, %dma_start3A_966] : memref<10000x128xf32, #tpu.memory_space<vmem_shared>> -> memref<16x128xf32, #tpu.memory_space<vmem_shared>>
      tpu.enqueue_dma source(%arg16 : memref<16x128xf32, #tpu.memory_space<vmem>>) target(%dma_start3A_967 : memref<16x128xf32, #tpu.memory_space<vmem_shared>>) target_semaphore(%arg21 : memref<!tpu.dma_semaphore, #tpu.memory_space<semaphore_mem>>)
      %dma_start3A_968 = arith.constant 9680 : i32
      %dma_start3A_969 = arith.constant 0 : i32
      %dma_start3A_970 = tpu.memref_slice %arg6[%dma_start3A_968, %dma_start3A_969] : memref<10000x128xf32, #tpu.memory_space<vmem_shared>> -> memref<16x128xf32, #tpu.memory_space<vmem_shared>>
      %dma_start3A_971 = arith.constant 9680 : i32
      %dma_start3A_972 = arith.constant 0 : i32
      %dma_start3A_973 = tpu.memref_slice %arg6[%dma_start3A_971, %dma_start3A_972] : memref<10000x128xf32, #tpu.memory_space<vmem_shared>> -> memref<16x128xf32, #tpu.memory_space<vmem_shared>>
      tpu.enqueue_dma source(%arg16 : memref<16x128xf32, #tpu.memory_space<vmem>>) target(%dma_start3A_973 : memref<16x128xf32, #tpu.memory_space<vmem_shared>>) target_semaphore(%arg21 : memref<!tpu.dma_semaphore, #tpu.memory_space<semaphore_mem>>)
      %dma_start3A_974 = arith.constant 9696 : i32
      %dma_start3A_975 = arith.constant 0 : i32
      %dma_start3A_976 = tpu.memref_slice %arg6[%dma_start3A_974, %dma_start3A_975] : memref<10000x128xf32, #tpu.memory_space<vmem_shared>> -> memref<16x128xf32, #tpu.memory_space<vmem_shared>>
      %dma_start3A_977 = arith.constant 9696 : i32
      %dma_start3A_978 = arith.constant 0 : i32
      %dma_start3A_979 = tpu.memref_slice %arg6[%dma_start3A_977, %dma_start3A_978] : memref<10000x128xf32, #tpu.memory_space<vmem_shared>> -> memref<16x128xf32, #tpu.memory_space<vmem_shared>>
      tpu.enqueue_dma source(%arg16 : memref<16x128xf32, #tpu.memory_space<vmem>>) target(%dma_start3A_979 : memref<16x128xf32, #tpu.memory_space<vmem_shared>>) target_semaphore(%arg21 : memref<!tpu.dma_semaphore, #tpu.memory_space<semaphore_mem>>)
      %dma_start3A_980 = arith.constant 9712 : i32
      %dma_start3A_981 = arith.constant 0 : i32
      %dma_start3A_982 = tpu.memref_slice %arg6[%dma_start3A_980, %dma_start3A_981] : memref<10000x128xf32, #tpu.memory_space<vmem_shared>> -> memref<16x128xf32, #tpu.memory_space<vmem_shared>>
      %dma_start3A_983 = arith.constant 9712 : i32
      %dma_start3A_984 = arith.constant 0 : i32
      %dma_start3A_985 = tpu.memref_slice %arg6[%dma_start3A_983, %dma_start3A_984] : memref<10000x128xf32, #tpu.memory_space<vmem_shared>> -> memref<16x128xf32, #tpu.memory_space<vmem_shared>>
      tpu.enqueue_dma source(%arg16 : memref<16x128xf32, #tpu.memory_space<vmem>>) target(%dma_start3A_985 : memref<16x128xf32, #tpu.memory_space<vmem_shared>>) target_semaphore(%arg21 : memref<!tpu.dma_semaphore, #tpu.memory_space<semaphore_mem>>)
      %dma_start3A_986 = arith.constant 9728 : i32
      %dma_start3A_987 = arith.constant 0 : i32
      %dma_start3A_988 = tpu.memref_slice %arg6[%dma_start3A_986, %dma_start3A_987] : memref<10000x128xf32, #tpu.memory_space<vmem_shared>> -> memref<16x128xf32, #tpu.memory_space<vmem_shared>>
      %dma_start3A_989 = arith.constant 9728 : i32
      %dma_start3A_990 = arith.constant 0 : i32
      %dma_start3A_991 = tpu.memref_slice %arg6[%dma_start3A_989, %dma_start3A_990] : memref<10000x128xf32, #tpu.memory_space<vmem_shared>> -> memref<16x128xf32, #tpu.memory_space<vmem_shared>>
      tpu.enqueue_dma source(%arg16 : memref<16x128xf32, #tpu.memory_space<vmem>>) target(%dma_start3A_991 : memref<16x128xf32, #tpu.memory_space<vmem_shared>>) target_semaphore(%arg21 : memref<!tpu.dma_semaphore, #tpu.memory_space<semaphore_mem>>)
      %dma_start3A_992 = arith.constant 9744 : i32
      %dma_start3A_993 = arith.constant 0 : i32
      %dma_start3A_994 = tpu.memref_slice %arg6[%dma_start3A_992, %dma_start3A_993] : memref<10000x128xf32, #tpu.memory_space<vmem_shared>> -> memref<16x128xf32, #tpu.memory_space<vmem_shared>>
      %dma_start3A_995 = arith.constant 9744 : i32
      %dma_start3A_996 = arith.constant 0 : i32
      %dma_start3A_997 = tpu.memref_slice %arg6[%dma_start3A_995, %dma_start3A_996] : memref<10000x128xf32, #tpu.memory_space<vmem_shared>> -> memref<16x128xf32, #tpu.memory_space<vmem_shared>>
      tpu.enqueue_dma source(%arg16 : memref<16x128xf32, #tpu.memory_space<vmem>>) target(%dma_start3A_997 : memref<16x128xf32, #tpu.memory_space<vmem_shared>>) target_semaphore(%arg21 : memref<!tpu.dma_semaphore, #tpu.memory_space<semaphore_mem>>)
      %dma_start3A_998 = arith.constant 9760 : i32
      %dma_start3A_999 = arith.constant 0 : i32
      %dma_start3A_1000 = tpu.memref_slice %arg6[%dma_start3A_998, %dma_start3A_999] : memref<10000x128xf32, #tpu.memory_space<vmem_shared>> -> memref<16x128xf32, #tpu.memory_space<vmem_shared>>
      %dma_start3A_1001 = arith.constant 9760 : i32
      %dma_start3A_1002 = arith.constant 0 : i32
      %dma_start3A_1003 = tpu.memref_slice %arg6[%dma_start3A_1001, %dma_start3A_1002] : memref<10000x128xf32, #tpu.memory_space<vmem_shared>> -> memref<16x128xf32, #tpu.memory_space<vmem_shared>>
      tpu.enqueue_dma source(%arg16 : memref<16x128xf32, #tpu.memory_space<vmem>>) target(%dma_start3A_1003 : memref<16x128xf32, #tpu.memory_space<vmem_shared>>) target_semaphore(%arg21 : memref<!tpu.dma_semaphore, #tpu.memory_space<semaphore_mem>>)
      %dma_start3A_1004 = arith.constant 9776 : i32
      %dma_start3A_1005 = arith.constant 0 : i32
      %dma_start3A_1006 = tpu.memref_slice %arg6[%dma_start3A_1004, %dma_start3A_1005] : memref<10000x128xf32, #tpu.memory_space<vmem_shared>> -> memref<16x128xf32, #tpu.memory_space<vmem_shared>>
      %dma_start3A_1007 = arith.constant 9776 : i32
      %dma_start3A_1008 = arith.constant 0 : i32
      %dma_start3A_1009 = tpu.memref_slice %arg6[%dma_start3A_1007, %dma_start3A_1008] : memref<10000x128xf32, #tpu.memory_space<vmem_shared>> -> memref<16x128xf32, #tpu.memory_space<vmem_shared>>
      tpu.enqueue_dma source(%arg16 : memref<16x128xf32, #tpu.memory_space<vmem>>) target(%dma_start3A_1009 : memref<16x128xf32, #tpu.memory_space<vmem_shared>>) target_semaphore(%arg21 : memref<!tpu.dma_semaphore, #tpu.memory_space<semaphore_mem>>)
      %dma_start3A_1010 = arith.constant 9792 : i32
      %dma_start3A_1011 = arith.constant 0 : i32
      %dma_start3A_1012 = tpu.memref_slice %arg6[%dma_start3A_1010, %dma_start3A_1011] : memref<10000x128xf32, #tpu.memory_space<vmem_shared>> -> memref<16x128xf32, #tpu.memory_space<vmem_shared>>
      %dma_start3A_1013 = arith.constant 9792 : i32
      %dma_start3A_1014 = arith.constant 0 : i32
      %dma_start3A_1015 = tpu.memref_slice %arg6[%dma_start3A_1013, %dma_start3A_1014] : memref<10000x128xf32, #tpu.memory_space<vmem_shared>> -> memref<16x128xf32, #tpu.memory_space<vmem_shared>>
      tpu.enqueue_dma source(%arg16 : memref<16x128xf32, #tpu.memory_space<vmem>>) target(%dma_start3A_1015 : memref<16x128xf32, #tpu.memory_space<vmem_shared>>) target_semaphore(%arg21 : memref<!tpu.dma_semaphore, #tpu.memory_space<semaphore_mem>>)
      %dma_start3A_1016 = arith.constant 9808 : i32
      %dma_start3A_1017 = arith.constant 0 : i32
      %dma_start3A_1018 = tpu.memref_slice %arg6[%dma_start3A_1016, %dma_start3A_1017] : memref<10000x128xf32, #tpu.memory_space<vmem_shared>> -> memref<16x128xf32, #tpu.memory_space<vmem_shared>>
      %dma_start3A_1019 = arith.constant 9808 : i32
      %dma_start3A_1020 = arith.constant 0 : i32
      %dma_start3A_1021 = tpu.memref_slice %arg6[%dma_start3A_1019, %dma_start3A_1020] : memref<10000x128xf32, #tpu.memory_space<vmem_shared>> -> memref<16x128xf32, #tpu.memory_space<vmem_shared>>
      tpu.enqueue_dma source(%arg16 : memref<16x128xf32, #tpu.memory_space<vmem>>) target(%dma_start3A_1021 : memref<16x128xf32, #tpu.memory_space<vmem_shared>>) target_semaphore(%arg21 : memref<!tpu.dma_semaphore, #tpu.memory_space<semaphore_mem>>)
      %dma_start3A_1022 = arith.constant 9824 : i32
      %dma_start3A_1023 = arith.constant 0 : i32
      %dma_start3A_1024 = tpu.memref_slice %arg6[%dma_start3A_1022, %dma_start3A_1023] : memref<10000x128xf32, #tpu.memory_space<vmem_shared>> -> memref<16x128xf32, #tpu.memory_space<vmem_shared>>
      %dma_start3A_1025 = arith.constant 9824 : i32
      %dma_start3A_1026 = arith.constant 0 : i32
      %dma_start3A_1027 = tpu.memref_slice %arg6[%dma_start3A_1025, %dma_start3A_1026] : memref<10000x128xf32, #tpu.memory_space<vmem_shared>> -> memref<16x128xf32, #tpu.memory_space<vmem_shared>>
      tpu.enqueue_dma source(%arg16 : memref<16x128xf32, #tpu.memory_space<vmem>>) target(%dma_start3A_1027 : memref<16x128xf32, #tpu.memory_space<vmem_shared>>) target_semaphore(%arg21 : memref<!tpu.dma_semaphore, #tpu.memory_space<semaphore_mem>>)
      %dma_start3A_1028 = arith.constant 9840 : i32
      %dma_start3A_1029 = arith.constant 0 : i32
      %dma_start3A_1030 = tpu.memref_slice %arg6[%dma_start3A_1028, %dma_start3A_1029] : memref<10000x128xf32, #tpu.memory_space<vmem_shared>> -> memref<16x128xf32, #tpu.memory_space<vmem_shared>>
      %dma_start3A_1031 = arith.constant 9840 : i32
      %dma_start3A_1032 = arith.constant 0 : i32
      %dma_start3A_1033 = tpu.memref_slice %arg6[%dma_start3A_1031, %dma_start3A_1032] : memref<10000x128xf32, #tpu.memory_space<vmem_shared>> -> memref<16x128xf32, #tpu.memory_space<vmem_shared>>
      tpu.enqueue_dma source(%arg16 : memref<16x128xf32, #tpu.memory_space<vmem>>) target(%dma_start3A_1033 : memref<16x128xf32, #tpu.memory_space<vmem_shared>>) target_semaphore(%arg21 : memref<!tpu.dma_semaphore, #tpu.memory_space<semaphore_mem>>)
      %dma_start3A_1034 = arith.constant 9856 : i32
      %dma_start3A_1035 = arith.constant 0 : i32
      %dma_start3A_1036 = tpu.memref_slice %arg6[%dma_start3A_1034, %dma_start3A_1035] : memref<10000x128xf32, #tpu.memory_space<vmem_shared>> -> memref<16x128xf32, #tpu.memory_space<vmem_shared>>
      %dma_start3A_1037 = arith.constant 9856 : i32
      %dma_start3A_1038 = arith.constant 0 : i32
      %dma_start3A_1039 = tpu.memref_slice %arg6[%dma_start3A_1037, %dma_start3A_1038] : memref<10000x128xf32, #tpu.memory_space<vmem_shared>> -> memref<16x128xf32, #tpu.memory_space<vmem_shared>>
      tpu.enqueue_dma source(%arg16 : memref<16x128xf32, #tpu.memory_space<vmem>>) target(%dma_start3A_1039 : memref<16x128xf32, #tpu.memory_space<vmem_shared>>) target_semaphore(%arg21 : memref<!tpu.dma_semaphore, #tpu.memory_space<semaphore_mem>>)
      %dma_start3A_1040 = arith.constant 9872 : i32
      %dma_start3A_1041 = arith.constant 0 : i32
      %dma_start3A_1042 = tpu.memref_slice %arg6[%dma_start3A_1040, %dma_start3A_1041] : memref<10000x128xf32, #tpu.memory_space<vmem_shared>> -> memref<16x128xf32, #tpu.memory_space<vmem_shared>>
      %dma_start3A_1043 = arith.constant 9872 : i32
      %dma_start3A_1044 = arith.constant 0 : i32
      %dma_start3A_1045 = tpu.memref_slice %arg6[%dma_start3A_1043, %dma_start3A_1044] : memref<10000x128xf32, #tpu.memory_space<vmem_shared>> -> memref<16x128xf32, #tpu.memory_space<vmem_shared>>
      tpu.enqueue_dma source(%arg16 : memref<16x128xf32, #tpu.memory_space<vmem>>) target(%dma_start3A_1045 : memref<16x128xf32, #tpu.memory_space<vmem_shared>>) target_semaphore(%arg21 : memref<!tpu.dma_semaphore, #tpu.memory_space<semaphore_mem>>)
      %dma_start3A_1046 = arith.constant 9888 : i32
      %dma_start3A_1047 = arith.constant 0 : i32
      %dma_start3A_1048 = tpu.memref_slice %arg6[%dma_start3A_1046, %dma_start3A_1047] : memref<10000x128xf32, #tpu.memory_space<vmem_shared>> -> memref<16x128xf32, #tpu.memory_space<vmem_shared>>
      %dma_start3A_1049 = arith.constant 9888 : i32
      %dma_start3A_1050 = arith.constant 0 : i32
      %dma_start3A_1051 = tpu.memref_slice %arg6[%dma_start3A_1049, %dma_start3A_1050] : memref<10000x128xf32, #tpu.memory_space<vmem_shared>> -> memref<16x128xf32, #tpu.memory_space<vmem_shared>>
      tpu.enqueue_dma source(%arg16 : memref<16x128xf32, #tpu.memory_space<vmem>>) target(%dma_start3A_1051 : memref<16x128xf32, #tpu.memory_space<vmem_shared>>) target_semaphore(%arg21 : memref<!tpu.dma_semaphore, #tpu.memory_space<semaphore_mem>>)
      %dma_start3A_1052 = arith.constant 9904 : i32
      %dma_start3A_1053 = arith.constant 0 : i32
      %dma_start3A_1054 = tpu.memref_slice %arg6[%dma_start3A_1052, %dma_start3A_1053] : memref<10000x128xf32, #tpu.memory_space<vmem_shared>> -> memref<16x128xf32, #tpu.memory_space<vmem_shared>>
      %dma_start3A_1055 = arith.constant 9904 : i32
      %dma_start3A_1056 = arith.constant 0 : i32
      %dma_start3A_1057 = tpu.memref_slice %arg6[%dma_start3A_1055, %dma_start3A_1056] : memref<10000x128xf32, #tpu.memory_space<vmem_shared>> -> memref<16x128xf32, #tpu.memory_space<vmem_shared>>
      tpu.enqueue_dma source(%arg16 : memref<16x128xf32, #tpu.memory_space<vmem>>) target(%dma_start3A_1057 : memref<16x128xf32, #tpu.memory_space<vmem_shared>>) target_semaphore(%arg21 : memref<!tpu.dma_semaphore, #tpu.memory_space<semaphore_mem>>)
      %dma_start3A_1058 = arith.constant 9920 : i32
      %dma_start3A_1059 = arith.constant 0 : i32
      %dma_start3A_1060 = tpu.memref_slice %arg6[%dma_start3A_1058, %dma_start3A_1059] : memref<10000x128xf32, #tpu.memory_space<vmem_shared>> -> memref<16x128xf32, #tpu.memory_space<vmem_shared>>
      %dma_start3A_1061 = arith.constant 9920 : i32
      %dma_start3A_1062 = arith.constant 0 : i32
      %dma_start3A_1063 = tpu.memref_slice %arg6[%dma_start3A_1061, %dma_start3A_1062] : memref<10000x128xf32, #tpu.memory_space<vmem_shared>> -> memref<16x128xf32, #tpu.memory_space<vmem_shared>>
      tpu.enqueue_dma source(%arg16 : memref<16x128xf32, #tpu.memory_space<vmem>>) target(%dma_start3A_1063 : memref<16x128xf32, #tpu.memory_space<vmem_shared>>) target_semaphore(%arg21 : memref<!tpu.dma_semaphore, #tpu.memory_space<semaphore_mem>>)
      %dma_start3A_1064 = arith.constant 9936 : i32
      %dma_start3A_1065 = arith.constant 0 : i32
      %dma_start3A_1066 = tpu.memref_slice %arg6[%dma_start3A_1064, %dma_start3A_1065] : memref<10000x128xf32, #tpu.memory_space<vmem_shared>> -> memref<16x128xf32, #tpu.memory_space<vmem_shared>>
      %dma_start3A_1067 = arith.constant 9936 : i32
      %dma_start3A_1068 = arith.constant 0 : i32
      %dma_start3A_1069 = tpu.memref_slice %arg6[%dma_start3A_1067, %dma_start3A_1068] : memref<10000x128xf32, #tpu.memory_space<vmem_shared>> -> memref<16x128xf32, #tpu.memory_space<vmem_shared>>
      tpu.enqueue_dma source(%arg16 : memref<16x128xf32, #tpu.memory_space<vmem>>) target(%dma_start3A_1069 : memref<16x128xf32, #tpu.memory_space<vmem_shared>>) target_semaphore(%arg21 : memref<!tpu.dma_semaphore, #tpu.memory_space<semaphore_mem>>)
      %dma_start3A_1070 = arith.constant 9952 : i32
      %dma_start3A_1071 = arith.constant 0 : i32
      %dma_start3A_1072 = tpu.memref_slice %arg6[%dma_start3A_1070, %dma_start3A_1071] : memref<10000x128xf32, #tpu.memory_space<vmem_shared>> -> memref<16x128xf32, #tpu.memory_space<vmem_shared>>
      %dma_start3A_1073 = arith.constant 9952 : i32
      %dma_start3A_1074 = arith.constant 0 : i32
      %dma_start3A_1075 = tpu.memref_slice %arg6[%dma_start3A_1073, %dma_start3A_1074] : memref<10000x128xf32, #tpu.memory_space<vmem_shared>> -> memref<16x128xf32, #tpu.memory_space<vmem_shared>>
      tpu.enqueue_dma source(%arg16 : memref<16x128xf32, #tpu.memory_space<vmem>>) target(%dma_start3A_1075 : memref<16x128xf32, #tpu.memory_space<vmem_shared>>) target_semaphore(%arg21 : memref<!tpu.dma_semaphore, #tpu.memory_space<semaphore_mem>>)
      %dma_start3A_1076 = arith.constant 9968 : i32
      %dma_start3A_1077 = arith.constant 0 : i32
      %dma_start3A_1078 = tpu.memref_slice %arg6[%dma_start3A_1076, %dma_start3A_1077] : memref<10000x128xf32, #tpu.memory_space<vmem_shared>> -> memref<16x128xf32, #tpu.memory_space<vmem_shared>>
      %dma_start3A_1079 = arith.constant 9968 : i32
      %dma_start3A_1080 = arith.constant 0 : i32
      %dma_start3A_1081 = tpu.memref_slice %arg6[%dma_start3A_1079, %dma_start3A_1080] : memref<10000x128xf32, #tpu.memory_space<vmem_shared>> -> memref<16x128xf32, #tpu.memory_space<vmem_shared>>
      tpu.enqueue_dma source(%arg16 : memref<16x128xf32, #tpu.memory_space<vmem>>) target(%dma_start3A_1081 : memref<16x128xf32, #tpu.memory_space<vmem_shared>>) target_semaphore(%arg21 : memref<!tpu.dma_semaphore, #tpu.memory_space<semaphore_mem>>)
      %dma_start3A_1082 = arith.constant 9984 : i32
      %dma_start3A_1083 = arith.constant 0 : i32
      %dma_start3A_1084 = tpu.memref_slice %arg6[%dma_start3A_1082, %dma_start3A_1083] : memref<10000x128xf32, #tpu.memory_space<vmem_shared>> -> memref<16x128xf32, #tpu.memory_space<vmem_shared>>
      %dma_start3A_1085 = arith.constant 9984 : i32
      %dma_start3A_1086 = arith.constant 0 : i32
      %dma_start3A_1087 = tpu.memref_slice %arg6[%dma_start3A_1085, %dma_start3A_1086] : memref<10000x128xf32, #tpu.memory_space<vmem_shared>> -> memref<16x128xf32, #tpu.memory_space<vmem_shared>>
      tpu.enqueue_dma source(%arg16 : memref<16x128xf32, #tpu.memory_space<vmem>>) target(%dma_start3A_1087 : memref<16x128xf32, #tpu.memory_space<vmem_shared>>) target_semaphore(%arg21 : memref<!tpu.dma_semaphore, #tpu.memory_space<semaphore_mem>>)
      %dma_wait3A_1088 = arith.constant 9360 : i32
      %dma_wait3A_1089 = arith.constant 0 : i32
      %dma_wait3A_1090 = tpu.memref_slice %arg6[%dma_wait3A_1088, %dma_wait3A_1089] : memref<10000x128xf32, #tpu.memory_space<vmem_shared>> -> memref<16x128xf32, #tpu.memory_space<vmem_shared>>
      %dma_wait3A_1091 = arith.constant 9360 : i32
      %dma_wait3A_1092 = arith.constant 0 : i32
      %dma_wait3A_1093 = tpu.memref_slice %arg6[%dma_wait3A_1091, %dma_wait3A_1092] : memref<10000x128xf32, #tpu.memory_space<vmem_shared>> -> memref<16x128xf32, #tpu.memory_space<vmem_shared>>
      tpu.wait_dma2 semaphore(%arg21 : memref<!tpu.dma_semaphore, #tpu.memory_space<semaphore_mem>>) src(%arg16 : memref<16x128xf32, #tpu.memory_space<vmem>>) dst(%dma_wait3A_1093 : memref<16x128xf32, #tpu.memory_space<vmem_shared>>)
      %dma_wait3A_1094 = arith.constant 9376 : i32
      %dma_wait3A_1095 = arith.constant 0 : i32
      %dma_wait3A_1096 = tpu.memref_slice %arg6[%dma_wait3A_1094, %dma_wait3A_1095] : memref<10000x128xf32, #tpu.memory_space<vmem_shared>> -> memref<16x128xf32, #tpu.memory_space<vmem_shared>>
      %dma_wait3A_1097 = arith.constant 9376 : i32
      %dma_wait3A_1098 = arith.constant 0 : i32
      %dma_wait3A_1099 = tpu.memref_slice %arg6[%dma_wait3A_1097, %dma_wait3A_1098] : memref<10000x128xf32, #tpu.memory_space<vmem_shared>> -> memref<16x128xf32, #tpu.memory_space<vmem_shared>>
      tpu.wait_dma2 semaphore(%arg21 : memref<!tpu.dma_semaphore, #tpu.memory_space<semaphore_mem>>) src(%arg16 : memref<16x128xf32, #tpu.memory_space<vmem>>) dst(%dma_wait3A_1099 : memref<16x128xf32, #tpu.memory_space<vmem_shared>>)
      %dma_wait3A_1100 = arith.constant 9392 : i32
      %dma_wait3A_1101 = arith.constant 0 : i32
      %dma_wait3A_1102 = tpu.memref_slice %arg6[%dma_wait3A_1100, %dma_wait3A_1101] : memref<10000x128xf32, #tpu.memory_space<vmem_shared>> -> memref<16x128xf32, #tpu.memory_space<vmem_shared>>
      %dma_wait3A_1103 = arith.constant 9392 : i32
      %dma_wait3A_1104 = arith.constant 0 : i32
      %dma_wait3A_1105 = tpu.memref_slice %arg6[%dma_wait3A_1103, %dma_wait3A_1104] : memref<10000x128xf32, #tpu.memory_space<vmem_shared>> -> memref<16x128xf32, #tpu.memory_space<vmem_shared>>
      tpu.wait_dma2 semaphore(%arg21 : memref<!tpu.dma_semaphore, #tpu.memory_space<semaphore_mem>>) src(%arg16 : memref<16x128xf32, #tpu.memory_space<vmem>>) dst(%dma_wait3A_1105 : memref<16x128xf32, #tpu.memory_space<vmem_shared>>)
      %dma_wait3A_1106 = arith.constant 9408 : i32
      %dma_wait3A_1107 = arith.constant 0 : i32
      %dma_wait3A_1108 = tpu.memref_slice %arg6[%dma_wait3A_1106, %dma_wait3A_1107] : memref<10000x128xf32, #tpu.memory_space<vmem_shared>> -> memref<16x128xf32, #tpu.memory_space<vmem_shared>>
      %dma_wait3A_1109 = arith.constant 9408 : i32
      %dma_wait3A_1110 = arith.constant 0 : i32
      %dma_wait3A_1111 = tpu.memref_slice %arg6[%dma_wait3A_1109, %dma_wait3A_1110] : memref<10000x128xf32, #tpu.memory_space<vmem_shared>> -> memref<16x128xf32, #tpu.memory_space<vmem_shared>>
      tpu.wait_dma2 semaphore(%arg21 : memref<!tpu.dma_semaphore, #tpu.memory_space<semaphore_mem>>) src(%arg16 : memref<16x128xf32, #tpu.memory_space<vmem>>) dst(%dma_wait3A_1111 : memref<16x128xf32, #tpu.memory_space<vmem_shared>>)
      %dma_wait3A_1112 = arith.constant 9424 : i32
      %dma_wait3A_1113 = arith.constant 0 : i32
      %dma_wait3A_1114 = tpu.memref_slice %arg6[%dma_wait3A_1112, %dma_wait3A_1113] : memref<10000x128xf32, #tpu.memory_space<vmem_shared>> -> memref<16x128xf32, #tpu.memory_space<vmem_shared>>
      %dma_wait3A_1115 = arith.constant 9424 : i32
      %dma_wait3A_1116 = arith.constant 0 : i32
      %dma_wait3A_1117 = tpu.memref_slice %arg6[%dma_wait3A_1115, %dma_wait3A_1116] : memref<10000x128xf32, #tpu.memory_space<vmem_shared>> -> memref<16x128xf32, #tpu.memory_space<vmem_shared>>
      tpu.wait_dma2 semaphore(%arg21 : memref<!tpu.dma_semaphore, #tpu.memory_space<semaphore_mem>>) src(%arg16 : memref<16x128xf32, #tpu.memory_space<vmem>>) dst(%dma_wait3A_1117 : memref<16x128xf32, #tpu.memory_space<vmem_shared>>)
      %dma_wait3A_1118 = arith.constant 9440 : i32
      %dma_wait3A_1119 = arith.constant 0 : i32
      %dma_wait3A_1120 = tpu.memref_slice %arg6[%dma_wait3A_1118, %dma_wait3A_1119] : memref<10000x128xf32, #tpu.memory_space<vmem_shared>> -> memref<16x128xf32, #tpu.memory_space<vmem_shared>>
      %dma_wait3A_1121 = arith.constant 9440 : i32
      %dma_wait3A_1122 = arith.constant 0 : i32
      %dma_wait3A_1123 = tpu.memref_slice %arg6[%dma_wait3A_1121, %dma_wait3A_1122] : memref<10000x128xf32, #tpu.memory_space<vmem_shared>> -> memref<16x128xf32, #tpu.memory_space<vmem_shared>>
      tpu.wait_dma2 semaphore(%arg21 : memref<!tpu.dma_semaphore, #tpu.memory_space<semaphore_mem>>) src(%arg16 : memref<16x128xf32, #tpu.memory_space<vmem>>) dst(%dma_wait3A_1123 : memref<16x128xf32, #tpu.memory_space<vmem_shared>>)
      %dma_wait3A_1124 = arith.constant 9456 : i32
      %dma_wait3A_1125 = arith.constant 0 : i32
      %dma_wait3A_1126 = tpu.memref_slice %arg6[%dma_wait3A_1124, %dma_wait3A_1125] : memref<10000x128xf32, #tpu.memory_space<vmem_shared>> -> memref<16x128xf32, #tpu.memory_space<vmem_shared>>
      %dma_wait3A_1127 = arith.constant 9456 : i32
      %dma_wait3A_1128 = arith.constant 0 : i32
      %dma_wait3A_1129 = tpu.memref_slice %arg6[%dma_wait3A_1127, %dma_wait3A_1128] : memref<10000x128xf32, #tpu.memory_space<vmem_shared>> -> memref<16x128xf32, #tpu.memory_space<vmem_shared>>
      tpu.wait_dma2 semaphore(%arg21 : memref<!tpu.dma_semaphore, #tpu.memory_space<semaphore_mem>>) src(%arg16 : memref<16x128xf32, #tpu.memory_space<vmem>>) dst(%dma_wait3A_1129 : memref<16x128xf32, #tpu.memory_space<vmem_shared>>)
      %dma_wait3A_1130 = arith.constant 9472 : i32
      %dma_wait3A_1131 = arith.constant 0 : i32
      %dma_wait3A_1132 = tpu.memref_slice %arg6[%dma_wait3A_1130, %dma_wait3A_1131] : memref<10000x128xf32, #tpu.memory_space<vmem_shared>> -> memref<16x128xf32, #tpu.memory_space<vmem_shared>>
      %dma_wait3A_1133 = arith.constant 9472 : i32
      %dma_wait3A_1134 = arith.constant 0 : i32
      %dma_wait3A_1135 = tpu.memref_slice %arg6[%dma_wait3A_1133, %dma_wait3A_1134] : memref<10000x128xf32, #tpu.memory_space<vmem_shared>> -> memref<16x128xf32, #tpu.memory_space<vmem_shared>>
      tpu.wait_dma2 semaphore(%arg21 : memref<!tpu.dma_semaphore, #tpu.memory_space<semaphore_mem>>) src(%arg16 : memref<16x128xf32, #tpu.memory_space<vmem>>) dst(%dma_wait3A_1135 : memref<16x128xf32, #tpu.memory_space<vmem_shared>>)
      %dma_wait3A_1136 = arith.constant 9488 : i32
      %dma_wait3A_1137 = arith.constant 0 : i32
      %dma_wait3A_1138 = tpu.memref_slice %arg6[%dma_wait3A_1136, %dma_wait3A_1137] : memref<10000x128xf32, #tpu.memory_space<vmem_shared>> -> memref<16x128xf32, #tpu.memory_space<vmem_shared>>
      %dma_wait3A_1139 = arith.constant 9488 : i32
      %dma_wait3A_1140 = arith.constant 0 : i32
      %dma_wait3A_1141 = tpu.memref_slice %arg6[%dma_wait3A_1139, %dma_wait3A_1140] : memref<10000x128xf32, #tpu.memory_space<vmem_shared>> -> memref<16x128xf32, #tpu.memory_space<vmem_shared>>
      tpu.wait_dma2 semaphore(%arg21 : memref<!tpu.dma_semaphore, #tpu.memory_space<semaphore_mem>>) src(%arg16 : memref<16x128xf32, #tpu.memory_space<vmem>>) dst(%dma_wait3A_1141 : memref<16x128xf32, #tpu.memory_space<vmem_shared>>)
      %dma_wait3A_1142 = arith.constant 9504 : i32
      %dma_wait3A_1143 = arith.constant 0 : i32
      %dma_wait3A_1144 = tpu.memref_slice %arg6[%dma_wait3A_1142, %dma_wait3A_1143] : memref<10000x128xf32, #tpu.memory_space<vmem_shared>> -> memref<16x128xf32, #tpu.memory_space<vmem_shared>>
      %dma_wait3A_1145 = arith.constant 9504 : i32
      %dma_wait3A_1146 = arith.constant 0 : i32
      %dma_wait3A_1147 = tpu.memref_slice %arg6[%dma_wait3A_1145, %dma_wait3A_1146] : memref<10000x128xf32, #tpu.memory_space<vmem_shared>> -> memref<16x128xf32, #tpu.memory_space<vmem_shared>>
      tpu.wait_dma2 semaphore(%arg21 : memref<!tpu.dma_semaphore, #tpu.memory_space<semaphore_mem>>) src(%arg16 : memref<16x128xf32, #tpu.memory_space<vmem>>) dst(%dma_wait3A_1147 : memref<16x128xf32, #tpu.memory_space<vmem_shared>>)
      %dma_wait3A_1148 = arith.constant 9520 : i32
      %dma_wait3A_1149 = arith.constant 0 : i32
      %dma_wait3A_1150 = tpu.memref_slice %arg6[%dma_wait3A_1148, %dma_wait3A_1149] : memref<10000x128xf32, #tpu.memory_space<vmem_shared>> -> memref<16x128xf32, #tpu.memory_space<vmem_shared>>
      %dma_wait3A_1151 = arith.constant 9520 : i32
      %dma_wait3A_1152 = arith.constant 0 : i32
      %dma_wait3A_1153 = tpu.memref_slice %arg6[%dma_wait3A_1151, %dma_wait3A_1152] : memref<10000x128xf32, #tpu.memory_space<vmem_shared>> -> memref<16x128xf32, #tpu.memory_space<vmem_shared>>
      tpu.wait_dma2 semaphore(%arg21 : memref<!tpu.dma_semaphore, #tpu.memory_space<semaphore_mem>>) src(%arg16 : memref<16x128xf32, #tpu.memory_space<vmem>>) dst(%dma_wait3A_1153 : memref<16x128xf32, #tpu.memory_space<vmem_shared>>)
      %dma_wait3A_1154 = arith.constant 9536 : i32
      %dma_wait3A_1155 = arith.constant 0 : i32
      %dma_wait3A_1156 = tpu.memref_slice %arg6[%dma_wait3A_1154, %dma_wait3A_1155] : memref<10000x128xf32, #tpu.memory_space<vmem_shared>> -> memref<16x128xf32, #tpu.memory_space<vmem_shared>>
      %dma_wait3A_1157 = arith.constant 9536 : i32
      %dma_wait3A_1158 = arith.constant 0 : i32
      %dma_wait3A_1159 = tpu.memref_slice %arg6[%dma_wait3A_1157, %dma_wait3A_1158] : memref<10000x128xf32, #tpu.memory_space<vmem_shared>> -> memref<16x128xf32, #tpu.memory_space<vmem_shared>>
      tpu.wait_dma2 semaphore(%arg21 : memref<!tpu.dma_semaphore, #tpu.memory_space<semaphore_mem>>) src(%arg16 : memref<16x128xf32, #tpu.memory_space<vmem>>) dst(%dma_wait3A_1159 : memref<16x128xf32, #tpu.memory_space<vmem_shared>>)
      %dma_wait3A_1160 = arith.constant 9552 : i32
      %dma_wait3A_1161 = arith.constant 0 : i32
      %dma_wait3A_1162 = tpu.memref_slice %arg6[%dma_wait3A_1160, %dma_wait3A_1161] : memref<10000x128xf32, #tpu.memory_space<vmem_shared>> -> memref<16x128xf32, #tpu.memory_space<vmem_shared>>
      %dma_wait3A_1163 = arith.constant 9552 : i32
      %dma_wait3A_1164 = arith.constant 0 : i32
      %dma_wait3A_1165 = tpu.memref_slice %arg6[%dma_wait3A_1163, %dma_wait3A_1164] : memref<10000x128xf32, #tpu.memory_space<vmem_shared>> -> memref<16x128xf32, #tpu.memory_space<vmem_shared>>
      tpu.wait_dma2 semaphore(%arg21 : memref<!tpu.dma_semaphore, #tpu.memory_space<semaphore_mem>>) src(%arg16 : memref<16x128xf32, #tpu.memory_space<vmem>>) dst(%dma_wait3A_1165 : memref<16x128xf32, #tpu.memory_space<vmem_shared>>)
      %dma_wait3A_1166 = arith.constant 9568 : i32
      %dma_wait3A_1167 = arith.constant 0 : i32
      %dma_wait3A_1168 = tpu.memref_slice %arg6[%dma_wait3A_1166, %dma_wait3A_1167] : memref<10000x128xf32, #tpu.memory_space<vmem_shared>> -> memref<16x128xf32, #tpu.memory_space<vmem_shared>>
      %dma_wait3A_1169 = arith.constant 9568 : i32
      %dma_wait3A_1170 = arith.constant 0 : i32
      %dma_wait3A_1171 = tpu.memref_slice %arg6[%dma_wait3A_1169, %dma_wait3A_1170] : memref<10000x128xf32, #tpu.memory_space<vmem_shared>> -> memref<16x128xf32, #tpu.memory_space<vmem_shared>>
      tpu.wait_dma2 semaphore(%arg21 : memref<!tpu.dma_semaphore, #tpu.memory_space<semaphore_mem>>) src(%arg16 : memref<16x128xf32, #tpu.memory_space<vmem>>) dst(%dma_wait3A_1171 : memref<16x128xf32, #tpu.memory_space<vmem_shared>>)
      %dma_wait3A_1172 = arith.constant 9584 : i32
      %dma_wait3A_1173 = arith.constant 0 : i32
      %dma_wait3A_1174 = tpu.memref_slice %arg6[%dma_wait3A_1172, %dma_wait3A_1173] : memref<10000x128xf32, #tpu.memory_space<vmem_shared>> -> memref<16x128xf32, #tpu.memory_space<vmem_shared>>
      %dma_wait3A_1175 = arith.constant 9584 : i32
      %dma_wait3A_1176 = arith.constant 0 : i32
      %dma_wait3A_1177 = tpu.memref_slice %arg6[%dma_wait3A_1175, %dma_wait3A_1176] : memref<10000x128xf32, #tpu.memory_space<vmem_shared>> -> memref<16x128xf32, #tpu.memory_space<vmem_shared>>
      tpu.wait_dma2 semaphore(%arg21 : memref<!tpu.dma_semaphore, #tpu.memory_space<semaphore_mem>>) src(%arg16 : memref<16x128xf32, #tpu.memory_space<vmem>>) dst(%dma_wait3A_1177 : memref<16x128xf32, #tpu.memory_space<vmem_shared>>)
      %dma_wait3A_1178 = arith.constant 9600 : i32
      %dma_wait3A_1179 = arith.constant 0 : i32
      %dma_wait3A_1180 = tpu.memref_slice %arg6[%dma_wait3A_1178, %dma_wait3A_1179] : memref<10000x128xf32, #tpu.memory_space<vmem_shared>> -> memref<16x128xf32, #tpu.memory_space<vmem_shared>>
      %dma_wait3A_1181 = arith.constant 9600 : i32
      %dma_wait3A_1182 = arith.constant 0 : i32
      %dma_wait3A_1183 = tpu.memref_slice %arg6[%dma_wait3A_1181, %dma_wait3A_1182] : memref<10000x128xf32, #tpu.memory_space<vmem_shared>> -> memref<16x128xf32, #tpu.memory_space<vmem_shared>>
      tpu.wait_dma2 semaphore(%arg21 : memref<!tpu.dma_semaphore, #tpu.memory_space<semaphore_mem>>) src(%arg16 : memref<16x128xf32, #tpu.memory_space<vmem>>) dst(%dma_wait3A_1183 : memref<16x128xf32, #tpu.memory_space<vmem_shared>>)
      %dma_wait3A_1184 = arith.constant 9616 : i32
      %dma_wait3A_1185 = arith.constant 0 : i32
      %dma_wait3A_1186 = tpu.memref_slice %arg6[%dma_wait3A_1184, %dma_wait3A_1185] : memref<10000x128xf32, #tpu.memory_space<vmem_shared>> -> memref<16x128xf32, #tpu.memory_space<vmem_shared>>
      %dma_wait3A_1187 = arith.constant 9616 : i32
      %dma_wait3A_1188 = arith.constant 0 : i32
      %dma_wait3A_1189 = tpu.memref_slice %arg6[%dma_wait3A_1187, %dma_wait3A_1188] : memref<10000x128xf32, #tpu.memory_space<vmem_shared>> -> memref<16x128xf32, #tpu.memory_space<vmem_shared>>
      tpu.wait_dma2 semaphore(%arg21 : memref<!tpu.dma_semaphore, #tpu.memory_space<semaphore_mem>>) src(%arg16 : memref<16x128xf32, #tpu.memory_space<vmem>>) dst(%dma_wait3A_1189 : memref<16x128xf32, #tpu.memory_space<vmem_shared>>)
      %dma_wait3A_1190 = arith.constant 9632 : i32
      %dma_wait3A_1191 = arith.constant 0 : i32
      %dma_wait3A_1192 = tpu.memref_slice %arg6[%dma_wait3A_1190, %dma_wait3A_1191] : memref<10000x128xf32, #tpu.memory_space<vmem_shared>> -> memref<16x128xf32, #tpu.memory_space<vmem_shared>>
      %dma_wait3A_1193 = arith.constant 9632 : i32
      %dma_wait3A_1194 = arith.constant 0 : i32
      %dma_wait3A_1195 = tpu.memref_slice %arg6[%dma_wait3A_1193, %dma_wait3A_1194] : memref<10000x128xf32, #tpu.memory_space<vmem_shared>> -> memref<16x128xf32, #tpu.memory_space<vmem_shared>>
      tpu.wait_dma2 semaphore(%arg21 : memref<!tpu.dma_semaphore, #tpu.memory_space<semaphore_mem>>) src(%arg16 : memref<16x128xf32, #tpu.memory_space<vmem>>) dst(%dma_wait3A_1195 : memref<16x128xf32, #tpu.memory_space<vmem_shared>>)
      %dma_wait3A_1196 = arith.constant 9648 : i32
      %dma_wait3A_1197 = arith.constant 0 : i32
      %dma_wait3A_1198 = tpu.memref_slice %arg6[%dma_wait3A_1196, %dma_wait3A_1197] : memref<10000x128xf32, #tpu.memory_space<vmem_shared>> -> memref<16x128xf32, #tpu.memory_space<vmem_shared>>
      %dma_wait3A_1199 = arith.constant 9648 : i32
      %dma_wait3A_1200 = arith.constant 0 : i32
      %dma_wait3A_1201 = tpu.memref_slice %arg6[%dma_wait3A_1199, %dma_wait3A_1200] : memref<10000x128xf32, #tpu.memory_space<vmem_shared>> -> memref<16x128xf32, #tpu.memory_space<vmem_shared>>
      tpu.wait_dma2 semaphore(%arg21 : memref<!tpu.dma_semaphore, #tpu.memory_space<semaphore_mem>>) src(%arg16 : memref<16x128xf32, #tpu.memory_space<vmem>>) dst(%dma_wait3A_1201 : memref<16x128xf32, #tpu.memory_space<vmem_shared>>)
      %dma_wait3A_1202 = arith.constant 9664 : i32
      %dma_wait3A_1203 = arith.constant 0 : i32
      %dma_wait3A_1204 = tpu.memref_slice %arg6[%dma_wait3A_1202, %dma_wait3A_1203] : memref<10000x128xf32, #tpu.memory_space<vmem_shared>> -> memref<16x128xf32, #tpu.memory_space<vmem_shared>>
      %dma_wait3A_1205 = arith.constant 9664 : i32
      %dma_wait3A_1206 = arith.constant 0 : i32
      %dma_wait3A_1207 = tpu.memref_slice %arg6[%dma_wait3A_1205, %dma_wait3A_1206] : memref<10000x128xf32, #tpu.memory_space<vmem_shared>> -> memref<16x128xf32, #tpu.memory_space<vmem_shared>>
      tpu.wait_dma2 semaphore(%arg21 : memref<!tpu.dma_semaphore, #tpu.memory_space<semaphore_mem>>) src(%arg16 : memref<16x128xf32, #tpu.memory_space<vmem>>) dst(%dma_wait3A_1207 : memref<16x128xf32, #tpu.memory_space<vmem_shared>>)
      %dma_wait3A_1208 = arith.constant 9680 : i32
      %dma_wait3A_1209 = arith.constant 0 : i32
      %dma_wait3A_1210 = tpu.memref_slice %arg6[%dma_wait3A_1208, %dma_wait3A_1209] : memref<10000x128xf32, #tpu.memory_space<vmem_shared>> -> memref<16x128xf32, #tpu.memory_space<vmem_shared>>
      %dma_wait3A_1211 = arith.constant 9680 : i32
      %dma_wait3A_1212 = arith.constant 0 : i32
      %dma_wait3A_1213 = tpu.memref_slice %arg6[%dma_wait3A_1211, %dma_wait3A_1212] : memref<10000x128xf32, #tpu.memory_space<vmem_shared>> -> memref<16x128xf32, #tpu.memory_space<vmem_shared>>
      tpu.wait_dma2 semaphore(%arg21 : memref<!tpu.dma_semaphore, #tpu.memory_space<semaphore_mem>>) src(%arg16 : memref<16x128xf32, #tpu.memory_space<vmem>>) dst(%dma_wait3A_1213 : memref<16x128xf32, #tpu.memory_space<vmem_shared>>)
      %dma_wait3A_1214 = arith.constant 9696 : i32
      %dma_wait3A_1215 = arith.constant 0 : i32
      %dma_wait3A_1216 = tpu.memref_slice %arg6[%dma_wait3A_1214, %dma_wait3A_1215] : memref<10000x128xf32, #tpu.memory_space<vmem_shared>> -> memref<16x128xf32, #tpu.memory_space<vmem_shared>>
      %dma_wait3A_1217 = arith.constant 9696 : i32
      %dma_wait3A_1218 = arith.constant 0 : i32
      %dma_wait3A_1219 = tpu.memref_slice %arg6[%dma_wait3A_1217, %dma_wait3A_1218] : memref<10000x128xf32, #tpu.memory_space<vmem_shared>> -> memref<16x128xf32, #tpu.memory_space<vmem_shared>>
      tpu.wait_dma2 semaphore(%arg21 : memref<!tpu.dma_semaphore, #tpu.memory_space<semaphore_mem>>) src(%arg16 : memref<16x128xf32, #tpu.memory_space<vmem>>) dst(%dma_wait3A_1219 : memref<16x128xf32, #tpu.memory_space<vmem_shared>>)
      %dma_wait3A_1220 = arith.constant 9712 : i32
      %dma_wait3A_1221 = arith.constant 0 : i32
      %dma_wait3A_1222 = tpu.memref_slice %arg6[%dma_wait3A_1220, %dma_wait3A_1221] : memref<10000x128xf32, #tpu.memory_space<vmem_shared>> -> memref<16x128xf32, #tpu.memory_space<vmem_shared>>
      %dma_wait3A_1223 = arith.constant 9712 : i32
      %dma_wait3A_1224 = arith.constant 0 : i32
      %dma_wait3A_1225 = tpu.memref_slice %arg6[%dma_wait3A_1223, %dma_wait3A_1224] : memref<10000x128xf32, #tpu.memory_space<vmem_shared>> -> memref<16x128xf32, #tpu.memory_space<vmem_shared>>
      tpu.wait_dma2 semaphore(%arg21 : memref<!tpu.dma_semaphore, #tpu.memory_space<semaphore_mem>>) src(%arg16 : memref<16x128xf32, #tpu.memory_space<vmem>>) dst(%dma_wait3A_1225 : memref<16x128xf32, #tpu.memory_space<vmem_shared>>)
      %dma_wait3A_1226 = arith.constant 9728 : i32
      %dma_wait3A_1227 = arith.constant 0 : i32
      %dma_wait3A_1228 = tpu.memref_slice %arg6[%dma_wait3A_1226, %dma_wait3A_1227] : memref<10000x128xf32, #tpu.memory_space<vmem_shared>> -> memref<16x128xf32, #tpu.memory_space<vmem_shared>>
      %dma_wait3A_1229 = arith.constant 9728 : i32
      %dma_wait3A_1230 = arith.constant 0 : i32
      %dma_wait3A_1231 = tpu.memref_slice %arg6[%dma_wait3A_1229, %dma_wait3A_1230] : memref<10000x128xf32, #tpu.memory_space<vmem_shared>> -> memref<16x128xf32, #tpu.memory_space<vmem_shared>>
      tpu.wait_dma2 semaphore(%arg21 : memref<!tpu.dma_semaphore, #tpu.memory_space<semaphore_mem>>) src(%arg16 : memref<16x128xf32, #tpu.memory_space<vmem>>) dst(%dma_wait3A_1231 : memref<16x128xf32, #tpu.memory_space<vmem_shared>>)
      %dma_wait3A_1232 = arith.constant 9744 : i32
      %dma_wait3A_1233 = arith.constant 0 : i32
      %dma_wait3A_1234 = tpu.memref_slice %arg6[%dma_wait3A_1232, %dma_wait3A_1233] : memref<10000x128xf32, #tpu.memory_space<vmem_shared>> -> memref<16x128xf32, #tpu.memory_space<vmem_shared>>
      %dma_wait3A_1235 = arith.constant 9744 : i32
      %dma_wait3A_1236 = arith.constant 0 : i32
      %dma_wait3A_1237 = tpu.memref_slice %arg6[%dma_wait3A_1235, %dma_wait3A_1236] : memref<10000x128xf32, #tpu.memory_space<vmem_shared>> -> memref<16x128xf32, #tpu.memory_space<vmem_shared>>
      tpu.wait_dma2 semaphore(%arg21 : memref<!tpu.dma_semaphore, #tpu.memory_space<semaphore_mem>>) src(%arg16 : memref<16x128xf32, #tpu.memory_space<vmem>>) dst(%dma_wait3A_1237 : memref<16x128xf32, #tpu.memory_space<vmem_shared>>)
      %dma_wait3A_1238 = arith.constant 9760 : i32
      %dma_wait3A_1239 = arith.constant 0 : i32
      %dma_wait3A_1240 = tpu.memref_slice %arg6[%dma_wait3A_1238, %dma_wait3A_1239] : memref<10000x128xf32, #tpu.memory_space<vmem_shared>> -> memref<16x128xf32, #tpu.memory_space<vmem_shared>>
      %dma_wait3A_1241 = arith.constant 9760 : i32
      %dma_wait3A_1242 = arith.constant 0 : i32
      %dma_wait3A_1243 = tpu.memref_slice %arg6[%dma_wait3A_1241, %dma_wait3A_1242] : memref<10000x128xf32, #tpu.memory_space<vmem_shared>> -> memref<16x128xf32, #tpu.memory_space<vmem_shared>>
      tpu.wait_dma2 semaphore(%arg21 : memref<!tpu.dma_semaphore, #tpu.memory_space<semaphore_mem>>) src(%arg16 : memref<16x128xf32, #tpu.memory_space<vmem>>) dst(%dma_wait3A_1243 : memref<16x128xf32, #tpu.memory_space<vmem_shared>>)
      %dma_wait3A_1244 = arith.constant 9776 : i32
      %dma_wait3A_1245 = arith.constant 0 : i32
      %dma_wait3A_1246 = tpu.memref_slice %arg6[%dma_wait3A_1244, %dma_wait3A_1245] : memref<10000x128xf32, #tpu.memory_space<vmem_shared>> -> memref<16x128xf32, #tpu.memory_space<vmem_shared>>
      %dma_wait3A_1247 = arith.constant 9776 : i32
      %dma_wait3A_1248 = arith.constant 0 : i32
      %dma_wait3A_1249 = tpu.memref_slice %arg6[%dma_wait3A_1247, %dma_wait3A_1248] : memref<10000x128xf32, #tpu.memory_space<vmem_shared>> -> memref<16x128xf32, #tpu.memory_space<vmem_shared>>
      tpu.wait_dma2 semaphore(%arg21 : memref<!tpu.dma_semaphore, #tpu.memory_space<semaphore_mem>>) src(%arg16 : memref<16x128xf32, #tpu.memory_space<vmem>>) dst(%dma_wait3A_1249 : memref<16x128xf32, #tpu.memory_space<vmem_shared>>)
      %dma_wait3A_1250 = arith.constant 9792 : i32
      %dma_wait3A_1251 = arith.constant 0 : i32
      %dma_wait3A_1252 = tpu.memref_slice %arg6[%dma_wait3A_1250, %dma_wait3A_1251] : memref<10000x128xf32, #tpu.memory_space<vmem_shared>> -> memref<16x128xf32, #tpu.memory_space<vmem_shared>>
      %dma_wait3A_1253 = arith.constant 9792 : i32
      %dma_wait3A_1254 = arith.constant 0 : i32
      %dma_wait3A_1255 = tpu.memref_slice %arg6[%dma_wait3A_1253, %dma_wait3A_1254] : memref<10000x128xf32, #tpu.memory_space<vmem_shared>> -> memref<16x128xf32, #tpu.memory_space<vmem_shared>>
      tpu.wait_dma2 semaphore(%arg21 : memref<!tpu.dma_semaphore, #tpu.memory_space<semaphore_mem>>) src(%arg16 : memref<16x128xf32, #tpu.memory_space<vmem>>) dst(%dma_wait3A_1255 : memref<16x128xf32, #tpu.memory_space<vmem_shared>>)
      %dma_wait3A_1256 = arith.constant 9808 : i32
      %dma_wait3A_1257 = arith.constant 0 : i32
      %dma_wait3A_1258 = tpu.memref_slice %arg6[%dma_wait3A_1256, %dma_wait3A_1257] : memref<10000x128xf32, #tpu.memory_space<vmem_shared>> -> memref<16x128xf32, #tpu.memory_space<vmem_shared>>
      %dma_wait3A_1259 = arith.constant 9808 : i32
      %dma_wait3A_1260 = arith.constant 0 : i32
      %dma_wait3A_1261 = tpu.memref_slice %arg6[%dma_wait3A_1259, %dma_wait3A_1260] : memref<10000x128xf32, #tpu.memory_space<vmem_shared>> -> memref<16x128xf32, #tpu.memory_space<vmem_shared>>
      tpu.wait_dma2 semaphore(%arg21 : memref<!tpu.dma_semaphore, #tpu.memory_space<semaphore_mem>>) src(%arg16 : memref<16x128xf32, #tpu.memory_space<vmem>>) dst(%dma_wait3A_1261 : memref<16x128xf32, #tpu.memory_space<vmem_shared>>)
      %dma_wait3A_1262 = arith.constant 9824 : i32
      %dma_wait3A_1263 = arith.constant 0 : i32
      %dma_wait3A_1264 = tpu.memref_slice %arg6[%dma_wait3A_1262, %dma_wait3A_1263] : memref<10000x128xf32, #tpu.memory_space<vmem_shared>> -> memref<16x128xf32, #tpu.memory_space<vmem_shared>>
      %dma_wait3A_1265 = arith.constant 9824 : i32
      %dma_wait3A_1266 = arith.constant 0 : i32
      %dma_wait3A_1267 = tpu.memref_slice %arg6[%dma_wait3A_1265, %dma_wait3A_1266] : memref<10000x128xf32, #tpu.memory_space<vmem_shared>> -> memref<16x128xf32, #tpu.memory_space<vmem_shared>>
      tpu.wait_dma2 semaphore(%arg21 : memref<!tpu.dma_semaphore, #tpu.memory_space<semaphore_mem>>) src(%arg16 : memref<16x128xf32, #tpu.memory_space<vmem>>) dst(%dma_wait3A_1267 : memref<16x128xf32, #tpu.memory_space<vmem_shared>>)
      %dma_wait3A_1268 = arith.constant 9840 : i32
      %dma_wait3A_1269 = arith.constant 0 : i32
      %dma_wait3A_1270 = tpu.memref_slice %arg6[%dma_wait3A_1268, %dma_wait3A_1269] : memref<10000x128xf32, #tpu.memory_space<vmem_shared>> -> memref<16x128xf32, #tpu.memory_space<vmem_shared>>
      %dma_wait3A_1271 = arith.constant 9840 : i32
      %dma_wait3A_1272 = arith.constant 0 : i32
      %dma_wait3A_1273 = tpu.memref_slice %arg6[%dma_wait3A_1271, %dma_wait3A_1272] : memref<10000x128xf32, #tpu.memory_space<vmem_shared>> -> memref<16x128xf32, #tpu.memory_space<vmem_shared>>
      tpu.wait_dma2 semaphore(%arg21 : memref<!tpu.dma_semaphore, #tpu.memory_space<semaphore_mem>>) src(%arg16 : memref<16x128xf32, #tpu.memory_space<vmem>>) dst(%dma_wait3A_1273 : memref<16x128xf32, #tpu.memory_space<vmem_shared>>)
      %dma_wait3A_1274 = arith.constant 9856 : i32
      %dma_wait3A_1275 = arith.constant 0 : i32
      %dma_wait3A_1276 = tpu.memref_slice %arg6[%dma_wait3A_1274, %dma_wait3A_1275] : memref<10000x128xf32, #tpu.memory_space<vmem_shared>> -> memref<16x128xf32, #tpu.memory_space<vmem_shared>>
      %dma_wait3A_1277 = arith.constant 9856 : i32
      %dma_wait3A_1278 = arith.constant 0 : i32
      %dma_wait3A_1279 = tpu.memref_slice %arg6[%dma_wait3A_1277, %dma_wait3A_1278] : memref<10000x128xf32, #tpu.memory_space<vmem_shared>> -> memref<16x128xf32, #tpu.memory_space<vmem_shared>>
      tpu.wait_dma2 semaphore(%arg21 : memref<!tpu.dma_semaphore, #tpu.memory_space<semaphore_mem>>) src(%arg16 : memref<16x128xf32, #tpu.memory_space<vmem>>) dst(%dma_wait3A_1279 : memref<16x128xf32, #tpu.memory_space<vmem_shared>>)
      %dma_wait3A_1280 = arith.constant 9872 : i32
      %dma_wait3A_1281 = arith.constant 0 : i32
      %dma_wait3A_1282 = tpu.memref_slice %arg6[%dma_wait3A_1280, %dma_wait3A_1281] : memref<10000x128xf32, #tpu.memory_space<vmem_shared>> -> memref<16x128xf32, #tpu.memory_space<vmem_shared>>
      %dma_wait3A_1283 = arith.constant 9872 : i32
      %dma_wait3A_1284 = arith.constant 0 : i32
      %dma_wait3A_1285 = tpu.memref_slice %arg6[%dma_wait3A_1283, %dma_wait3A_1284] : memref<10000x128xf32, #tpu.memory_space<vmem_shared>> -> memref<16x128xf32, #tpu.memory_space<vmem_shared>>
      tpu.wait_dma2 semaphore(%arg21 : memref<!tpu.dma_semaphore, #tpu.memory_space<semaphore_mem>>) src(%arg16 : memref<16x128xf32, #tpu.memory_space<vmem>>) dst(%dma_wait3A_1285 : memref<16x128xf32, #tpu.memory_space<vmem_shared>>)
      %dma_wait3A_1286 = arith.constant 9888 : i32
      %dma_wait3A_1287 = arith.constant 0 : i32
      %dma_wait3A_1288 = tpu.memref_slice %arg6[%dma_wait3A_1286, %dma_wait3A_1287] : memref<10000x128xf32, #tpu.memory_space<vmem_shared>> -> memref<16x128xf32, #tpu.memory_space<vmem_shared>>
      %dma_wait3A_1289 = arith.constant 9888 : i32
      %dma_wait3A_1290 = arith.constant 0 : i32
      %dma_wait3A_1291 = tpu.memref_slice %arg6[%dma_wait3A_1289, %dma_wait3A_1290] : memref<10000x128xf32, #tpu.memory_space<vmem_shared>> -> memref<16x128xf32, #tpu.memory_space<vmem_shared>>
      tpu.wait_dma2 semaphore(%arg21 : memref<!tpu.dma_semaphore, #tpu.memory_space<semaphore_mem>>) src(%arg16 : memref<16x128xf32, #tpu.memory_space<vmem>>) dst(%dma_wait3A_1291 : memref<16x128xf32, #tpu.memory_space<vmem_shared>>)
      %dma_wait3A_1292 = arith.constant 9904 : i32
      %dma_wait3A_1293 = arith.constant 0 : i32
      %dma_wait3A_1294 = tpu.memref_slice %arg6[%dma_wait3A_1292, %dma_wait3A_1293] : memref<10000x128xf32, #tpu.memory_space<vmem_shared>> -> memref<16x128xf32, #tpu.memory_space<vmem_shared>>
      %dma_wait3A_1295 = arith.constant 9904 : i32
      %dma_wait3A_1296 = arith.constant 0 : i32
      %dma_wait3A_1297 = tpu.memref_slice %arg6[%dma_wait3A_1295, %dma_wait3A_1296] : memref<10000x128xf32, #tpu.memory_space<vmem_shared>> -> memref<16x128xf32, #tpu.memory_space<vmem_shared>>
      tpu.wait_dma2 semaphore(%arg21 : memref<!tpu.dma_semaphore, #tpu.memory_space<semaphore_mem>>) src(%arg16 : memref<16x128xf32, #tpu.memory_space<vmem>>) dst(%dma_wait3A_1297 : memref<16x128xf32, #tpu.memory_space<vmem_shared>>)
      %dma_wait3A_1298 = arith.constant 9920 : i32
      %dma_wait3A_1299 = arith.constant 0 : i32
      %dma_wait3A_1300 = tpu.memref_slice %arg6[%dma_wait3A_1298, %dma_wait3A_1299] : memref<10000x128xf32, #tpu.memory_space<vmem_shared>> -> memref<16x128xf32, #tpu.memory_space<vmem_shared>>
      %dma_wait3A_1301 = arith.constant 9920 : i32
      %dma_wait3A_1302 = arith.constant 0 : i32
      %dma_wait3A_1303 = tpu.memref_slice %arg6[%dma_wait3A_1301, %dma_wait3A_1302] : memref<10000x128xf32, #tpu.memory_space<vmem_shared>> -> memref<16x128xf32, #tpu.memory_space<vmem_shared>>
      tpu.wait_dma2 semaphore(%arg21 : memref<!tpu.dma_semaphore, #tpu.memory_space<semaphore_mem>>) src(%arg16 : memref<16x128xf32, #tpu.memory_space<vmem>>) dst(%dma_wait3A_1303 : memref<16x128xf32, #tpu.memory_space<vmem_shared>>)
      %dma_wait3A_1304 = arith.constant 9936 : i32
      %dma_wait3A_1305 = arith.constant 0 : i32
      %dma_wait3A_1306 = tpu.memref_slice %arg6[%dma_wait3A_1304, %dma_wait3A_1305] : memref<10000x128xf32, #tpu.memory_space<vmem_shared>> -> memref<16x128xf32, #tpu.memory_space<vmem_shared>>
      %dma_wait3A_1307 = arith.constant 9936 : i32
      %dma_wait3A_1308 = arith.constant 0 : i32
      %dma_wait3A_1309 = tpu.memref_slice %arg6[%dma_wait3A_1307, %dma_wait3A_1308] : memref<10000x128xf32, #tpu.memory_space<vmem_shared>> -> memref<16x128xf32, #tpu.memory_space<vmem_shared>>
      tpu.wait_dma2 semaphore(%arg21 : memref<!tpu.dma_semaphore, #tpu.memory_space<semaphore_mem>>) src(%arg16 : memref<16x128xf32, #tpu.memory_space<vmem>>) dst(%dma_wait3A_1309 : memref<16x128xf32, #tpu.memory_space<vmem_shared>>)
      %dma_wait3A_1310 = arith.constant 9952 : i32
      %dma_wait3A_1311 = arith.constant 0 : i32
      %dma_wait3A_1312 = tpu.memref_slice %arg6[%dma_wait3A_1310, %dma_wait3A_1311] : memref<10000x128xf32, #tpu.memory_space<vmem_shared>> -> memref<16x128xf32, #tpu.memory_space<vmem_shared>>
      %dma_wait3A_1313 = arith.constant 9952 : i32
      %dma_wait3A_1314 = arith.constant 0 : i32
      %dma_wait3A_1315 = tpu.memref_slice %arg6[%dma_wait3A_1313, %dma_wait3A_1314] : memref<10000x128xf32, #tpu.memory_space<vmem_shared>> -> memref<16x128xf32, #tpu.memory_space<vmem_shared>>
      tpu.wait_dma2 semaphore(%arg21 : memref<!tpu.dma_semaphore, #tpu.memory_space<semaphore_mem>>) src(%arg16 : memref<16x128xf32, #tpu.memory_space<vmem>>) dst(%dma_wait3A_1315 : memref<16x128xf32, #tpu.memory_space<vmem_shared>>)
      %dma_wait3A_1316 = arith.constant 9968 : i32
      %dma_wait3A_1317 = arith.constant 0 : i32
      %dma_wait3A_1318 = tpu.memref_slice %arg6[%dma_wait3A_1316, %dma_wait3A_1317] : memref<10000x128xf32, #tpu.memory_space<vmem_shared>> -> memref<16x128xf32, #tpu.memory_space<vmem_shared>>
      %dma_wait3A_1319 = arith.constant 9968 : i32
      %dma_wait3A_1320 = arith.constant 0 : i32
      %dma_wait3A_1321 = tpu.memref_slice %arg6[%dma_wait3A_1319, %dma_wait3A_1320] : memref<10000x128xf32, #tpu.memory_space<vmem_shared>> -> memref<16x128xf32, #tpu.memory_space<vmem_shared>>
      tpu.wait_dma2 semaphore(%arg21 : memref<!tpu.dma_semaphore, #tpu.memory_space<semaphore_mem>>) src(%arg16 : memref<16x128xf32, #tpu.memory_space<vmem>>) dst(%dma_wait3A_1321 : memref<16x128xf32, #tpu.memory_space<vmem_shared>>)
      %dma_wait3A_1322 = arith.constant 9984 : i32
      %dma_wait3A_1323 = arith.constant 0 : i32
      %dma_wait3A_1324 = tpu.memref_slice %arg6[%dma_wait3A_1322, %dma_wait3A_1323] : memref<10000x128xf32, #tpu.memory_space<vmem_shared>> -> memref<16x128xf32, #tpu.memory_space<vmem_shared>>
      %dma_wait3A_1325 = arith.constant 9984 : i32
      %dma_wait3A_1326 = arith.constant 0 : i32
      %dma_wait3A_1327 = tpu.memref_slice %arg6[%dma_wait3A_1325, %dma_wait3A_1326] : memref<10000x128xf32, #tpu.memory_space<vmem_shared>> -> memref<16x128xf32, #tpu.memory_space<vmem_shared>>
      tpu.wait_dma2 semaphore(%arg21 : memref<!tpu.dma_semaphore, #tpu.memory_space<semaphore_mem>>) src(%arg16 : memref<16x128xf32, #tpu.memory_space<vmem>>) dst(%dma_wait3A_1327 : memref<16x128xf32, #tpu.memory_space<vmem_shared>>)
    } else {
    }
    %barrier3A = arith.constant 0 : index
    tpu.barrier barrier_id(%barrier3A)
    %scan3A = arith.constant 0 : i32
    %scan3A_809 = arith.constant 0 : i32
    %scan3A_810 = arith.constant 41 : i32
    %scan3A_811 = arith.addi %scan3A_809, %scan3A_810 : i32
    %scan3A_812 = arith.constant 1 : i32
    scf.for %scan3A_848 = %scan3A_809 to %scan3A_811 step %scan3A_812  : i32 {
      %mul3A_849 = arith.constant 3 : i32
      %mul3A_850 = arith.muli %mul3A_849, %scan3A_848 : i32
      %dma_wait3A_851 = arith.constant 0 : i32
      %dma_wait3A_852 = tpu.memref_slice %arg4[%dma_wait3A_851] : memref<320000xi32, #tpu.memory_space<hbm>> -> memref<80xi32, #tpu.memory_space<hbm>>
      %dma_wait3A_853 = arith.constant 0 : i32
      %dma_wait3A_854 = tpu.memref_slice %arg4[%dma_wait3A_853] : memref<320000xi32, #tpu.memory_space<hbm>> -> memref<80xi32, #tpu.memory_space<hbm>>
      tpu.wait_dma2 semaphore(%arg18 : memref<!tpu.dma_semaphore, #tpu.memory_space<semaphore_mem>>) src(%dma_wait3A_854 : memref<80xi32, #tpu.memory_space<hbm>>) dst(%arg8 : memref<80xi32, #tpu.memory_space<vmem>>)
      %dma_wait3A_855 = arith.constant 0 : i32
      %dma_wait3A_856 = tpu.memref_slice %arg3[%dma_wait3A_855] : memref<320000xi32, #tpu.memory_space<hbm>> -> memref<80xi32, #tpu.memory_space<hbm>>
      %dma_wait3A_857 = arith.constant 0 : i32
      %dma_wait3A_858 = tpu.memref_slice %arg3[%dma_wait3A_857] : memref<320000xi32, #tpu.memory_space<hbm>> -> memref<80xi32, #tpu.memory_space<hbm>>
      tpu.wait_dma2 semaphore(%arg18 : memref<!tpu.dma_semaphore, #tpu.memory_space<semaphore_mem>>) src(%dma_wait3A_858 : memref<80xi32, #tpu.memory_space<hbm>>) dst(%arg11 : memref<80xi32, #tpu.memory_space<vmem>>)
      %dma_start3A_859 = arith.constant 0 : i32
      %dma_start3A_860 = arith.constant 0 : i32
      %dma_start3A_861 = tpu.memref_slice %arg2[%dma_start3A_859, %dma_start3A_860] : memref<10000x128xf32, #tpu.memory_space<hbm>> -> memref<10000x128xf32, #tpu.memory_space<hbm>>
      tpu.enqueue_indirect_dma source(%dma_start3A_861 : memref<10000x128xf32, #tpu.memory_space<hbm>>) target(%arg14 : memref<80x128xf32, #tpu.memory_space<vmem>>) offsets(%arg8 : memref<80xi32, #tpu.memory_space<vmem>>) semaphore(%arg21 : memref<!tpu.dma_semaphore, #tpu.memory_space<semaphore_mem>>)
      %dma_wait3A_862 = arith.constant 0 : i32
      %dma_wait3A_863 = arith.constant 0 : i32
      %dma_wait3A_864 = tpu.memref_slice %arg2[%dma_wait3A_862, %dma_wait3A_863] : memref<10000x128xf32, #tpu.memory_space<hbm>> -> memref<80x128xf32, #tpu.memory_space<hbm>>
      %dma_wait3A_865 = arith.constant 0 : i32
      %dma_wait3A_866 = arith.constant 0 : i32
      %dma_wait3A_867 = tpu.memref_slice %arg2[%dma_wait3A_865, %dma_wait3A_866] : memref<10000x128xf32, #tpu.memory_space<hbm>> -> memref<80x128xf32, #tpu.memory_space<hbm>>
      tpu.wait_dma2 semaphore(%arg20 : memref<!tpu.dma_semaphore, #tpu.memory_space<semaphore_mem>>) src(%dma_wait3A_867 : memref<80x128xf32, #tpu.memory_space<hbm>>) dst(%arg13 : memref<80x128xf32, #tpu.memory_space<vmem>>)
      "tpu.region"() ({
        %run_scoped3A = tpu.sem_alloc : memref<!tpu.dma_semaphore, #tpu.memory_space<semaphore_mem>>
        %dma_start3A_929 = arith.constant 0 : i32
        %dma_start3A_930 = arith.constant 0 : i32
        %dma_start3A_931 = tpu.memref_slice %arg6[%dma_start3A_929, %dma_start3A_930] : memref<10000x128xf32, #tpu.memory_space<vmem_shared>> -> memref<10000x128xf32, #tpu.memory_space<vmem_shared>>
        tpu.enqueue_indirect_dma source(%arg13 : memref<80x128xf32, #tpu.memory_space<vmem>>) target(%dma_start3A_931 : memref<10000x128xf32, #tpu.memory_space<vmem_shared>>) offsets(%arg10 : memref<80xi32, #tpu.memory_space<vmem>>) semaphore(%run_scoped3A : memref<!tpu.dma_semaphore, #tpu.memory_space<semaphore_mem>>) {add = true}
        %dma_wait3A_932 = arith.constant 0 : i32
        %dma_wait3A_933 = arith.constant 0 : i32
        %dma_wait3A_934 = tpu.memref_slice %arg6[%dma_wait3A_932, %dma_wait3A_933] : memref<10000x128xf32, #tpu.memory_space<vmem_shared>> -> memref<10000x128xf32, #tpu.memory_space<vmem_shared>>
        tpu.wait_indirect_dma semaphore(%run_scoped3A : memref<!tpu.dma_semaphore, #tpu.memory_space<semaphore_mem>>) src(%arg13 : memref<80x128xf32, #tpu.memory_space<vmem>>) dst(%dma_wait3A_934 : memref<10000x128xf32, #tpu.memory_space<vmem_shared>>)
        tpu.yield
      }) : () -> ()
      %add3A_868 = arith.constant 3 : i32
      %add3A_869 = arith.addi %mul3A_850, %add3A_868 : i32
      %mul3A_870 = arith.constant 80 : i32
      %mul3A_871 = arith.muli %add3A_869, %mul3A_870 : i32
      %add3A_872 = arith.addi %mul3A_2, %mul3A_871 : i32
      %multiple_of3A_873 = tpu.assume_multiple %add3A_872, 8 : i32
      %dma_start3A_874 = tpu.memref_slice %arg4[%multiple_of3A_873] : memref<320000xi32, #tpu.memory_space<hbm>> -> memref<80xi32, #tpu.memory_space<hbm>>
      %dma_start3A_875 = tpu.memref_slice %arg4[%multiple_of3A_873] : memref<320000xi32, #tpu.memory_space<hbm>> -> memref<80xi32, #tpu.memory_space<hbm>>
      tpu.enqueue_dma source(%dma_start3A_875 : memref<80xi32, #tpu.memory_space<hbm>>) target(%arg7 : memref<80xi32, #tpu.memory_space<vmem>>) target_semaphore(%arg17 : memref<!tpu.dma_semaphore, #tpu.memory_space<semaphore_mem>>)
      %dma_start3A_876 = tpu.memref_slice %arg3[%multiple_of3A_873] : memref<320000xi32, #tpu.memory_space<hbm>> -> memref<80xi32, #tpu.memory_space<hbm>>
      %dma_start3A_877 = tpu.memref_slice %arg3[%multiple_of3A_873] : memref<320000xi32, #tpu.memory_space<hbm>> -> memref<80xi32, #tpu.memory_space<hbm>>
      tpu.enqueue_dma source(%dma_start3A_877 : memref<80xi32, #tpu.memory_space<hbm>>) target(%arg10 : memref<80xi32, #tpu.memory_space<vmem>>) target_semaphore(%arg17 : memref<!tpu.dma_semaphore, #tpu.memory_space<semaphore_mem>>)
      %dma_wait3A_878 = arith.constant 0 : i32
      %dma_wait3A_879 = tpu.memref_slice %arg4[%dma_wait3A_878] : memref<320000xi32, #tpu.memory_space<hbm>> -> memref<80xi32, #tpu.memory_space<hbm>>
      %dma_wait3A_880 = arith.constant 0 : i32
      %dma_wait3A_881 = tpu.memref_slice %arg4[%dma_wait3A_880] : memref<320000xi32, #tpu.memory_space<hbm>> -> memref<80xi32, #tpu.memory_space<hbm>>
      tpu.wait_dma2 semaphore(%arg19 : memref<!tpu.dma_semaphore, #tpu.memory_space<semaphore_mem>>) src(%dma_wait3A_881 : memref<80xi32, #tpu.memory_space<hbm>>) dst(%arg9 : memref<80xi32, #tpu.memory_space<vmem>>)
      %dma_wait3A_882 = arith.constant 0 : i32
      %dma_wait3A_883 = tpu.memref_slice %arg3[%dma_wait3A_882] : memref<320000xi32, #tpu.memory_space<hbm>> -> memref<80xi32, #tpu.memory_space<hbm>>
      %dma_wait3A_884 = arith.constant 0 : i32
      %dma_wait3A_885 = tpu.memref_slice %arg3[%dma_wait3A_884] : memref<320000xi32, #tpu.memory_space<hbm>> -> memref<80xi32, #tpu.memory_space<hbm>>
      tpu.wait_dma2 semaphore(%arg19 : memref<!tpu.dma_semaphore, #tpu.memory_space<semaphore_mem>>) src(%dma_wait3A_885 : memref<80xi32, #tpu.memory_space<hbm>>) dst(%arg12 : memref<80xi32, #tpu.memory_space<vmem>>)
      %dma_start3A_886 = arith.constant 0 : i32
      %dma_start3A_887 = arith.constant 0 : i32
      %dma_start3A_888 = tpu.memref_slice %arg2[%dma_start3A_886, %dma_start3A_887] : memref<10000x128xf32, #tpu.memory_space<hbm>> -> memref<10000x128xf32, #tpu.memory_space<hbm>>
      tpu.enqueue_indirect_dma source(%dma_start3A_888 : memref<10000x128xf32, #tpu.memory_space<hbm>>) target(%arg15 : memref<80x128xf32, #tpu.memory_space<vmem>>) offsets(%arg9 : memref<80xi32, #tpu.memory_space<vmem>>) semaphore(%arg22 : memref<!tpu.dma_semaphore, #tpu.memory_space<semaphore_mem>>)
      %dma_wait3A_889 = arith.constant 0 : i32
      %dma_wait3A_890 = arith.constant 0 : i32
      %dma_wait3A_891 = tpu.memref_slice %arg2[%dma_wait3A_889, %dma_wait3A_890] : memref<10000x128xf32, #tpu.memory_space<hbm>> -> memref<80x128xf32, #tpu.memory_space<hbm>>
      %dma_wait3A_892 = arith.constant 0 : i32
      %dma_wait3A_893 = arith.constant 0 : i32
      %dma_wait3A_894 = tpu.memref_slice %arg2[%dma_wait3A_892, %dma_wait3A_893] : memref<10000x128xf32, #tpu.memory_space<hbm>> -> memref<80x128xf32, #tpu.memory_space<hbm>>
      tpu.wait_dma2 semaphore(%arg21 : memref<!tpu.dma_semaphore, #tpu.memory_space<semaphore_mem>>) src(%dma_wait3A_894 : memref<80x128xf32, #tpu.memory_space<hbm>>) dst(%arg14 : memref<80x128xf32, #tpu.memory_space<vmem>>)
      "tpu.region"() ({
        %run_scoped3A = tpu.sem_alloc : memref<!tpu.dma_semaphore, #tpu.memory_space<semaphore_mem>>
        %dma_start3A_929 = arith.constant 0 : i32
        %dma_start3A_930 = arith.constant 0 : i32
        %dma_start3A_931 = tpu.memref_slice %arg6[%dma_start3A_929, %dma_start3A_930] : memref<10000x128xf32, #tpu.memory_space<vmem_shared>> -> memref<10000x128xf32, #tpu.memory_space<vmem_shared>>
        tpu.enqueue_indirect_dma source(%arg14 : memref<80x128xf32, #tpu.memory_space<vmem>>) target(%dma_start3A_931 : memref<10000x128xf32, #tpu.memory_space<vmem_shared>>) offsets(%arg11 : memref<80xi32, #tpu.memory_space<vmem>>) semaphore(%run_scoped3A : memref<!tpu.dma_semaphore, #tpu.memory_space<semaphore_mem>>) {add = true}
        %dma_wait3A_932 = arith.constant 0 : i32
        %dma_wait3A_933 = arith.constant 0 : i32
        %dma_wait3A_934 = tpu.memref_slice %arg6[%dma_wait3A_932, %dma_wait3A_933] : memref<10000x128xf32, #tpu.memory_space<vmem_shared>> -> memref<10000x128xf32, #tpu.memory_space<vmem_shared>>
        tpu.wait_indirect_dma semaphore(%run_scoped3A : memref<!tpu.dma_semaphore, #tpu.memory_space<semaphore_mem>>) src(%arg14 : memref<80x128xf32, #tpu.memory_space<vmem>>) dst(%dma_wait3A_934 : memref<10000x128xf32, #tpu.memory_space<vmem_shared>>)
        tpu.yield
      }) : () -> ()
      %add3A_895 = arith.constant 4 : i32
      %add3A_896 = arith.addi %mul3A_850, %add3A_895 : i32
      %mul3A_897 = arith.constant 80 : i32
      %mul3A_898 = arith.muli %add3A_896, %mul3A_897 : i32
      %add3A_899 = arith.addi %mul3A_2, %mul3A_898 : i32
      %multiple_of3A_900 = tpu.assume_multiple %add3A_899, 8 : i32
      %dma_start3A_901 = tpu.memref_slice %arg4[%multiple_of3A_900] : memref<320000xi32, #tpu.memory_space<hbm>> -> memref<80xi32, #tpu.memory_space<hbm>>
      %dma_start3A_902 = tpu.memref_slice %arg4[%multiple_of3A_900] : memref<320000xi32, #tpu.memory_space<hbm>> -> memref<80xi32, #tpu.memory_space<hbm>>
      tpu.enqueue_dma source(%dma_start3A_902 : memref<80xi32, #tpu.memory_space<hbm>>) target(%arg8 : memref<80xi32, #tpu.memory_space<vmem>>) target_semaphore(%arg18 : memref<!tpu.dma_semaphore, #tpu.memory_space<semaphore_mem>>)
      %dma_start3A_903 = tpu.memref_slice %arg3[%multiple_of3A_900] : memref<320000xi32, #tpu.memory_space<hbm>> -> memref<80xi32, #tpu.memory_space<hbm>>
      %dma_start3A_904 = tpu.memref_slice %arg3[%multiple_of3A_900] : memref<320000xi32, #tpu.memory_space<hbm>> -> memref<80xi32, #tpu.memory_space<hbm>>
      tpu.enqueue_dma source(%dma_start3A_904 : memref<80xi32, #tpu.memory_space<hbm>>) target(%arg11 : memref<80xi32, #tpu.memory_space<vmem>>) target_semaphore(%arg18 : memref<!tpu.dma_semaphore, #tpu.memory_space<semaphore_mem>>)
      %dma_wait3A_905 = arith.constant 0 : i32
      %dma_wait3A_906 = tpu.memref_slice %arg4[%dma_wait3A_905] : memref<320000xi32, #tpu.memory_space<hbm>> -> memref<80xi32, #tpu.memory_space<hbm>>
      %dma_wait3A_907 = arith.constant 0 : i32
      %dma_wait3A_908 = tpu.memref_slice %arg4[%dma_wait3A_907] : memref<320000xi32, #tpu.memory_space<hbm>> -> memref<80xi32, #tpu.memory_space<hbm>>
      tpu.wait_dma2 semaphore(%arg17 : memref<!tpu.dma_semaphore, #tpu.memory_space<semaphore_mem>>) src(%dma_wait3A_908 : memref<80xi32, #tpu.memory_space<hbm>>) dst(%arg7 : memref<80xi32, #tpu.memory_space<vmem>>)
      %dma_wait3A_909 = arith.constant 0 : i32
      %dma_wait3A_910 = tpu.memref_slice %arg3[%dma_wait3A_909] : memref<320000xi32, #tpu.memory_space<hbm>> -> memref<80xi32, #tpu.memory_space<hbm>>
      %dma_wait3A_911 = arith.constant 0 : i32
      %dma_wait3A_912 = tpu.memref_slice %arg3[%dma_wait3A_911] : memref<320000xi32, #tpu.memory_space<hbm>> -> memref<80xi32, #tpu.memory_space<hbm>>
      tpu.wait_dma2 semaphore(%arg17 : memref<!tpu.dma_semaphore, #tpu.memory_space<semaphore_mem>>) src(%dma_wait3A_912 : memref<80xi32, #tpu.memory_space<hbm>>) dst(%arg10 : memref<80xi32, #tpu.memory_space<vmem>>)
      %dma_start3A_913 = arith.constant 0 : i32
      %dma_start3A_914 = arith.constant 0 : i32
      %dma_start3A_915 = tpu.memref_slice %arg2[%dma_start3A_913, %dma_start3A_914] : memref<10000x128xf32, #tpu.memory_space<hbm>> -> memref<10000x128xf32, #tpu.memory_space<hbm>>
      tpu.enqueue_indirect_dma source(%dma_start3A_915 : memref<10000x128xf32, #tpu.memory_space<hbm>>) target(%arg13 : memref<80x128xf32, #tpu.memory_space<vmem>>) offsets(%arg7 : memref<80xi32, #tpu.memory_space<vmem>>) semaphore(%arg20 : memref<!tpu.dma_semaphore, #tpu.memory_space<semaphore_mem>>)
      %dma_wait3A_916 = arith.constant 0 : i32
      %dma_wait3A_917 = arith.constant 0 : i32
      %dma_wait3A_918 = tpu.memref_slice %arg2[%dma_wait3A_916, %dma_wait3A_917] : memref<10000x128xf32, #tpu.memory_space<hbm>> -> memref<80x128xf32, #tpu.memory_space<hbm>>
      %dma_wait3A_919 = arith.constant 0 : i32
      %dma_wait3A_920 = arith.constant 0 : i32
      %dma_wait3A_921 = tpu.memref_slice %arg2[%dma_wait3A_919, %dma_wait3A_920] : memref<10000x128xf32, #tpu.memory_space<hbm>> -> memref<80x128xf32, #tpu.memory_space<hbm>>
      tpu.wait_dma2 semaphore(%arg22 : memref<!tpu.dma_semaphore, #tpu.memory_space<semaphore_mem>>) src(%dma_wait3A_921 : memref<80x128xf32, #tpu.memory_space<hbm>>) dst(%arg15 : memref<80x128xf32, #tpu.memory_space<vmem>>)
      "tpu.region"() ({
        %run_scoped3A = tpu.sem_alloc : memref<!tpu.dma_semaphore, #tpu.memory_space<semaphore_mem>>
        %dma_start3A_929 = arith.constant 0 : i32
        %dma_start3A_930 = arith.constant 0 : i32
        %dma_start3A_931 = tpu.memref_slice %arg6[%dma_start3A_929, %dma_start3A_930] : memref<10000x128xf32, #tpu.memory_space<vmem_shared>> -> memref<10000x128xf32, #tpu.memory_space<vmem_shared>>
        tpu.enqueue_indirect_dma source(%arg15 : memref<80x128xf32, #tpu.memory_space<vmem>>) target(%dma_start3A_931 : memref<10000x128xf32, #tpu.memory_space<vmem_shared>>) offsets(%arg12 : memref<80xi32, #tpu.memory_space<vmem>>) semaphore(%run_scoped3A : memref<!tpu.dma_semaphore, #tpu.memory_space<semaphore_mem>>) {add = true}
        %dma_wait3A_932 = arith.constant 0 : i32
        %dma_wait3A_933 = arith.constant 0 : i32
        %dma_wait3A_934 = tpu.memref_slice %arg6[%dma_wait3A_932, %dma_wait3A_933] : memref<10000x128xf32, #tpu.memory_space<vmem_shared>> -> memref<10000x128xf32, #tpu.memory_space<vmem_shared>>
        tpu.wait_indirect_dma semaphore(%run_scoped3A : memref<!tpu.dma_semaphore, #tpu.memory_space<semaphore_mem>>) src(%arg15 : memref<80x128xf32, #tpu.memory_space<vmem>>) dst(%dma_wait3A_934 : memref<10000x128xf32, #tpu.memory_space<vmem_shared>>)
        tpu.yield
      }) : () -> ()
      %add3A_922 = arith.constant 5 : i32
      %add3A_923 = arith.addi %mul3A_850, %add3A_922 : i32
      %lt3A_924 = arith.constant 125 : i32
      %lt3A_925 = arith.cmpi slt, %add3A_923, %lt3A_924 : i32
      %convert_element_type3A_926 = arith.extui %lt3A_925 : i1 to i32
      %cond3A_927 = arith.constant 0 : i32
      %cond3A_928 = arith.cmpi ne, %convert_element_type3A_926, %cond3A_927 : i32
      scf.if %cond3A_928 {
        %add3A_929 = arith.constant 5 : i32
        %add3A_930 = arith.addi %mul3A_850, %add3A_929 : i32
        %mul3A_931 = arith.constant 80 : i32
        %mul3A_932 = arith.muli %add3A_930, %mul3A_931 : i32
        %add3A_933 = arith.addi %mul3A_2, %mul3A_932 : i32
        %multiple_of3A_934 = tpu.assume_multiple %add3A_933, 8 : i32
        %dma_start3A_935 = tpu.memref_slice %arg4[%multiple_of3A_934] : memref<320000xi32, #tpu.memory_space<hbm>> -> memref<80xi32, #tpu.memory_space<hbm>>
        %dma_start3A_936 = tpu.memref_slice %arg4[%multiple_of3A_934] : memref<320000xi32, #tpu.memory_space<hbm>> -> memref<80xi32, #tpu.memory_space<hbm>>
        tpu.enqueue_dma source(%dma_start3A_936 : memref<80xi32, #tpu.memory_space<hbm>>) target(%arg9 : memref<80xi32, #tpu.memory_space<vmem>>) target_semaphore(%arg19 : memref<!tpu.dma_semaphore, #tpu.memory_space<semaphore_mem>>)
        %dma_start3A_937 = tpu.memref_slice %arg3[%multiple_of3A_934] : memref<320000xi32, #tpu.memory_space<hbm>> -> memref<80xi32, #tpu.memory_space<hbm>>
        %dma_start3A_938 = tpu.memref_slice %arg3[%multiple_of3A_934] : memref<320000xi32, #tpu.memory_space<hbm>> -> memref<80xi32, #tpu.memory_space<hbm>>
        tpu.enqueue_dma source(%dma_start3A_938 : memref<80xi32, #tpu.memory_space<hbm>>) target(%arg12 : memref<80xi32, #tpu.memory_space<vmem>>) target_semaphore(%arg19 : memref<!tpu.dma_semaphore, #tpu.memory_space<semaphore_mem>>)
      } else {
      }
    }
    %scan3A_813 = arith.constant 41 : i32
    %dma_wait3A_814 = arith.constant 0 : i32
    %dma_wait3A_815 = tpu.memref_slice %arg4[%dma_wait3A_814] : memref<320000xi32, #tpu.memory_space<hbm>> -> memref<80xi32, #tpu.memory_space<hbm>>
    %dma_wait3A_816 = arith.constant 0 : i32
    %dma_wait3A_817 = tpu.memref_slice %arg4[%dma_wait3A_816] : memref<320000xi32, #tpu.memory_space<hbm>> -> memref<80xi32, #tpu.memory_space<hbm>>
    tpu.wait_dma2 semaphore(%arg18 : memref<!tpu.dma_semaphore, #tpu.memory_space<semaphore_mem>>) src(%dma_wait3A_817 : memref<80xi32, #tpu.memory_space<hbm>>) dst(%arg8 : memref<80xi32, #tpu.memory_space<vmem>>)
    %dma_wait3A_818 = arith.constant 0 : i32
    %dma_wait3A_819 = tpu.memref_slice %arg3[%dma_wait3A_818] : memref<320000xi32, #tpu.memory_space<hbm>> -> memref<80xi32, #tpu.memory_space<hbm>>
    %dma_wait3A_820 = arith.constant 0 : i32
    %dma_wait3A_821 = tpu.memref_slice %arg3[%dma_wait3A_820] : memref<320000xi32, #tpu.memory_space<hbm>> -> memref<80xi32, #tpu.memory_space<hbm>>
    tpu.wait_dma2 semaphore(%arg18 : memref<!tpu.dma_semaphore, #tpu.memory_space<semaphore_mem>>) src(%dma_wait3A_821 : memref<80xi32, #tpu.memory_space<hbm>>) dst(%arg11 : memref<80xi32, #tpu.memory_space<vmem>>)
    %dma_start3A_822 = arith.constant 0 : i32
    %dma_start3A_823 = arith.constant 0 : i32
    %dma_start3A_824 = tpu.memref_slice %arg2[%dma_start3A_822, %dma_start3A_823] : memref<10000x128xf32, #tpu.memory_space<hbm>> -> memref<10000x128xf32, #tpu.memory_space<hbm>>
    tpu.enqueue_indirect_dma source(%dma_start3A_824 : memref<10000x128xf32, #tpu.memory_space<hbm>>) target(%arg14 : memref<80x128xf32, #tpu.memory_space<vmem>>) offsets(%arg8 : memref<80xi32, #tpu.memory_space<vmem>>) semaphore(%arg21 : memref<!tpu.dma_semaphore, #tpu.memory_space<semaphore_mem>>)
    %dma_wait3A_825 = arith.constant 0 : i32
    %dma_wait3A_826 = arith.constant 0 : i32
    %dma_wait3A_827 = tpu.memref_slice %arg2[%dma_wait3A_825, %dma_wait3A_826] : memref<10000x128xf32, #tpu.memory_space<hbm>> -> memref<80x128xf32, #tpu.memory_space<hbm>>
    %dma_wait3A_828 = arith.constant 0 : i32
    %dma_wait3A_829 = arith.constant 0 : i32
    %dma_wait3A_830 = tpu.memref_slice %arg2[%dma_wait3A_828, %dma_wait3A_829] : memref<10000x128xf32, #tpu.memory_space<hbm>> -> memref<80x128xf32, #tpu.memory_space<hbm>>
    tpu.wait_dma2 semaphore(%arg20 : memref<!tpu.dma_semaphore, #tpu.memory_space<semaphore_mem>>) src(%dma_wait3A_830 : memref<80x128xf32, #tpu.memory_space<hbm>>) dst(%arg13 : memref<80x128xf32, #tpu.memory_space<vmem>>)
    "tpu.region"() ({
      %run_scoped3A = tpu.sem_alloc : memref<!tpu.dma_semaphore, #tpu.memory_space<semaphore_mem>>
      %dma_start3A_848 = arith.constant 0 : i32
      %dma_start3A_849 = arith.constant 0 : i32
      %dma_start3A_850 = tpu.memref_slice %arg6[%dma_start3A_848, %dma_start3A_849] : memref<10000x128xf32, #tpu.memory_space<vmem_shared>> -> memref<10000x128xf32, #tpu.memory_space<vmem_shared>>
      tpu.enqueue_indirect_dma source(%arg13 : memref<80x128xf32, #tpu.memory_space<vmem>>) target(%dma_start3A_850 : memref<10000x128xf32, #tpu.memory_space<vmem_shared>>) offsets(%arg10 : memref<80xi32, #tpu.memory_space<vmem>>) semaphore(%run_scoped3A : memref<!tpu.dma_semaphore, #tpu.memory_space<semaphore_mem>>) {add = true}
      %dma_wait3A_851 = arith.constant 0 : i32
      %dma_wait3A_852 = arith.constant 0 : i32
      %dma_wait3A_853 = tpu.memref_slice %arg6[%dma_wait3A_851, %dma_wait3A_852] : memref<10000x128xf32, #tpu.memory_space<vmem_shared>> -> memref<10000x128xf32, #tpu.memory_space<vmem_shared>>
      tpu.wait_indirect_dma semaphore(%run_scoped3A : memref<!tpu.dma_semaphore, #tpu.memory_space<semaphore_mem>>) src(%arg13 : memref<80x128xf32, #tpu.memory_space<vmem>>) dst(%dma_wait3A_853 : memref<10000x128xf32, #tpu.memory_space<vmem_shared>>)
      tpu.yield
    }) : () -> ()
    %dma_wait3A_831 = arith.constant 0 : i32
    %dma_wait3A_832 = arith.constant 0 : i32
    %dma_wait3A_833 = tpu.memref_slice %arg2[%dma_wait3A_831, %dma_wait3A_832] : memref<10000x128xf32, #tpu.memory_space<hbm>> -> memref<80x128xf32, #tpu.memory_space<hbm>>
    %dma_wait3A_834 = arith.constant 0 : i32
    %dma_wait3A_835 = arith.constant 0 : i32
    %dma_wait3A_836 = tpu.memref_slice %arg2[%dma_wait3A_834, %dma_wait3A_835] : memref<10000x128xf32, #tpu.memory_space<hbm>> -> memref<80x128xf32, #tpu.memory_space<hbm>>
    tpu.wait_dma2 semaphore(%arg21 : memref<!tpu.dma_semaphore, #tpu.memory_space<semaphore_mem>>) src(%dma_wait3A_836 : memref<80x128xf32, #tpu.memory_space<hbm>>) dst(%arg14 : memref<80x128xf32, #tpu.memory_space<vmem>>)
    "tpu.region"() ({
      %run_scoped3A = tpu.sem_alloc : memref<!tpu.dma_semaphore, #tpu.memory_space<semaphore_mem>>
      %dma_start3A_848 = arith.constant 0 : i32
      %dma_start3A_849 = arith.constant 0 : i32
      %dma_start3A_850 = tpu.memref_slice %arg6[%dma_start3A_848, %dma_start3A_849] : memref<10000x128xf32, #tpu.memory_space<vmem_shared>> -> memref<10000x128xf32, #tpu.memory_space<vmem_shared>>
      tpu.enqueue_indirect_dma source(%arg14 : memref<80x128xf32, #tpu.memory_space<vmem>>) target(%dma_start3A_850 : memref<10000x128xf32, #tpu.memory_space<vmem_shared>>) offsets(%arg11 : memref<80xi32, #tpu.memory_space<vmem>>) semaphore(%run_scoped3A : memref<!tpu.dma_semaphore, #tpu.memory_space<semaphore_mem>>) {add = true}
      %dma_wait3A_851 = arith.constant 0 : i32
      %dma_wait3A_852 = arith.constant 0 : i32
      %dma_wait3A_853 = tpu.memref_slice %arg6[%dma_wait3A_851, %dma_wait3A_852] : memref<10000x128xf32, #tpu.memory_space<vmem_shared>> -> memref<10000x128xf32, #tpu.memory_space<vmem_shared>>
      tpu.wait_indirect_dma semaphore(%run_scoped3A : memref<!tpu.dma_semaphore, #tpu.memory_space<semaphore_mem>>) src(%arg14 : memref<80x128xf32, #tpu.memory_space<vmem>>) dst(%dma_wait3A_853 : memref<10000x128xf32, #tpu.memory_space<vmem_shared>>)
      tpu.yield
    }) : () -> ()
    %barrier3A_837 = arith.constant 0 : index
    tpu.barrier barrier_id(%barrier3A_837)
    %lt3A_838 = arith.constant 15 : i32
    %lt3A_839 = arith.cmpi slt, %arg1, %lt3A_838 : i32
    %convert_element_type3A_840 = arith.extui %lt3A_839 : i1 to i32
    %cond3A_841 = arith.constant 0 : i32
    %cond3A_842 = arith.cmpi ne, %convert_element_type3A_840, %cond3A_841 : i32
    scf.if %cond3A_842 {
      "tpu.region"() ({
        %run_scoped3A = tpu.sem_alloc : memref<!tpu.dma_semaphore, #tpu.memory_space<semaphore_mem>>
        %dma_start3A_848 = arith.constant 0 : i32
        %dma_start3A_849 = tpu.memref_slice %arg5[%arg0, %multiple_of3A_802, %dma_start3A_848] : memref<2x10000x128xf32, #tpu.memory_space<hbm>> -> memref<1x624x128xf32, #tpu.memory_space<hbm>>
        %dma_start3A_850 = tpu.memref_squeeze %dma_start3A_849 : memref<1x624x128xf32, #tpu.memory_space<hbm>> -> memref<624x128xf32, #tpu.memory_space<hbm>>
        %dma_start3A_851 = arith.constant 0 : i32
        %dma_start3A_852 = tpu.memref_slice %arg6[%multiple_of3A_802, %dma_start3A_851] : memref<10000x128xf32, #tpu.memory_space<vmem_shared>> -> memref<624x128xf32, #tpu.memory_space<vmem_shared>>
        tpu.enqueue_dma source(%dma_start3A_852 : memref<624x128xf32, #tpu.memory_space<vmem_shared>>) target(%dma_start3A_850 : memref<624x128xf32, #tpu.memory_space<hbm>>) target_semaphore(%run_scoped3A : memref<!tpu.dma_semaphore, #tpu.memory_space<semaphore_mem>>)
        %dma_wait3A_853 = arith.constant 0 : i32
        %dma_wait3A_854 = tpu.memref_slice %arg5[%arg0, %multiple_of3A_802, %dma_wait3A_853] : memref<2x10000x128xf32, #tpu.memory_space<hbm>> -> memref<1x624x128xf32, #tpu.memory_space<hbm>>
        %dma_wait3A_855 = tpu.memref_squeeze %dma_wait3A_854 : memref<1x624x128xf32, #tpu.memory_space<hbm>> -> memref<624x128xf32, #tpu.memory_space<hbm>>
        %dma_wait3A_856 = arith.constant 0 : i32
        %dma_wait3A_857 = tpu.memref_slice %arg6[%multiple_of3A_802, %dma_wait3A_856] : memref<10000x128xf32, #tpu.memory_space<vmem_shared>> -> memref<624x128xf32, #tpu.memory_space<vmem_shared>>
        tpu.wait_dma2 semaphore(%run_scoped3A : memref<!tpu.dma_semaphore, #tpu.memory_space<semaphore_mem>>) src(%dma_wait3A_857 : memref<624x128xf32, #tpu.memory_space<vmem_shared>>) dst(%dma_wait3A_855 : memref<624x128xf32, #tpu.memory_space<hbm>>)
        tpu.yield
      }) : () -> ()
    } else {
    }
    %eq3A_843 = arith.constant 15 : i32
    %eq3A_844 = arith.cmpi eq, %arg1, %eq3A_843 : i32
    %convert_element_type3A_845 = arith.extui %eq3A_844 : i1 to i32
    %cond3A_846 = arith.constant 0 : i32
    %cond3A_847 = arith.cmpi ne, %convert_element_type3A_845, %cond3A_846 : i32
    scf.if %cond3A_847 {
      "tpu.region"() ({
        %run_scoped3A = tpu.sem_alloc : memref<!tpu.dma_semaphore, #tpu.memory_space<semaphore_mem>>
        %dma_start3A_848 = arith.constant 9360 : i32
        %dma_start3A_849 = arith.constant 0 : i32
        %dma_start3A_850 = tpu.memref_slice %arg5[%arg0, %dma_start3A_848, %dma_start3A_849] : memref<2x10000x128xf32, #tpu.memory_space<hbm>> -> memref<1x640x128xf32, #tpu.memory_space<hbm>>
        %dma_start3A_851 = tpu.memref_squeeze %dma_start3A_850 : memref<1x640x128xf32, #tpu.memory_space<hbm>> -> memref<640x128xf32, #tpu.memory_space<hbm>>
        %dma_start3A_852 = arith.constant 9360 : i32
        %dma_start3A_853 = arith.constant 0 : i32
        %dma_start3A_854 = tpu.memref_slice %arg6[%dma_start3A_852, %dma_start3A_853] : memref<10000x128xf32, #tpu.memory_space<vmem_shared>> -> memref<640x128xf32, #tpu.memory_space<vmem_shared>>
        tpu.enqueue_dma source(%dma_start3A_854 : memref<640x128xf32, #tpu.memory_space<vmem_shared>>) target(%dma_start3A_851 : memref<640x128xf32, #tpu.memory_space<hbm>>) target_semaphore(%run_scoped3A : memref<!tpu.dma_semaphore, #tpu.memory_space<semaphore_mem>>)
        %dma_wait3A_855 = arith.constant 9360 : i32
        %dma_wait3A_856 = arith.constant 0 : i32
        %dma_wait3A_857 = tpu.memref_slice %arg5[%arg0, %dma_wait3A_855, %dma_wait3A_856] : memref<2x10000x128xf32, #tpu.memory_space<hbm>> -> memref<1x640x128xf32, #tpu.memory_space<hbm>>
        %dma_wait3A_858 = tpu.memref_squeeze %dma_wait3A_857 : memref<1x640x128xf32, #tpu.memory_space<hbm>> -> memref<640x128xf32, #tpu.memory_space<hbm>>
        %dma_wait3A_859 = arith.constant 9360 : i32
        %dma_wait3A_860 = arith.constant 0 : i32
        %dma_wait3A_861 = tpu.memref_slice %arg6[%dma_wait3A_859, %dma_wait3A_860] : memref<10000x128xf32, #tpu.memory_space<vmem_shared>> -> memref<640x128xf32, #tpu.memory_space<vmem_shared>>
        tpu.wait_dma2 semaphore(%run_scoped3A : memref<!tpu.dma_semaphore, #tpu.memory_space<semaphore_mem>>) src(%dma_wait3A_861 : memref<640x128xf32, #tpu.memory_space<vmem_shared>>) dst(%dma_wait3A_858 : memref<640x128xf32, #tpu.memory_space<hbm>>)
        tpu.yield
      }) : () -> ()
    } else {
    }
    return
  }
}

</mosaic_0001>

<sc_bundles>
// kernel: _sc_aggregate.3.cloned.1.call-start
scs
__scs_entry_jumppad:
0x0: {  	(pc) =	sbr.rel $0x88, $3  }
0x1: {  	(tag) =	ssettag $0x0;
	lr =	simm.s32 $0x1  }
0x2: {  	[smem:$0x3F9E] =	sst lr;
	_ =	strace $0xD0000000  }
0x3: {  	_ = 	snop  }
0x4: {  	_ = 	snop  }
0x5: {  	_ = 	snop  }
0x6: {  	_ = 	snop  }
0x7: {  	_ = 	snop  }
__scs_overlays_trampoline_lowered:
0x8: {  	[smem:$0x3FAD] =	sst s0  }
0x9: {  	[smem:$0x3FAE] =	sst s1  }
0xa: {  	[smem:$0x3FAF] =	sst s2  }
0xb: {  	[smem:$0x3FB0] =	sst s3  }
0xc: {  	[smem:$0x3FB1] =	sst s4  }
0xd: {  	[smem:$0x3FB2] =	sst s5  }
0xe: {  	[smem:$0x3FB3] =	sst s6  }
0xf: {  	[smem:$0x3FB4] =	sst s7  }
0x10: {  	[smem:$0x3FB5] =	sst s8  }
0x11: {  	[smem:$0x3FB6] =	sst s9;
	s0 =	simm.s32 @!p0 $0x0  }
0x12: {  	s1 =	sld [smem:$0x3F9C];
	s0 =	simm.s32 @p0 $0x1  }
0x13: {  	[smem:$0x3FB7] =	sst s0;
	s0 =	simm.s32 @!p1 $0x0  }
0x14: {  	s2 =	sld [smem:$0x3F9B];
	s0 =	simm.s32 @p1 $0x1  }
0x15: {  	[smem:$0x3FB8] =	sst s0;
	s0 =	simm.s32 @!p2 $0x0  }
0x16: {  	s3 =	sld [smem:$0x3FDB];
	s0 =	simm.s32 @p2 $0x1  }
0x17: {  	s4 =	simm.s32 $0x1BF5;
	[smem:$0x3FBA] =	sst s0  }
0x18: {  	s0 =	sld [smem:$0x3F9D];
	_ =	swait.ge [sflag:s4], $0x0  }
0x19: {  	s7 =	sld [smem:$0x3F9E]  }
0x1a: {  	s8 =	sadd.s32 $0xFFFFE003, lr  }
0x1b: {  	s9 =	sadd.s32 $0xFFFFFEF7, lr;
	s5 =	simm.s32 $0xFFFFFFFF;
	p2 =	slt.u32 s8, $0xFFFFF086  }
0x1c: {  	p1 =	slt.u32 s9, $0xF7A;
	s5 =	simm.s32 @!p2 $0x0  }
0x1d: {  	s5 =	simm.s32 @p1 $0x1;
	p0 =	seq.s32 s7, s2  }
0x1e: {  	s7 =	smul.u32 @!p0 $0xF7A, s2;
	p2 =	seq.s32 @!p0 s5, $0x0  }
0x1f: {  	s9 =	smul.u32 $0xF7A, s1;
	s8 =	simm.s32 @!p0 $0x1BF5;
	p2 =	por !p2, p0  }
0x20: {  	[sflag:s8] =	ssyncset.s32 @!p0 $0xFFFFF086;
	s6 =	sadd.s32 @!p0 s3, s7;
	s7 =	simm.s32 @!p0 $0x108  }
0x21: {  	s3 =	sadd.s32 s3, s9;
	s6 =	sadd.s32 @!p0 $0x88, s6;
	s7 =	simm.s32 @p2 $0x1082  }
0x22: {  	[simem:s7], [sflag:s8] =	dma.local @!p0 [hbm:s6], $0xF7A  }
0x23: {  	s9 =	sor.u32 $0xD0000000, s2;
	s6 =	simm.s32 $0x108;
	_ =	swait.ge @!p0 [sflag:s8], $0x0  }
0x24: {  	s3 =	sadd.s32 $0x88, s3;
	s6 =	simm.s32 @!p1 $0x1082;
	[sflag:s4] =	ssyncset.s32 $0xFFFFF086  }
0x25: {  	[simem:s6], [sflag:s4] =	dma.local [hbm:s3], $0xF7A  }
0x26: {  	[smem:$0x3F9E] =	sst s1;
	(tag) =	ssettag s2;
	_ =	strace s9  }
0x27: {  	s1 =	sld [smem:$0x3FAE]  }
0x28: {  	s2 =	sld [smem:$0x3FAF]  }
0x29: {  	s4 =	sld [smem:$0x3FB1]  }
0x2a: {  	p0 =	seq.s32 s5, $0x0;
	s5 =	sld [smem:$0x3FB2]  }
0x2b: {  	s6 =	sld [smem:$0x3FB3]  }
0x2c: {  	s7 =	sld [smem:$0x3FB4]  }
0x2d: {  	s3 =	simm.s32 $0x108;
	s8 =	sld [smem:$0x3FB5]  }
0x2e: {  	s3 =	simm.s32 @!p0 $0x1082;
	s9 =	sld [smem:$0x3FB6]  }
0x2f: {  	lr =	sadd.s32 s0, s3;
	s0 =	sld [smem:$0x3FAD]  }
0x30: {  	s3 =	sld [smem:$0x3FB0]  }
0x31: {  	[smem:$0x3FB9] =	sst s10  }
0x32: {  	s10 =	sld [smem:$0x3FB7];
	_ =	sdelay $0x3  }
0x33: {  	p0 =	seq.s32 s10, $0x1;
	s10 =	sld [smem:$0x3FB9];
	_ =	sdelay $0x3  }
0x34: {  	[smem:$0x3FB9] =	sst s10  }
0x35: {  	s10 =	sld [smem:$0x3FB8];
	_ =	sdelay $0x3  }
0x36: {  	p1 =	seq.s32 s10, $0x1;
	s10 =	sld [smem:$0x3FB9];
	_ =	sdelay $0x3  }
0x37: {  	[smem:$0x3FB9] =	sst s10  }
0x38: {  	s10 =	sld [smem:$0x3FBA]  }
0x39: {  	_ = 	snop;
	(pc) =	sbr.ind lr, $3  }
0x3a: {  	_ = 	snop  }
0x3b: {  	_ = 	snop  }
0x3c: {  	p2 =	seq.s32 s10, $0x1;
	s10 =	sld [smem:$0x3FB9]  }
0x3d: {  	_ =	shalt  }
0x3e: {  	_ =	shalt  }
0x3f: {  	_ =	shalt  }
0x40: {  	_ =	shalt  }
0x41: {  	_ =	shalt  }
0x42: {  	_ =	shalt  }
0x43: {  	_ =	shalt  }
0x44: {  	_ =	shalt  }
0x45: {  	_ =	shalt  }
0x46: {  	_ =	shalt  }
0x47: {  	_ =	shalt  }
0x48: {  	_ =	shalt  }
0x49: {  	_ =	shalt  }
0x4a: {  	_ =	shalt  }
0x4b: {  	_ =	shalt  }
0x4c: {  	_ =	shalt  }
0x4d: {  	_ =	shalt  }
0x4e: {  	_ =	shalt  }
0x4f: {  	_ =	shalt  }
0x50: {  	_ =	shalt  }
0x51: {  	_ =	shalt  }
0x52: {  	_ =	shalt  }
0x53: {  	_ =	shalt  }
0x54: {  	_ =	shalt  }
0x55: {  	_ =	shalt  }
0x56: {  	_ =	shalt  }
0x57: {  	_ =	shalt  }
0x58: {  	_ =	shalt  }
0x59: {  	_ =	shalt  }
0x5a: {  	_ =	shalt  }
0x5b: {  	_ =	shalt  }
0x5c: {  	_ =	shalt  }
0x5d: {  	_ =	shalt  }
0x5e: {  	_ =	shalt  }
0x5f: {  	_ =	shalt  }
0x60: {  	_ =	shalt  }
0x61: {  	_ =	shalt  }
0x62: {  	_ =	shalt  }
0x63: {  	_ =	shalt  }
0x64: {  	_ =	shalt  }
0x65: {  	_ =	shalt  }
0x66: {  	_ =	shalt  }
0x67: {  	_ =	shalt  }
0x68: {  	_ =	shalt  }
0x69: {  	_ =	shalt  }
0x6a: {  	_ =	shalt  }
0x6b: {  	_ =	shalt  }
0x6c: {  	_ =	shalt  }
0x6d: {  	_ =	shalt  }
0x6e: {  	_ =	shalt  }
0x6f: {  	_ =	shalt  }
0x70: {  	_ =	shalt  }
0x71: {  	_ =	shalt  }
0x72: {  	_ =	shalt  }
0x73: {  	_ =	shalt  }
0x74: {  	_ =	shalt  }
0x75: {  	_ =	shalt  }
0x76: {  	_ =	shalt  }
0x77: {  	_ =	shalt  }
0x78: {  	_ =	shalt  }
0x79: {  	_ =	shalt  }
0x7a: {  	_ =	shalt  }
0x7b: {  	_ =	shalt  }
0x7c: {  	_ =	shalt  }
0x7d: {  	_ =	shalt  }
0x7e: {  	_ =	shalt  }
0x7f: {  	_ =	shalt  }
0x80: {  	_ =	shalt  }
0x81: {  	_ =	shalt  }
0x82: {  	_ =	shalt  }
0x83: {  	_ =	shalt  }
0x84: {  	_ =	shalt  }
0x85: {  	_ =	shalt  }
0x86: {  	_ =	shalt  }
0x87: {  	_ =	shalt  }
.Lfunc_end0:
.L_simem_size_0:
called_computation_lowered:
.L_overlay_start_0:
0x88: {  	s2 =	sld [smem:$0x3FD9]  }
0x89: {  	s3 =	sld [smem:$0x3FFE];
	_ =	sdelay $0x1  }
0x8a: {  	s1 =	srdreg.scid  }
0x8b: {  	s0 =	sand.u32 $0x1, s1  }
0x8c: {  	s18 =	sshll.u32 s0, $0xA;
	s2 =	sadd.s32 s3, s2  }
0x8d: {  	s2 =	sadd.s32 s2, s18  }
0x8e: {  	[smem:$0x3FC5] =	sst s2  }
0x8f: {  	_ = 	snop  }
0x90: {  	s2 =	sld [smem:$0x3FC9]  }
0x91: {  	s19 =	sld [smem:$0x3FC8]  }
0x92: {  	s4 =	sld [smem:$0x3FC7]  }
0x93: {  	s5 =	sld [smem:$0x3FD0];
	(tm) =	ssettm $0x1  }
0x94: {  	s6 =	sld [smem:$0x3FFB];
	_ =	sdelay $0x3  }
0x95: {  	_ =	strace s6  }
0x96: {  	s6 =	sld [smem:$0x3FFC];
	_ =	sdelay $0x3  }
0x97: {  	_ =	strace s6  }
0x98: {  	s6 =	sld [smem:$0x3FFD];
	_ =	sdelay $0x3  }
0x99: {  	_ =	strace s6  }
0x9a: {  	_ =	strace $0x8FFFFFFF  }
0x9b: {  	s20 =	sld [smem:$0x3FDB];
	_ =	sdelay $0x1  }
0x9c: {  	s7 =	simm.s32 $_scs_section_size  }
0x9d: {  	s8 =	simm.s32 $_size__tile_overlayer_lowered;
	s9 =	simm.s32 $_tile_overlayer_lowered  }
0x9e: {  	s23 =	simm.s32 $0x1BFF;
	s22 =	sshll.u32 s9, $0x1;
	s6 =	sadd.s32 s7, s20  }
0x9f: {  	s10 =	simm.s32 $0x0;
	s21 =	sshll.u32 s8, $0x1;
	s8 =	sadd.s32 s22, s6  }
0xa0: {  	[timem:s10], [sflag:s23] =	dma.local [hbm:s8], s21  }
0xa1: {  	_ =	swait.ge [sflag:s23], s21  }
0xa2: {  	s7 =	ssub.s32 $0x0, s21;
	[sflag:s23] =	ssyncset.done $0x0  }
0xa3: {  	[sflag:s23] =	ssyncadd.s32 s7;
	_ =	sdelay $0x1  }
0xa4: {  	s24 =	simm.s32 $0x1B8B  }
0xa5: {  	_ =	swait.ge [sflag:s24], $0x1  }
0xa6: {  	[sflag:s24] =	ssyncset.done $0x0  }
0xa7: {  	s25 =	simm.s32 $0x1B8E;
	[sflag:s24] =	ssyncadd.s32 $0xFFFFFFFF  }
0xa8: {  	s26 =	simm.s32 $execute0_lowered;
	[smem:$0x3FD2] =	sst s25  }
0xa9: {  	s7 =	sshll.u32 s26, $0x1;
	_ =	strace $0x80000046;
	[dreg:$0x1] =	wrdreg $0xFFFFFFFF  }
0xaa: {  	s28 =	simm.s32 $_size_execute0_lowered;
	s6 =	sadd.s32 s6, s7;
	[dreg:$0x0] =	wrdreg $0x0  }
0xab: {  	s7 =	sshll.u32 s28, $0x1;
	[dreg:$0x2] =	wrdreg s6  }
0xac: {  	[dreg:$0x3] =	wrdreg s7  }
0xad: {  	[dreg:$0x4] =	wrdreg $0xC0  }
0xae: {  	_ =	task [dreg:s10], $0x5FFFF  }
0xaf: {  	[dreg:$0x1] =	wrdreg $0xFFFFFFFF  }
0xb0: {  	[dreg:$0x0] =	wrdreg $0x60  }
0xb1: {  	[dreg:$0x2] =	wrdreg s2  }
0xb2: {  	[dreg:$0x3] =	wrdreg s19  }
0xb3: {  	[dreg:$0x4] =	wrdreg s4  }
0xb4: {  	[dreg:$0x5] =	wrdreg s5  }
0xb5: {  	[dreg:$0x6] =	wrdreg $0x0  }
0xb6: {  	[dreg:$0x7] =	wrdreg $0x9  }
0xb7: {  	_ =	task.clear_ibuf [dreg:s10], $0x8FFFF;
	_ =	strace $0x90000046  }
0xb8: {  	s29 =	simm.s32 $0x9;
	_ =	strace $0x80000048  }
0xb9: {  	_ =	swait.ge [sflag:s29], $0x1  }
0xba: {  	[sflag:s29] =	ssyncadd.s32 $0xFFFFFFFF  }
0xbb: {  	_ =	strace $0x90000048  }
0xbc: {  	_ =	sfence  }
0xbd: {  	s30 =	sld [smem:$0x0];
	_ =	sdelay $0x2  }
0xbe: {  	s31 =	sshll.u32 s1, $0xD;
	s1 =	sshrl.u32 s1, $0x2  }
0xbf: {  	s3 =	sand.u32 $0x4000, s31;
	s1 =	sadd.s32 s1, s30  }
0xc0: {  	s0 =	sor.u32 s3, s0;
	s1 =	sshll.u32 s1, $0x11  }
0xc1: {  	s0 =	sor.u32 s1, s0  }
0xc2: {  	s0 =	sadd.s32 $0x8F2B, s0  }
0xc3: {  	[sflag:s0] =	ssyncadd.remote.s32 $0x1  }
0xc4: {  	_ =	sfence.sel $0xFFFF  }
0xc5: {  	[dreg:$0x0] =	wrdreg $0xFFFFFFFF;
	(pc) =	sbr.abs _section_cstart, $3  }
0xc6: {  	[dreg:$0x1] =	wrdreg $0xFFFFFFFF  }
0xc7: {  	_ =	task.clear_ibuf [dreg:s10], $0x2FFFF;
	_ =	strace $0x9FFFFFFF  }
0xc8: {  	(tm) =	ssettm $0x7FFFFFFF  }
0xc9: {  	_ =	shalt  }
tec
execute0_lowered:
.L_overlay_start_1:
0x0: {  	(tag) =	ssettag $0x1  }
0x1: {  	s1 =	srdreg.scid  }
0x2: {  	s0 =	rddreg [dreg:$0x0];
	s1 =	sand.u32 $0x1, s1  }
0x3: {  	s2 =	rddreg [dreg:$0x1];
	s11 =	stileid.u32;
	s4 =	sshll.u32 s1, $0x4  }
0x4: {  	s3 =	rddreg [dreg:$0x2];
	s8 =	ssub.s32 $0x2, s1;
	s4 =	sor.u32 s11, s4  }
0x5: {  	s7 =	rddreg [dreg:$0x3];
	s9 =	sshrl.u32 s8, $0x1;
	s4 =	smul.u32 $0x2710, s4  }
0x6: {  	s5 =	rddreg [dreg:$0x4];
	s6 =	simm.s32 $0x0;
	s8 =	ssub.s32 s8, s9  }
0x7: {  	[smem:$0x7FF] =	sst s6;
	s8 =	smax.u32 s8, $0x1;
	s4 =	sshrl.u32 s4, $0x3  }
0x8: {  	_ =	strace $0x80000047;
	[dreg:$0x13] =	wrdreg s8;
	s17 =	sadd.s32 s3, s4  }
0x9: {  	s18 =	sadd.s32 s2, s4;
	s19 =	sadd.s32 $0xA, s4;
	[dreg:$0x6] =	wrdreg s17  }
0xa: {  	s10 =	smul.u32 $0x4E000, s11;
	[dreg:$0x7] =	wrdreg s18;
	s12 =	sadd.s32 s3, s19  }
0xb: {  	s4 =	sadd.s32 $0x14, s4;
	s9 =	sadd.s32 s2, s19;
	[dreg:$0x8] =	wrdreg s12  }
0xc: {  	s20 =	sadd.s32 s3, s4;
	[dreg:$0x9] =	wrdreg s9  }
0xd: {  	s21 =	sshrl.u32 s10, $0x2;
	s4 =	sadd.s32 s2, s4;
	[dreg:$0xa] =	wrdreg s20  }
0xe: {  	[dreg:$0xb] =	wrdreg s4;
	s12 =	sadd.s32 s21, s5  }
0xf: {  	s9 =	sadd.s32 $0x800, s12;
	[dreg:$0xc] =	wrdreg s12  }
0x10: {  	s24 =	sadd.s32 $0x1000, s12;
	[dreg:$0xd] =	wrdreg s9  }
0x11: {  	s25 =	sadd.s32 $0x1800, s12;
	[dreg:$0xe] =	wrdreg s24  }
0x12: {  	s13 =	sadd.s32 $0x2000, s12;
	[dreg:$0xf] =	wrdreg s25  }
0x13: {  	s23 =	smul.u32 $0x13800, s11;
	s14 =	sadd.s32 $0x2800, s12;
	[dreg:$0x10] =	wrdreg s13  }
0x14: {  	s26 =	smul.u32 $0x2710, s11;
	s15 =	sadd.s32 $0x3000, s12;
	[dreg:$0x15] =	wrdreg s14  }
0x15: {  	p0 =	seq.s32 s11, $0xF;
	s16 =	sadd.s32 $0x3800, s12;
	[dreg:$0x16] =	wrdreg s15  }
0x16: {  	s22 =	smul.u32 $0x138800, s1;
	s17 =	sadd.s32 $0x4000, s12;
	[dreg:$0x17] =	wrdreg s16  }
0x17: {  	s1 =	smul.u32 $0x27100, s1;
	s18 =	sadd.s32 $0x5000, s12;
	[dreg:$0x18] =	wrdreg s17  }
0x18: {  	s10 =	sshrl.u32 s22, $0x3;
	s19 =	sadd.s32 $0x5800, s12;
	[dreg:$0x19] =	wrdreg s18  }
0x19: {  	s1 =	sadd.s32 s26, s1;
	s20 =	sadd.s32 $0x6000, s12;
	[dreg:$0x1a] =	wrdreg s19  }
0x1a: {  	s4 =	sadd.s32 s23, s22;
	s26 =	sadd.s32 $0x7000, s12;
	[dreg:$0x1b] =	wrdreg s20  }
0x1b: {  	s4 =	sshrl.u32 s4, $0x3;
	s8 =	sadd.s32 $0x9000, s12;
	[dreg:$0x1d] =	wrdreg s26  }
0x1c: {  	s11 =	sadd.s32 $0xA800, s12;
	s4 =	sadd.s32 s7, s4;
	[smem:$0x7BF] =	sst s8  }
0x1d: {  	s7 =	sadd.s32 s7, s10;
	s10 =	sadd.s32 $0x190, s1;
	[smem:$0x7C2] =	sst s11  }
0x1e: {  	s13 =	sadd.s32 $0x140, s1;
	s1 =	sadd.s32 $0xF0, s1;
	[dreg:$0x11] =	wrdreg s4  }
0x1f: {  	s25 =	sadd.s32 $0x6800, s12;
	[dreg:$0x14] =	wrdreg s1  }
0x20: {  	s9 =	sadd.s32 $0x9800, s12;
	[dreg:$0x1c] =	wrdreg s25  }
0x21: {  	s14 =	sadd.s32 $0xB800, s12;
	[smem:$0x7C0] =	sst s9  }
0x22: {  	s15 =	sadd.s32 $0xC000, s12;
	[smem:$0x7C4] =	sst s14  }
0x23: {  	s16 =	sadd.s32 $0xD000, s12;
	[smem:$0x7C5] =	sst s15  }
0x24: {  	s17 =	sadd.s32 $0xD800, s12;
	[smem:$0x7C6] =	sst s16  }
0x25: {  	s18 =	sadd.s32 $0xE000, s12;
	[smem:$0x7C7] =	sst s17  }
0x26: {  	s19 =	sadd.s32 $0xE800, s12;
	[smem:$0x7C8] =	sst s18  }
0x27: {  	s20 =	sadd.s32 $0xF000, s12;
	[smem:$0x7C9] =	sst s19  }
0x28: {  	s26 =	sadd.s32 $0x10800, s12;
	[smem:$0x7CA] =	sst s20  }
0x29: {  	s8 =	sadd.s32 $0x12000, s12;
	[smem:$0x7CC] =	sst s26  }
0x2a: {  	s11 =	sadd.s32 $0x13000, s12;
	[smem:$0x7CF] =	sst s8  }
0x2b: {  	s4 =	sadd.s32 $0x24900, s7;
	[smem:$0x7D2] =	sst s11  }
0x2c: {  	s7 =	sshrl.u32 s13, $0x3;
	s13 =	sadd.s32 $0xB000, s12;
	[dreg:$0x12] =	wrdreg s4  }
0x2d: {  	s25 =	sadd.s32 $0x10000, s12;
	[smem:$0x7C3] =	sst s13  }
0x2e: {  	s9 =	sadd.s32 $0x12800, s12;
	[smem:$0x7CB] =	sst s25  }
0x2f: {  	s14 =	sadd.s32 $0x125800, s5;
	[smem:$0x7D0] =	sst s9  }
0x30: {  	s15 =	sadd.s32 $0x126000, s5;
	[smem:$0x7D4] =	sst s14  }
0x31: {  	s16 =	sadd.s32 $0x126800, s5;
	[smem:$0x7D5] =	sst s15  }
0x32: {  	s17 =	sadd.s32 $0x127000, s5;
	[smem:$0x7D6] =	sst s16  }
0x33: {  	s18 =	sadd.s32 $0x8800, s12;
	[smem:$0x7D7] =	sst s17  }
0x34: {  	s19 =	sadd.s32 $0x127800, s5;
	[smem:$0x7D8] =	sst s18  }
0x35: {  	s20 =	sadd.s32 $0x128800, s5;
	[smem:$0x7D9] =	sst s19  }
0x36: {  	s26 =	sadd.s32 $0x129000, s5;
	[smem:$0x7DA] =	sst s20  }
0x37: {  	s8 =	sadd.s32 $0x12A800, s5;
	[smem:$0x7DC] =	sst s26  }
0x38: {  	s11 =	sadd.s32 $0x12B800, s5;
	s23 =	sadd.s32 s7, s2;
	[smem:$0x7DF] =	sst s8  }
0x39: {  	s24 =	sadd.s32 s7, s3;
	s7 =	sadd.s32 $0x8000, s12;
	[smem:$0x7E2] =	sst s11  }
0x3a: {  	s4 =	sshrl.u32 s10, $0x3;
	s10 =	sadd.s32 $0xA000, s12;
	[dreg:$0x1f] =	wrdreg s7  }
0x3b: {  	s13 =	sadd.s32 $0x125000, s5;
	[smem:$0x7C1] =	sst s10  }
0x3c: {  	s25 =	sadd.s32 $0x128000, s5;
	[smem:$0x7D3] =	sst s13  }
0x3d: {  	s9 =	sadd.s32 $0x12B000, s5;
	[smem:$0x7DB] =	sst s25  }
0x3e: {  	s14 =	sadd.s32 $0x12C000, s5;
	[smem:$0x7E0] =	sst s9  }
0x3f: {  	s15 =	sadd.s32 $0x12D000, s5;
	[smem:$0x7E4] =	sst s14  }
0x40: {  	s16 =	sadd.s32 $0x12D800, s5;
	[smem:$0x7E5] =	sst s15  }
0x41: {  	s17 =	sadd.s32 $0x12E000, s5;
	[smem:$0x7E6] =	sst s16  }
0x42: {  	s18 =	sadd.s32 $0x12E800, s5;
	[smem:$0x7E7] =	sst s17  }
0x43: {  	s19 =	sadd.s32 $0x12F000, s5;
	[smem:$0x7E8] =	sst s18  }
0x44: {  	s20 =	sadd.s32 $0xF800, s12;
	[smem:$0x7E9] =	sst s19  }
0x45: {  	s26 =	sadd.s32 $0x130800, s5;
	[smem:$0x7EA] =	sst s20  }
0x46: {  	s8 =	sadd.s32 $0x131800, s5;
	[smem:$0x7EC] =	sst s26  }
0x47: {  	s11 =	sadd.s32 $0x133000, s5;
	s21 =	sadd.s32 s4, s2;
	[smem:$0x7EF] =	sst s8  }
0x48: {  	s22 =	sadd.s32 s4, s3;
	s4 =	sadd.s32 $0x7800, s12;
	[smem:$0x7F2] =	sst s11  }
0x49: {  	s7 =	sadd.s32 $0x11800, s12;
	[dreg:$0x1e] =	wrdreg s4  }
0x4a: {  	s10 =	sadd.s32 $0x124800, s5;
	[smem:$0x7CE] =	sst s7  }
0x4b: {  	s13 =	sadd.s32 $0x12C800, s5;
	[smem:$0x7D1] =	sst s10  }
0x4c: {  	s25 =	sadd.s32 $0x12F800, s5;
	[smem:$0x7E3] =	sst s13  }
0x4d: {  	s9 =	sadd.s32 $0x132000, s5;
	[smem:$0x7EB] =	sst s25  }
0x4e: {  	s31 =	simm.s32 $0x13880;
	s14 =	sadd.s32 $0x134800, s5;
	[smem:$0x7F0] =	sst s9  }
0x4f: {  	s28 =	simm.s32 $0x50;
	s15 =	sadd.s32 $0x134000, s5;
	[smem:$0x7F5] =	sst s14  }
0x50: {  	s29 =	simm.s32 $0x13B80;
	s16 =	sadd.s32 $0x135000, s5;
	[smem:$0x7F6] =	sst s15  }
0x51: {  	s30 =	simm.s32 $0x1B380;
	s17 =	sadd.s32 $0x135800, s5;
	[smem:$0x7F7] =	sst s16  }
0x52: {  	s1 =	simm.s32 $0x13900;
	s18 =	sadd.s32 $0x136000, s5;
	[smem:$0x7F8] =	sst s17  }
0x53: {  	s19 =	sadd.s32 $0x136800, s5;
	s20 =	sadd.s32 $0x137000, s5;
	[smem:$0x7F9] =	sst s18  }
0x54: {  	s26 =	sadd.s32 $0x138000, s5;
	s8 =	simm.s32 $0x2;
	[smem:$0x7FA] =	sst s19  }
0x55: {  	s11 =	simm.s32 $0x7;
	s4 =	sadd.s32 $0x11000, s12;
	[smem:$0x7FB] =	sst s20  }
0x56: {  	s7 =	sadd.s32 $0x12A000, s5;
	s10 =	sadd.s32 $0xC800, s12;
	[smem:$0x7FD] =	sst s26  }
0x57: {  	s12 =	sadd.s32 $0x4800, s12;
	s13 =	sadd.s32 $0x133800, s5;
	[smem:$0x7CD] =	sst s4  }
0x58: {  	s25 =	sadd.s32 $0x137800, s5;
	s14 =	simm.s32 $0x13A80;
	[smem:$0x7DE] =	sst s7  }
0x59: {  	s15 =	simm.s32 $0x13980;
	s16 =	simm.s32 $0x13B00;
	[smem:$0x7E1] =	sst s10  }
0x5a: {  	s26 =	simm.s32 $0x1;
	s9 =	simm.s32 $0x16380;
	[smem:$0x7F3] =	sst s12  }
0x5b: {  	s18 =	simm.s32 $0x18B80;
	s19 =	simm.s32 $0x6;
	[smem:$0x7F4] =	sst s13  }
.Ltmp0:
0x5c: {  	s4 =	sadd.s32 $0x129800, s5;
	[smem:$0x7FC] =	sst s25;
	(pc) =	sbr.rel .LBB2_1-.Ltmp0, $4  }
0x5d: {  	s20 =	simm.s32 $0x0;
	s7 =	sadd.s32 $0x131000, s5;
	[smem:$0x7DD] =	sst s4  }
0x5e: {  	s10 =	sadd.s32 $0x132800, s5;
	s12 =	simm.s32 $0x3;
	[smem:$0x7EE] =	sst s7  }
0x5f: {  	s4 =	sadd.s32 $0x130000, s5;
	[smem:$0x7F1] =	sst s10;
	s7 =	simm.s32 $0x5  }
0x60: {  	v0 =	vimm.f32 $0.0e+00;
	s10 =	simm.s32 $0x4;
	[smem:$0x7ED] =	sst s4;
	s4 =	simm.s32 $0x13A00  }
.LBB2_7:
0x61: {  	_ =	swait.ge [sflag:s8], $0x50  }
0x62: {  	[sflag:s8] =	ssyncset.done $0x0  }
0x63: {  	[sflag:s8] =	ssyncadd.s32 $0xFFFFFFB0  }
0x64: {  	_ =	swait.ge [sflag:s8], $0x50  }
0x65: {  	[sflag:s8] =	ssyncset.done $0x0  }
0x66: {  	[sflag:s8] =	ssyncadd.s32 $0xFFFFFFB0  }
0x67: {  	[tilespmem:s9], [sflag:$0x5] =	stream.indirect.gather [hbm4b:s0+s28], $0x80, s1, s28, $0xb8;
	[tilespmem:$0x1BB80] =	vst v63  }
0x68: {  	_ =	swait.ge [sflag:s10], $0x2800  }
0x69: {  	[sflag:s10] =	ssyncset.done $0x0  }
0x6a: {  	[sflag:s10] =	ssyncadd.s32 $0xFFFFD800  }
0x6b: {  	[spmem:s5] =	stream.indirect.scatter.add.f32 [tilespmem:s29], [sflag:$0x7], $0x80, s4, s28, $0xb8;
	[tilespmem:$0x1BB80] =	vst v63  }
0x6c: {  	_ =	swait.ge [sflag:s11], $0x2800  }
0x6d: {  	[sflag:s11] =	ssyncset.done $0x0  }
0x6e: {  	[sflag:s11] =	ssyncadd.s32 $0xFFFFD800  }
0x6f: {  	_ =	swait.ge [sflag:s7], $0x2800  }
0x70: {  	[sflag:s7] =	ssyncset.done $0x0  }
0x71: {  	[sflag:s7] =	ssyncadd.s32 $0xFFFFD800  }
0x72: {  	[spmem:s5] =	stream.indirect.scatter.add.f32 [tilespmem:s9], [sflag:$0x7], $0x80, s14, s28, $0xb8;
	[tilespmem:$0x1BB80] =	vst v63  }
0x73: {  	_ =	swait.ge [sflag:s11], $0x2800  }
0x74: {  	[sflag:s11] =	ssyncset.done $0x0  }
0x75: {  	[sflag:s11] =	ssyncadd.s32 $0xFFFFD800  }
0x76: {  	[bflag:$0x0] =	sbarrier.arrive $0xFFFF  }
0x77: {  	s13 =	sld [smem:$0x7D1];
	_ =	sdelay $0x2  }
0x78: {  	s17 =	simm.s32 @p0 $0x1FC7;
	s20 =	rddreg [dreg:$0x12];
	s13 =	sshrl.u32 @p0 s13, $0x3  }
0x79: {  	[hbm:s20], [sflag:s17] =	dma.local @p0 [spmem:s13], $0x2800  }
0x7a: {  	s13 =	simm.s32 @p0 $0x7  }
0x7b: {  	s17 =	stileid.u32;
	_ =	swait.ge @p0 [sflag:s13], $0x2800  }
0x7c: {  	s17 =	sshll.u32 @!p0 s17, $0x6;
	[sflag:s13] =	ssyncset.done @p0 $0x0  }
0x7d: {  	[sflag:s13] =	ssyncadd.s32 @p0 $0xFFFFD800;
	s13 =	sor.u32 @!p0 $0x1C07, s17;
	s17 =	rddreg [dreg:$0xc]  }
0x7e: {  	s20 =	rddreg [dreg:$0x11];
	s17 =	sshrl.u32 @!p0 s17, $0x3  }
0x7f: {  	[hbm:s20], [sflag:s13] =	dma.local @!p0 [spmem:s17], $0x2700  }
0x80: {  	s13 =	simm.s32 @!p0 $0x7  }
0x81: {  	_ =	swait.ge @!p0 [sflag:s13], $0x2700  }
0x82: {  	s17 =	sld [smem:$0x7BE];
	_ =	sdelay $0x2  }
0x83: {  	s25 =	rddreg [dreg:$0x13];
	s20 =	sadd.s32 $0x1, s17  }
0x84: {  	p1 =	sne.s32 s20, s25  }
.Ltmp1:
0x85: {  	_ = 	snop;
	(pc) =	sbr.rel @!p1 .LBB2_8-.Ltmp1, $3  }
0x86: {  	_ =	sdelay $0x1  }
0x87: {  	[sflag:s13] =	ssyncset.done @!p0 $0x0  }
0x88: {  	[sflag:s13] =	ssyncadd.s32 @!p0 $0xFFFFD900  }
.LBB2_1:
0x89: {  	s13 =	rddreg [dreg:$0x6]  }
0x8a: {  	[tilespmem:s31], [sflag:$0x1] =	stream.linear.gather [hbm4b:s13+s6], $0x50, $0x38;
	[tilespmem:$0x1BB80] =	vst v63  }
0x8b: {  	s25 =	rddreg [dreg:$0x7]  }
0x8c: {  	[tilespmem:s4], [sflag:$0x1] =	stream.linear.gather [hbm4b:s25+s6], $0x50, $0x38;
	[tilespmem:$0x1BB80] =	vst v63  }
0x8d: {  	s17 =	rddreg [dreg:$0x8]  }
0x8e: {  	[tilespmem:s1], [sflag:$0x2] =	stream.linear.gather [hbm4b:s17+s6], $0x50, $0x38;
	[tilespmem:$0x1BB80] =	vst v63  }
0x8f: {  	s25 =	rddreg [dreg:$0x9]  }
0x90: {  	[tilespmem:s14], [sflag:$0x2] =	stream.linear.gather [hbm4b:s25+s6], $0x50, $0x38;
	[tilespmem:$0x1BB80] =	vst v63  }
0x91: {  	s17 =	rddreg [dreg:$0xa]  }
0x92: {  	[tilespmem:s15], [sflag:$0x3] =	stream.linear.gather [hbm4b:s17+s6], $0x50, $0x38;
	[tilespmem:$0x1BB80] =	vst v63  }
0x93: {  	s25 =	rddreg [dreg:$0xb]  }
0x94: {  	[tilespmem:s16], [sflag:$0x3] =	stream.linear.gather [hbm4b:s25+s6], $0x50, $0x38;
	[tilespmem:$0x1BB80] =	vst v63  }
0x95: {  	_ =	swait.ge [sflag:s26], $0x50  }
0x96: {  	[sflag:s26] =	ssyncset.done $0x0  }
0x97: {  	[sflag:s26] =	ssyncadd.s32 $0xFFFFFFB0  }
0x98: {  	_ =	swait.ge [sflag:s26], $0x50  }
0x99: {  	[sflag:s26] =	ssyncset.done $0x0  }
0x9a: {  	[sflag:s26] =	ssyncadd.s32 $0xFFFFFFB0  }
0x9b: {  	[tilespmem:s29], [sflag:$0x4] =	stream.indirect.gather [hbm4b:s0+s28], $0x80, s31, s28, $0xb8;
	[tilespmem:$0x1BB80] =	vst v63  }
0x9c: {  	[tilespmem:$0x1B380] =	vst v0  }
0x9d: {  	[tilespmem:$0x1B390] =	vst v0  }
0x9e: {  	[tilespmem:$0x1B3A0] =	vst v0  }
0x9f: {  	[tilespmem:$0x1B3B0] =	vst v0  }
0xa0: {  	[tilespmem:$0x1B3C0] =	vst v0  }
0xa1: {  	[tilespmem:$0x1B3D0] =	vst v0  }
0xa2: {  	[tilespmem:$0x1B3E0] =	vst v0  }
0xa3: {  	[tilespmem:$0x1B3F0] =	vst v0  }
0xa4: {  	[tilespmem:$0x1B400] =	vst v0  }
0xa5: {  	[tilespmem:$0x1B410] =	vst v0  }
0xa6: {  	[tilespmem:$0x1B420] =	vst v0  }
0xa7: {  	[tilespmem:$0x1B430] =	vst v0  }
0xa8: {  	[tilespmem:$0x1B440] =	vst v0  }
0xa9: {  	[tilespmem:$0x1B450] =	vst v0  }
0xaa: {  	[tilespmem:$0x1B460] =	vst v0  }
0xab: {  	[tilespmem:$0x1B470] =	vst v0  }
0xac: {  	[tilespmem:$0x1B480] =	vst v0  }
0xad: {  	[tilespmem:$0x1B490] =	vst v0  }
0xae: {  	[tilespmem:$0x1B4A0] =	vst v0  }
0xaf: {  	[tilespmem:$0x1B4B0] =	vst v0  }
0xb0: {  	[tilespmem:$0x1B4C0] =	vst v0  }
0xb1: {  	[tilespmem:$0x1B4D0] =	vst v0  }
0xb2: {  	[tilespmem:$0x1B4E0] =	vst v0  }
0xb3: {  	[tilespmem:$0x1B4F0] =	vst v0  }
0xb4: {  	[tilespmem:$0x1B500] =	vst v0  }
0xb5: {  	[tilespmem:$0x1B510] =	vst v0  }
0xb6: {  	[tilespmem:$0x1B520] =	vst v0  }
0xb7: {  	[tilespmem:$0x1B530] =	vst v0  }
0xb8: {  	[tilespmem:$0x1B540] =	vst v0  }
0xb9: {  	[tilespmem:$0x1B550] =	vst v0  }
0xba: {  	[tilespmem:$0x1B560] =	vst v0  }
0xbb: {  	[tilespmem:$0x1B570] =	vst v0  }
0xbc: {  	[tilespmem:$0x1B580] =	vst v0  }
0xbd: {  	[tilespmem:$0x1B590] =	vst v0  }
0xbe: {  	[tilespmem:$0x1B5A0] =	vst v0  }
0xbf: {  	[tilespmem:$0x1B5B0] =	vst v0  }
0xc0: {  	[tilespmem:$0x1B5C0] =	vst v0  }
0xc1: {  	[tilespmem:$0x1B5D0] =	vst v0  }
0xc2: {  	[tilespmem:$0x1B5E0] =	vst v0  }
0xc3: {  	[tilespmem:$0x1B5F0] =	vst v0  }
0xc4: {  	[tilespmem:$0x1B600] =	vst v0  }
0xc5: {  	[tilespmem:$0x1B610] =	vst v0  }
0xc6: {  	[tilespmem:$0x1B620] =	vst v0  }
0xc7: {  	[tilespmem:$0x1B630] =	vst v0  }
0xc8: {  	[tilespmem:$0x1B640] =	vst v0  }
0xc9: {  	[tilespmem:$0x1B650] =	vst v0  }
0xca: {  	[tilespmem:$0x1B660] =	vst v0  }
0xcb: {  	[tilespmem:$0x1B670] =	vst v0  }
0xcc: {  	[tilespmem:$0x1B680] =	vst v0  }
0xcd: {  	[tilespmem:$0x1B690] =	vst v0  }
0xce: {  	[tilespmem:$0x1B6A0] =	vst v0  }
0xcf: {  	[tilespmem:$0x1B6B0] =	vst v0  }
0xd0: {  	[tilespmem:$0x1B6C0] =	vst v0  }
0xd1: {  	[tilespmem:$0x1B6D0] =	vst v0  }
0xd2: {  	[tilespmem:$0x1B6E0] =	vst v0  }
0xd3: {  	[tilespmem:$0x1B6F0] =	vst v0  }
0xd4: {  	[tilespmem:$0x1B700] =	vst v0  }
0xd5: {  	[tilespmem:$0x1B710] =	vst v0  }
0xd6: {  	[tilespmem:$0x1B720] =	vst v0  }
0xd7: {  	[tilespmem:$0x1B730] =	vst v0  }
0xd8: {  	[tilespmem:$0x1B740] =	vst v0  }
0xd9: {  	[tilespmem:$0x1B750] =	vst v0  }
0xda: {  	[tilespmem:$0x1B760] =	vst v0  }
0xdb: {  	[tilespmem:$0x1B770] =	vst v0  }
0xdc: {  	[tilespmem:$0x1B780] =	vst v0  }
0xdd: {  	[tilespmem:$0x1B790] =	vst v0  }
0xde: {  	[tilespmem:$0x1B7A0] =	vst v0  }
0xdf: {  	[tilespmem:$0x1B7B0] =	vst v0  }
0xe0: {  	[tilespmem:$0x1B7C0] =	vst v0  }
0xe1: {  	[tilespmem:$0x1B7D0] =	vst v0  }
0xe2: {  	[tilespmem:$0x1B7E0] =	vst v0  }
0xe3: {  	[tilespmem:$0x1B7F0] =	vst v0  }
0xe4: {  	[tilespmem:$0x1B800] =	vst v0  }
0xe5: {  	[tilespmem:$0x1B810] =	vst v0  }
0xe6: {  	[tilespmem:$0x1B820] =	vst v0  }
0xe7: {  	[tilespmem:$0x1B830] =	vst v0  }
0xe8: {  	[tilespmem:$0x1B840] =	vst v0  }
0xe9: {  	[tilespmem:$0x1B850] =	vst v0  }
0xea: {  	[tilespmem:$0x1B860] =	vst v0  }
0xeb: {  	[tilespmem:$0x1B870] =	vst v0  }
0xec: {  	[tilespmem:$0x1B880] =	vst v0  }
0xed: {  	[tilespmem:$0x1B890] =	vst v0  }
0xee: {  	[tilespmem:$0x1B8A0] =	vst v0  }
0xef: {  	[tilespmem:$0x1B8B0] =	vst v0  }
0xf0: {  	[tilespmem:$0x1B8C0] =	vst v0  }
0xf1: {  	[tilespmem:$0x1B8D0] =	vst v0  }
0xf2: {  	[tilespmem:$0x1B8E0] =	vst v0  }
0xf3: {  	[tilespmem:$0x1B8F0] =	vst v0  }
0xf4: {  	[tilespmem:$0x1B900] =	vst v0  }
0xf5: {  	[tilespmem:$0x1B910] =	vst v0  }
0xf6: {  	[tilespmem:$0x1B920] =	vst v0  }
0xf7: {  	[tilespmem:$0x1B930] =	vst v0  }
0xf8: {  	[tilespmem:$0x1B940] =	vst v0  }
0xf9: {  	[tilespmem:$0x1B950] =	vst v0  }
0xfa: {  	[tilespmem:$0x1B960] =	vst v0  }
0xfb: {  	[tilespmem:$0x1B970] =	vst v0  }
0xfc: {  	[tilespmem:$0x1B980] =	vst v0  }
0xfd: {  	[tilespmem:$0x1B990] =	vst v0  }
0xfe: {  	[tilespmem:$0x1B9A0] =	vst v0  }
0xff: {  	[tilespmem:$0x1B9B0] =	vst v0  }
0x100: {  	[tilespmem:$0x1B9C0] =	vst v0  }
0x101: {  	[tilespmem:$0x1B9D0] =	vst v0  }
0x102: {  	[tilespmem:$0x1B9E0] =	vst v0  }
0x103: {  	[tilespmem:$0x1B9F0] =	vst v0  }
0x104: {  	[tilespmem:$0x1BA00] =	vst v0  }
0x105: {  	[tilespmem:$0x1BA10] =	vst v0  }
0x106: {  	[tilespmem:$0x1BA20] =	vst v0  }
0x107: {  	[tilespmem:$0x1BA30] =	vst v0  }
0x108: {  	[tilespmem:$0x1BA40] =	vst v0  }
0x109: {  	[tilespmem:$0x1BA50] =	vst v0  }
0x10a: {  	[tilespmem:$0x1BA60] =	vst v0  }
0x10b: {  	[tilespmem:$0x1BA70] =	vst v0  }
0x10c: {  	[tilespmem:$0x1BA80] =	vst v0  }
0x10d: {  	[tilespmem:$0x1BA90] =	vst v0  }
0x10e: {  	[tilespmem:$0x1BAA0] =	vst v0  }
0x10f: {  	[tilespmem:$0x1BAB0] =	vst v0  }
0x110: {  	[tilespmem:$0x1BAC0] =	vst v0  }
0x111: {  	[tilespmem:$0x1BAD0] =	vst v0  }
0x112: {  	[tilespmem:$0x1BAE0] =	vst v0  }
0x113: {  	[tilespmem:$0x1BAF0] =	vst v0  }
0x114: {  	[tilespmem:$0x1BB00] =	vst v0  }
0x115: {  	[tilespmem:$0x1BB10] =	vst v0  }
0x116: {  	[tilespmem:$0x1BB20] =	vst v0  }
.Ltmp2:
0x117: {  	[tilespmem:$0x1BB30] =	vst v0;
	(pc) =	sbr.rel @!p0 .LBB2_2-.Ltmp2, $4  }
0x118: {  	[tilespmem:$0x1BB40] =	vst v0  }
0x119: {  	[tilespmem:$0x1BB50] =	vst v0  }
0x11a: {  	[tilespmem:$0x1BB60] =	vst v0  }
0x11b: {  	[smem:$0x7BE] =	sst s20;
	[tilespmem:$0x1BB70] =	vst v0  }
0x11c: {  	s13 =	sld [smem:$0x7D1];
	_ =	sdelay $0x1  }
0x11d: {  	s17 =	sld [smem:$0x7D3]  }
0x11e: {  	[spmem:s13] =	stream.linear.scatter [tilespmem:s30], [sflag:$0x5], $0x800, $0x38;
	[tilespmem:$0x1BB80] =	vst v63  }
0x11f: {  	s20 =	sld [smem:$0x7D4]  }
0x120: {  	[spmem:s17] =	stream.linear.scatter [tilespmem:s30], [sflag:$0x5], $0x800, $0x38;
	[tilespmem:$0x1BB80] =	vst v63  }
0x121: {  	s25 =	sld [smem:$0x7D5]  }
0x122: {  	[spmem:s20] =	stream.linear.scatter [tilespmem:s30], [sflag:$0x5], $0x800, $0x38;
	[tilespmem:$0x1BB80] =	vst v63  }
0x123: {  	s17 =	sld [smem:$0x7D6]  }
0x124: {  	[spmem:s25] =	stream.linear.scatter [tilespmem:s30], [sflag:$0x5], $0x800, $0x38;
	[tilespmem:$0x1BB80] =	vst v63  }
0x125: {  	s20 =	sld [smem:$0x7D7]  }
0x126: {  	[spmem:s17] =	stream.linear.scatter [tilespmem:s30], [sflag:$0x5], $0x800, $0x38;
	[tilespmem:$0x1BB80] =	vst v63  }
0x127: {  	s25 =	sld [smem:$0x7D9]  }
0x128: {  	[spmem:s20] =	stream.linear.scatter [tilespmem:s30], [sflag:$0x5], $0x800, $0x38;
	[tilespmem:$0x1BB80] =	vst v63  }
0x129: {  	s17 =	sld [smem:$0x7DB]  }
0x12a: {  	[spmem:s25] =	stream.linear.scatter [tilespmem:s30], [sflag:$0x5], $0x800, $0x38;
	[tilespmem:$0x1BB80] =	vst v63  }
0x12b: {  	s20 =	sld [smem:$0x7DA]  }
0x12c: {  	[spmem:s17] =	stream.linear.scatter [tilespmem:s30], [sflag:$0x5], $0x800, $0x38;
	[tilespmem:$0x1BB80] =	vst v63  }
0x12d: {  	s25 =	sld [smem:$0x7DC]  }
0x12e: {  	[spmem:s20] =	stream.linear.scatter [tilespmem:s30], [sflag:$0x5], $0x800, $0x38;
	[tilespmem:$0x1BB80] =	vst v63  }
0x12f: {  	s17 =	sld [smem:$0x7DD]  }
0x130: {  	[spmem:s25] =	stream.linear.scatter [tilespmem:s30], [sflag:$0x5], $0x800, $0x38;
	[tilespmem:$0x1BB80] =	vst v63  }
0x131: {  	s20 =	sld [smem:$0x7DE]  }
0x132: {  	[spmem:s17] =	stream.linear.scatter [tilespmem:s30], [sflag:$0x5], $0x800, $0x38;
	[tilespmem:$0x1BB80] =	vst v63  }
0x133: {  	s25 =	sld [smem:$0x7DF]  }
0x134: {  	[spmem:s20] =	stream.linear.scatter [tilespmem:s30], [sflag:$0x5], $0x800, $0x38;
	[tilespmem:$0x1BB80] =	vst v63  }
0x135: {  	s17 =	sld [smem:$0x7E0]  }
0x136: {  	[spmem:s25] =	stream.linear.scatter [tilespmem:s30], [sflag:$0x5], $0x800, $0x38;
	[tilespmem:$0x1BB80] =	vst v63  }
0x137: {  	s20 =	sld [smem:$0x7E2]  }
0x138: {  	[spmem:s17] =	stream.linear.scatter [tilespmem:s30], [sflag:$0x5], $0x800, $0x38;
	[tilespmem:$0x1BB80] =	vst v63  }
0x139: {  	s25 =	sld [smem:$0x7E4]  }
0x13a: {  	[spmem:s20] =	stream.linear.scatter [tilespmem:s30], [sflag:$0x5], $0x800, $0x38;
	[tilespmem:$0x1BB80] =	vst v63  }
0x13b: {  	s17 =	sld [smem:$0x7E3]  }
0x13c: {  	[spmem:s25] =	stream.linear.scatter [tilespmem:s30], [sflag:$0x5], $0x800, $0x38;
	[tilespmem:$0x1BB80] =	vst v63  }
0x13d: {  	s20 =	sld [smem:$0x7E5]  }
0x13e: {  	[spmem:s17] =	stream.linear.scatter [tilespmem:s30], [sflag:$0x5], $0x800, $0x38;
	[tilespmem:$0x1BB80] =	vst v63  }
0x13f: {  	s25 =	sld [smem:$0x7E6]  }
0x140: {  	[spmem:s20] =	stream.linear.scatter [tilespmem:s30], [sflag:$0x5], $0x800, $0x38;
	[tilespmem:$0x1BB80] =	vst v63  }
0x141: {  	s17 =	sld [smem:$0x7E7]  }
0x142: {  	[spmem:s25] =	stream.linear.scatter [tilespmem:s30], [sflag:$0x5], $0x800, $0x38;
	[tilespmem:$0x1BB80] =	vst v63  }
0x143: {  	s20 =	sld [smem:$0x7E8]  }
0x144: {  	[spmem:s17] =	stream.linear.scatter [tilespmem:s30], [sflag:$0x5], $0x800, $0x38;
	[tilespmem:$0x1BB80] =	vst v63  }
0x145: {  	s25 =	sld [smem:$0x7E9]  }
0x146: {  	[spmem:s20] =	stream.linear.scatter [tilespmem:s30], [sflag:$0x5], $0x800, $0x38;
	[tilespmem:$0x1BB80] =	vst v63  }
0x147: {  	s17 =	sld [smem:$0x7EB]  }
0x148: {  	[spmem:s25] =	stream.linear.scatter [tilespmem:s30], [sflag:$0x5], $0x800, $0x38;
	[tilespmem:$0x1BB80] =	vst v63  }
0x149: {  	s20 =	sld [smem:$0x7ED]  }
0x14a: {  	[spmem:s17] =	stream.linear.scatter [tilespmem:s30], [sflag:$0x5], $0x800, $0x38;
	[tilespmem:$0x1BB80] =	vst v63  }
0x14b: {  	s25 =	sld [smem:$0x7EC]  }
0x14c: {  	[spmem:s20] =	stream.linear.scatter [tilespmem:s30], [sflag:$0x5], $0x800, $0x38;
	[tilespmem:$0x1BB80] =	vst v63  }
0x14d: {  	s17 =	sld [smem:$0x7EE]  }
0x14e: {  	[spmem:s25] =	stream.linear.scatter [tilespmem:s30], [sflag:$0x5], $0x800, $0x38;
	[tilespmem:$0x1BB80] =	vst v63  }
0x14f: {  	s20 =	sld [smem:$0x7EF]  }
0x150: {  	[spmem:s17] =	stream.linear.scatter [tilespmem:s30], [sflag:$0x5], $0x800, $0x38;
	[tilespmem:$0x1BB80] =	vst v63  }
0x151: {  	s25 =	sld [smem:$0x7F0]  }
0x152: {  	[spmem:s20] =	stream.linear.scatter [tilespmem:s30], [sflag:$0x5], $0x800, $0x38;
	[tilespmem:$0x1BB80] =	vst v63  }
0x153: {  	s17 =	sld [smem:$0x7F1]  }
0x154: {  	[spmem:s25] =	stream.linear.scatter [tilespmem:s30], [sflag:$0x5], $0x800, $0x38;
	[tilespmem:$0x1BB80] =	vst v63  }
0x155: {  	s20 =	sld [smem:$0x7F2]  }
0x156: {  	[spmem:s17] =	stream.linear.scatter [tilespmem:s30], [sflag:$0x5], $0x800, $0x38;
	[tilespmem:$0x1BB80] =	vst v63  }
0x157: {  	s25 =	sld [smem:$0x7F4]  }
0x158: {  	[spmem:s20] =	stream.linear.scatter [tilespmem:s30], [sflag:$0x5], $0x800, $0x38;
	[tilespmem:$0x1BB80] =	vst v63  }
0x159: {  	s17 =	sld [smem:$0x7F6]  }
0x15a: {  	[spmem:s25] =	stream.linear.scatter [tilespmem:s30], [sflag:$0x5], $0x800, $0x38;
	[tilespmem:$0x1BB80] =	vst v63  }
0x15b: {  	s20 =	sld [smem:$0x7F5]  }
0x15c: {  	[spmem:s17] =	stream.linear.scatter [tilespmem:s30], [sflag:$0x5], $0x800, $0x38;
	[tilespmem:$0x1BB80] =	vst v63  }
0x15d: {  	s25 =	sld [smem:$0x7F7]  }
0x15e: {  	[spmem:s20] =	stream.linear.scatter [tilespmem:s30], [sflag:$0x5], $0x800, $0x38;
	[tilespmem:$0x1BB80] =	vst v63  }
0x15f: {  	s17 =	sld [smem:$0x7F8]  }
0x160: {  	[spmem:s25] =	stream.linear.scatter [tilespmem:s30], [sflag:$0x5], $0x800, $0x38;
	[tilespmem:$0x1BB80] =	vst v63  }
0x161: {  	s20 =	sld [smem:$0x7F9]  }
0x162: {  	[spmem:s17] =	stream.linear.scatter [tilespmem:s30], [sflag:$0x5], $0x800, $0x38;
	[tilespmem:$0x1BB80] =	vst v63  }
0x163: {  	s25 =	sld [smem:$0x7FA]  }
0x164: {  	[spmem:s20] =	stream.linear.scatter [tilespmem:s30], [sflag:$0x5], $0x800, $0x38;
	[tilespmem:$0x1BB80] =	vst v63  }
0x165: {  	s17 =	sld [smem:$0x7FB]  }
0x166: {  	[spmem:s25] =	stream.linear.scatter [tilespmem:s30], [sflag:$0x5], $0x800, $0x38;
	[tilespmem:$0x1BB80] =	vst v63  }
0x167: {  	s20 =	sld [smem:$0x7FC]  }
0x168: {  	[spmem:s17] =	stream.linear.scatter [tilespmem:s30], [sflag:$0x5], $0x800, $0x38;
	[tilespmem:$0x1BB80] =	vst v63  }
0x169: {  	s25 =	sld [smem:$0x7FD]  }
0x16a: {  	[spmem:s20] =	stream.linear.scatter [tilespmem:s30], [sflag:$0x5], $0x800, $0x38;
	[tilespmem:$0x1BB80] =	vst v63  }
.Ltmp3:
0x16b: {  	_ = 	snop;
	(pc) =	sbr.rel .LBB2_4-.Ltmp3, $4  }
0x16c: {  	[spmem:s25] =	stream.linear.scatter [tilespmem:s30], [sflag:$0x5], $0x800, $0x38;
	[tilespmem:$0x1BB80] =	vst v63  }
0x16d: {  	_ =	swait.ge [sflag:s7], $0x800  }
0x16e: {  	[sflag:s7] =	ssyncset.done $0x0  }
0x16f: {  	[sflag:s7] =	ssyncadd.s32 $0xFFFFF800  }
.LBB2_2:
0x170: {  	s13 =	rddreg [dreg:$0xc]  }
0x171: {  	s20 =	rddreg [dreg:$0xd]  }
0x172: {  	[spmem:s13] =	stream.linear.scatter [tilespmem:s30], [sflag:$0x5], $0x800, $0x38;
	[tilespmem:$0x1BB80] =	vst v63  }
0x173: {  	s25 =	rddreg [dreg:$0xe]  }
0x174: {  	[spmem:s20] =	stream.linear.scatter [tilespmem:s30], [sflag:$0x5], $0x800, $0x38;
	[tilespmem:$0x1BB80] =	vst v63  }
0x175: {  	s17 =	rddreg [dreg:$0xf]  }
0x176: {  	[spmem:s25] =	stream.linear.scatter [tilespmem:s30], [sflag:$0x5], $0x800, $0x38;
	[tilespmem:$0x1BB80] =	vst v63  }
0x177: {  	s20 =	rddreg [dreg:$0x10]  }
0x178: {  	[spmem:s17] =	stream.linear.scatter [tilespmem:s30], [sflag:$0x5], $0x800, $0x38;
	[tilespmem:$0x1BB80] =	vst v63  }
0x179: {  	s25 =	rddreg [dreg:$0x15]  }
0x17a: {  	[spmem:s20] =	stream.linear.scatter [tilespmem:s30], [sflag:$0x5], $0x800, $0x38;
	[tilespmem:$0x1BB80] =	vst v63  }
0x17b: {  	s17 =	rddreg [dreg:$0x16]  }
0x17c: {  	[spmem:s25] =	stream.linear.scatter [tilespmem:s30], [sflag:$0x5], $0x800, $0x38;
	[tilespmem:$0x1BB80] =	vst v63  }
0x17d: {  	s20 =	rddreg [dreg:$0x17]  }
0x17e: {  	[spmem:s17] =	stream.linear.scatter [tilespmem:s30], [sflag:$0x5], $0x800, $0x38;
	[tilespmem:$0x1BB80] =	vst v63  }
0x17f: {  	s25 =	rddreg [dreg:$0x18]  }
0x180: {  	[spmem:s20] =	stream.linear.scatter [tilespmem:s30], [sflag:$0x5], $0x800, $0x38;
	[tilespmem:$0x1BB80] =	vst v63  }
0x181: {  	s17 =	sld [smem:$0x7F3]  }
0x182: {  	[spmem:s25] =	stream.linear.scatter [tilespmem:s30], [sflag:$0x5], $0x800, $0x38;
	[tilespmem:$0x1BB80] =	vst v63  }
0x183: {  	s20 =	rddreg [dreg:$0x19]  }
0x184: {  	[spmem:s17] =	stream.linear.scatter [tilespmem:s30], [sflag:$0x5], $0x800, $0x38;
	[tilespmem:$0x1BB80] =	vst v63  }
0x185: {  	s25 =	rddreg [dreg:$0x1a]  }
0x186: {  	[spmem:s20] =	stream.linear.scatter [tilespmem:s30], [sflag:$0x5], $0x800, $0x38;
	[tilespmem:$0x1BB80] =	vst v63  }
0x187: {  	s17 =	rddreg [dreg:$0x1b]  }
0x188: {  	[spmem:s25] =	stream.linear.scatter [tilespmem:s30], [sflag:$0x5], $0x800, $0x38;
	[tilespmem:$0x1BB80] =	vst v63  }
0x189: {  	s20 =	rddreg [dreg:$0x1c]  }
0x18a: {  	[spmem:s17] =	stream.linear.scatter [tilespmem:s30], [sflag:$0x5], $0x800, $0x38;
	[tilespmem:$0x1BB80] =	vst v63  }
0x18b: {  	s25 =	rddreg [dreg:$0x1d]  }
0x18c: {  	[spmem:s20] =	stream.linear.scatter [tilespmem:s30], [sflag:$0x5], $0x800, $0x38;
	[tilespmem:$0x1BB80] =	vst v63  }
0x18d: {  	s17 =	rddreg [dreg:$0x1e]  }
0x18e: {  	[spmem:s25] =	stream.linear.scatter [tilespmem:s30], [sflag:$0x5], $0x800, $0x38;
	[tilespmem:$0x1BB80] =	vst v63  }
0x18f: {  	s20 =	rddreg [dreg:$0x1f]  }
0x190: {  	[spmem:s17] =	stream.linear.scatter [tilespmem:s30], [sflag:$0x5], $0x800, $0x38;
	[tilespmem:$0x1BB80] =	vst v63  }
0x191: {  	s25 =	sld [smem:$0x7D8]  }
0x192: {  	[spmem:s20] =	stream.linear.scatter [tilespmem:s30], [sflag:$0x5], $0x800, $0x38;
	[tilespmem:$0x1BB80] =	vst v63  }
0x193: {  	s17 =	sld [smem:$0x7BF]  }
0x194: {  	[spmem:s25] =	stream.linear.scatter [tilespmem:s30], [sflag:$0x5], $0x800, $0x38;
	[tilespmem:$0x1BB80] =	vst v63  }
0x195: {  	s20 =	sld [smem:$0x7C0]  }
0x196: {  	[spmem:s17] =	stream.linear.scatter [tilespmem:s30], [sflag:$0x5], $0x800, $0x38;
	[tilespmem:$0x1BB80] =	vst v63  }
0x197: {  	s25 =	sld [smem:$0x7C1]  }
0x198: {  	[spmem:s20] =	stream.linear.scatter [tilespmem:s30], [sflag:$0x5], $0x800, $0x38;
	[tilespmem:$0x1BB80] =	vst v63  }
0x199: {  	s17 =	sld [smem:$0x7C2]  }
0x19a: {  	[spmem:s25] =	stream.linear.scatter [tilespmem:s30], [sflag:$0x5], $0x800, $0x38;
	[tilespmem:$0x1BB80] =	vst v63  }
0x19b: {  	s20 =	sld [smem:$0x7C3]  }
0x19c: {  	[spmem:s17] =	stream.linear.scatter [tilespmem:s30], [sflag:$0x5], $0x800, $0x38;
	[tilespmem:$0x1BB80] =	vst v63  }
0x19d: {  	s25 =	sld [smem:$0x7C4]  }
0x19e: {  	[spmem:s20] =	stream.linear.scatter [tilespmem:s30], [sflag:$0x5], $0x800, $0x38;
	[tilespmem:$0x1BB80] =	vst v63  }
0x19f: {  	s17 =	sld [smem:$0x7C5]  }
0x1a0: {  	[spmem:s25] =	stream.linear.scatter [tilespmem:s30], [sflag:$0x5], $0x800, $0x38;
	[tilespmem:$0x1BB80] =	vst v63  }
0x1a1: {  	s20 =	sld [smem:$0x7E1]  }
0x1a2: {  	[spmem:s17] =	stream.linear.scatter [tilespmem:s30], [sflag:$0x5], $0x800, $0x38;
	[tilespmem:$0x1BB80] =	vst v63  }
0x1a3: {  	s25 =	sld [smem:$0x7C6]  }
0x1a4: {  	[spmem:s20] =	stream.linear.scatter [tilespmem:s30], [sflag:$0x5], $0x800, $0x38;
	[tilespmem:$0x1BB80] =	vst v63  }
0x1a5: {  	s17 =	sld [smem:$0x7C7]  }
0x1a6: {  	[spmem:s25] =	stream.linear.scatter [tilespmem:s30], [sflag:$0x5], $0x800, $0x38;
	[tilespmem:$0x1BB80] =	vst v63  }
0x1a7: {  	s20 =	sld [smem:$0x7C8]  }
0x1a8: {  	[spmem:s17] =	stream.linear.scatter [tilespmem:s30], [sflag:$0x5], $0x800, $0x38;
	[tilespmem:$0x1BB80] =	vst v63  }
0x1a9: {  	s25 =	sld [smem:$0x7C9]  }
0x1aa: {  	[spmem:s20] =	stream.linear.scatter [tilespmem:s30], [sflag:$0x5], $0x800, $0x38;
	[tilespmem:$0x1BB80] =	vst v63  }
0x1ab: {  	s17 =	sld [smem:$0x7CA]  }
0x1ac: {  	[spmem:s25] =	stream.linear.scatter [tilespmem:s30], [sflag:$0x5], $0x800, $0x38;
	[tilespmem:$0x1BB80] =	vst v63  }
0x1ad: {  	s20 =	sld [smem:$0x7EA]  }
0x1ae: {  	[spmem:s17] =	stream.linear.scatter [tilespmem:s30], [sflag:$0x5], $0x800, $0x38;
	[tilespmem:$0x1BB80] =	vst v63  }
0x1af: {  	s25 =	sld [smem:$0x7CB]  }
0x1b0: {  	[spmem:s20] =	stream.linear.scatter [tilespmem:s30], [sflag:$0x5], $0x800, $0x38;
	[tilespmem:$0x1BB80] =	vst v63  }
0x1b1: {  	s17 =	sld [smem:$0x7CC]  }
0x1b2: {  	[spmem:s25] =	stream.linear.scatter [tilespmem:s30], [sflag:$0x5], $0x800, $0x38;
	[tilespmem:$0x1BB80] =	vst v63  }
0x1b3: {  	s20 =	sld [smem:$0x7CD]  }
0x1b4: {  	[spmem:s17] =	stream.linear.scatter [tilespmem:s30], [sflag:$0x5], $0x800, $0x38;
	[tilespmem:$0x1BB80] =	vst v63  }
0x1b5: {  	s25 =	sld [smem:$0x7CE]  }
0x1b6: {  	[spmem:s20] =	stream.linear.scatter [tilespmem:s30], [sflag:$0x5], $0x800, $0x38;
	[tilespmem:$0x1BB80] =	vst v63  }
0x1b7: {  	s17 =	sld [smem:$0x7CF]  }
0x1b8: {  	[spmem:s25] =	stream.linear.scatter [tilespmem:s30], [sflag:$0x5], $0x800, $0x38;
	[tilespmem:$0x1BB80] =	vst v63  }
0x1b9: {  	s20 =	sld [smem:$0x7D0]  }
0x1ba: {  	[spmem:s17] =	stream.linear.scatter [tilespmem:s30], [sflag:$0x5], $0x800, $0x38;
	[tilespmem:$0x1BB80] =	vst v63  }
0x1bb: {  	s25 =	sld [smem:$0x7D2]  }
0x1bc: {  	[spmem:s20] =	stream.linear.scatter [tilespmem:s30], [sflag:$0x5], $0x800, $0x38;
	[tilespmem:$0x1BB80] =	vst v63  }
0x1bd: {  	_ = 	snop  }
0x1be: {  	[spmem:s25] =	stream.linear.scatter [tilespmem:s30], [sflag:$0x5], $0x800, $0x38;
	[tilespmem:$0x1BB80] =	vst v63  }
.LBB2_4:
0x1bf: {  	_ =	swait.ge [sflag:s7], $0x800  }
0x1c0: {  	[sflag:s7] =	ssyncset.done $0x0  }
0x1c1: {  	[sflag:s7] =	ssyncadd.s32 $0xFFFFF800  }
0x1c2: {  	_ =	swait.ge [sflag:s7], $0x800  }
0x1c3: {  	[sflag:s7] =	ssyncset.done $0x0  }
0x1c4: {  	[sflag:s7] =	ssyncadd.s32 $0xFFFFF800  }
0x1c5: {  	_ =	swait.ge [sflag:s7], $0x800  }
0x1c6: {  	[sflag:s7] =	ssyncset.done $0x0  }
0x1c7: {  	[sflag:s7] =	ssyncadd.s32 $0xFFFFF800  }
0x1c8: {  	_ =	swait.ge [sflag:s7], $0x800  }
0x1c9: {  	[sflag:s7] =	ssyncset.done $0x0  }
0x1ca: {  	[sflag:s7] =	ssyncadd.s32 $0xFFFFF800  }
0x1cb: {  	_ =	swait.ge [sflag:s7], $0x800  }
0x1cc: {  	[sflag:s7] =	ssyncset.done $0x0  }
0x1cd: {  	[sflag:s7] =	ssyncadd.s32 $0xFFFFF800  }
0x1ce: {  	_ =	swait.ge [sflag:s7], $0x800  }
0x1cf: {  	[sflag:s7] =	ssyncset.done $0x0  }
0x1d0: {  	[sflag:s7] =	ssyncadd.s32 $0xFFFFF800  }
0x1d1: {  	_ =	swait.ge [sflag:s7], $0x800  }
0x1d2: {  	[sflag:s7] =	ssyncset.done $0x0  }
0x1d3: {  	[sflag:s7] =	ssyncadd.s32 $0xFFFFF800  }
0x1d4: {  	_ =	swait.ge [sflag:s7], $0x800  }
0x1d5: {  	[sflag:s7] =	ssyncset.done $0x0  }
0x1d6: {  	[sflag:s7] =	ssyncadd.s32 $0xFFFFF800  }
0x1d7: {  	_ =	swait.ge [sflag:s7], $0x800  }
0x1d8: {  	[sflag:s7] =	ssyncset.done $0x0  }
0x1d9: {  	[sflag:s7] =	ssyncadd.s32 $0xFFFFF800  }
0x1da: {  	_ =	swait.ge [sflag:s7], $0x800  }
0x1db: {  	[sflag:s7] =	ssyncset.done $0x0  }
0x1dc: {  	[sflag:s7] =	ssyncadd.s32 $0xFFFFF800  }
0x1dd: {  	_ =	swait.ge [sflag:s7], $0x800  }
0x1de: {  	[sflag:s7] =	ssyncset.done $0x0  }
0x1df: {  	[sflag:s7] =	ssyncadd.s32 $0xFFFFF800  }
0x1e0: {  	_ =	swait.ge [sflag:s7], $0x800  }
0x1e1: {  	[sflag:s7] =	ssyncset.done $0x0  }
0x1e2: {  	[sflag:s7] =	ssyncadd.s32 $0xFFFFF800  }
0x1e3: {  	_ =	swait.ge [sflag:s7], $0x800  }
0x1e4: {  	[sflag:s7] =	ssyncset.done $0x0  }
0x1e5: {  	[sflag:s7] =	ssyncadd.s32 $0xFFFFF800  }
0x1e6: {  	_ =	swait.ge [sflag:s7], $0x800  }
0x1e7: {  	[sflag:s7] =	ssyncset.done $0x0  }
0x1e8: {  	[sflag:s7] =	ssyncadd.s32 $0xFFFFF800  }
0x1e9: {  	_ =	swait.ge [sflag:s7], $0x800  }
0x1ea: {  	[sflag:s7] =	ssyncset.done $0x0  }
0x1eb: {  	[sflag:s7] =	ssyncadd.s32 $0xFFFFF800  }
0x1ec: {  	_ =	swait.ge [sflag:s7], $0x800  }
0x1ed: {  	[sflag:s7] =	ssyncset.done $0x0  }
0x1ee: {  	[sflag:s7] =	ssyncadd.s32 $0xFFFFF800  }
0x1ef: {  	_ =	swait.ge [sflag:s7], $0x800  }
0x1f0: {  	[sflag:s7] =	ssyncset.done $0x0  }
0x1f1: {  	[sflag:s7] =	ssyncadd.s32 $0xFFFFF800  }
0x1f2: {  	_ =	swait.ge [sflag:s7], $0x800  }
0x1f3: {  	[sflag:s7] =	ssyncset.done $0x0  }
0x1f4: {  	[sflag:s7] =	ssyncadd.s32 $0xFFFFF800  }
0x1f5: {  	_ =	swait.ge [sflag:s7], $0x800  }
0x1f6: {  	[sflag:s7] =	ssyncset.done $0x0  }
0x1f7: {  	[sflag:s7] =	ssyncadd.s32 $0xFFFFF800  }
0x1f8: {  	_ =	swait.ge [sflag:s7], $0x800  }
0x1f9: {  	[sflag:s7] =	ssyncset.done $0x0  }
0x1fa: {  	[sflag:s7] =	ssyncadd.s32 $0xFFFFF800  }
0x1fb: {  	_ =	swait.ge [sflag:s7], $0x800  }
0x1fc: {  	[sflag:s7] =	ssyncset.done $0x0  }
0x1fd: {  	[sflag:s7] =	ssyncadd.s32 $0xFFFFF800  }
0x1fe: {  	_ =	swait.ge [sflag:s7], $0x800  }
0x1ff: {  	[sflag:s7] =	ssyncset.done $0x0  }
0x200: {  	[sflag:s7] =	ssyncadd.s32 $0xFFFFF800  }
0x201: {  	_ =	swait.ge [sflag:s7], $0x800  }
0x202: {  	[sflag:s7] =	ssyncset.done $0x0  }
0x203: {  	[sflag:s7] =	ssyncadd.s32 $0xFFFFF800  }
0x204: {  	_ =	swait.ge [sflag:s7], $0x800  }
0x205: {  	[sflag:s7] =	ssyncset.done $0x0  }
0x206: {  	[sflag:s7] =	ssyncadd.s32 $0xFFFFF800  }
0x207: {  	_ =	swait.ge [sflag:s7], $0x800  }
0x208: {  	[sflag:s7] =	ssyncset.done $0x0  }
0x209: {  	[sflag:s7] =	ssyncadd.s32 $0xFFFFF800  }
0x20a: {  	_ =	swait.ge [sflag:s7], $0x800  }
0x20b: {  	[sflag:s7] =	ssyncset.done $0x0  }
0x20c: {  	[sflag:s7] =	ssyncadd.s32 $0xFFFFF800  }
0x20d: {  	_ =	swait.ge [sflag:s7], $0x800  }
0x20e: {  	[sflag:s7] =	ssyncset.done $0x0  }
0x20f: {  	[sflag:s7] =	ssyncadd.s32 $0xFFFFF800  }
0x210: {  	_ =	swait.ge [sflag:s7], $0x800  }
0x211: {  	[sflag:s7] =	ssyncset.done $0x0  }
0x212: {  	[sflag:s7] =	ssyncadd.s32 $0xFFFFF800  }
0x213: {  	_ =	swait.ge [sflag:s7], $0x800  }
0x214: {  	[sflag:s7] =	ssyncset.done $0x0  }
0x215: {  	[sflag:s7] =	ssyncadd.s32 $0xFFFFF800  }
0x216: {  	_ =	swait.ge [sflag:s7], $0x800  }
0x217: {  	[sflag:s7] =	ssyncset.done $0x0  }
0x218: {  	[sflag:s7] =	ssyncadd.s32 $0xFFFFF800  }
0x219: {  	_ =	swait.ge [sflag:s7], $0x800  }
0x21a: {  	[sflag:s7] =	ssyncset.done $0x0  }
0x21b: {  	[sflag:s7] =	ssyncadd.s32 $0xFFFFF800  }
0x21c: {  	_ =	swait.ge [sflag:s7], $0x800  }
0x21d: {  	[sflag:s7] =	ssyncset.done $0x0  }
0x21e: {  	[sflag:s7] =	ssyncadd.s32 $0xFFFFF800  }
0x21f: {  	_ =	swait.ge [sflag:s7], $0x800  }
0x220: {  	[sflag:s7] =	ssyncset.done $0x0  }
0x221: {  	[sflag:s7] =	ssyncadd.s32 $0xFFFFF800  }
0x222: {  	_ =	swait.ge [sflag:s7], $0x800  }
0x223: {  	[sflag:s7] =	ssyncset.done $0x0  }
0x224: {  	[sflag:s7] =	ssyncadd.s32 $0xFFFFF800  }
0x225: {  	_ =	swait.ge [sflag:s7], $0x800  }
0x226: {  	[sflag:s7] =	ssyncset.done $0x0  }
0x227: {  	[sflag:s7] =	ssyncadd.s32 $0xFFFFF800  }
0x228: {  	_ =	swait.ge [sflag:s7], $0x800  }
0x229: {  	[sflag:s7] =	ssyncset.done $0x0  }
0x22a: {  	[sflag:s7] =	ssyncadd.s32 $0xFFFFF800  }
0x22b: {  	_ =	swait.ge [sflag:s7], $0x800  }
0x22c: {  	[sflag:s7] =	ssyncset.done $0x0  }
0x22d: {  	[sflag:s7] =	ssyncadd.s32 $0xFFFFF800  }
0x22e: {  	_ =	swait.ge [sflag:s7], $0x800  }
0x22f: {  	[sflag:s7] =	ssyncset.done $0x0  }
0x230: {  	[sflag:s7] =	ssyncadd.s32 $0xFFFFF800  }
0x231: {  	_ =	swait.ge [sflag:s7], $0x800  }
0x232: {  	[sflag:s7] =	ssyncset.done $0x0  }
0x233: {  	[sflag:s7] =	ssyncadd.s32 $0xFFFFF800  }
0x234: {  	[bflag:$0x0] =	sbarrier.arrive $0xFFFF  }
0x235: {  	s25 =	simm.s32 $0x0;
	s17 =	rddreg [dreg:$0x14]  }
.LBB2_5:
0x236: {  	_ =	swait.ge [sflag:s8], $0x50  }
0x237: {  	[sflag:s8] =	ssyncset.done $0x0  }
0x238: {  	[sflag:s8] =	ssyncadd.s32 $0xFFFFFFB0  }
0x239: {  	_ =	swait.ge [sflag:s8], $0x50  }
0x23a: {  	[sflag:s8] =	ssyncset.done $0x0  }
0x23b: {  	[sflag:s8] =	ssyncadd.s32 $0xFFFFFFB0  }
0x23c: {  	[tilespmem:s9], [sflag:$0x5] =	stream.indirect.gather [hbm4b:s0+s28], $0x80, s1, s28, $0xb8;
	[tilespmem:$0x1BB80] =	vst v63  }
0x23d: {  	_ =	swait.ge [sflag:s10], $0x2800  }
0x23e: {  	[sflag:s10] =	ssyncset.done $0x0  }
0x23f: {  	[sflag:s10] =	ssyncadd.s32 $0xFFFFD800  }
0x240: {  	[spmem:s5] =	stream.indirect.scatter.add.f32 [tilespmem:s29], [sflag:$0x7], $0x80, s4, s28, $0xb8;
	[tilespmem:$0x1BB80] =	vst v63  }
0x241: {  	_ =	swait.ge [sflag:s11], $0x2800  }
0x242: {  	s13 =	sshrl.u32 s17, $0x3;
	[sflag:s11] =	ssyncset.done $0x0  }
0x243: {  	s20 =	sadd.s32 s3, s13;
	[sflag:s11] =	ssyncadd.s32 $0xFFFFD800  }
0x244: {  	[tilespmem:s31], [sflag:$0x1] =	stream.linear.gather [hbm4b:s20+s6], $0x50, $0x38;
	[tilespmem:$0x1BB80] =	vst v63  }
0x245: {  	s13 =	sadd.s32 s2, s13  }
0x246: {  	[tilespmem:s4], [sflag:$0x1] =	stream.linear.gather [hbm4b:s13+s6], $0x50, $0x38;
	[tilespmem:$0x1BB80] =	vst v63  }
0x247: {  	_ =	swait.ge [sflag:s12], $0x50  }
0x248: {  	[sflag:s12] =	ssyncset.done $0x0  }
0x249: {  	[sflag:s12] =	ssyncadd.s32 $0xFFFFFFB0  }
0x24a: {  	_ =	swait.ge [sflag:s12], $0x50  }
0x24b: {  	[sflag:s12] =	ssyncset.done $0x0  }
0x24c: {  	[sflag:s12] =	ssyncadd.s32 $0xFFFFFFB0  }
0x24d: {  	[tilespmem:s18], [sflag:$0x6] =	stream.indirect.gather [hbm4b:s0+s28], $0x80, s15, s28, $0xb8;
	[tilespmem:$0x1BB80] =	vst v63  }
0x24e: {  	_ =	swait.ge [sflag:s7], $0x2800  }
0x24f: {  	[sflag:s7] =	ssyncset.done $0x0  }
0x250: {  	[sflag:s7] =	ssyncadd.s32 $0xFFFFD800  }
0x251: {  	[spmem:s5] =	stream.indirect.scatter.add.f32 [tilespmem:s9], [sflag:$0x7], $0x80, s14, s28, $0xb8;
	[tilespmem:$0x1BB80] =	vst v63  }
0x252: {  	_ =	swait.ge [sflag:s11], $0x2800  }
0x253: {  	[sflag:s11] =	ssyncset.done $0x0  }
0x254: {  	s20 =	sadd.s32 s25, s24;
	[sflag:s11] =	ssyncadd.s32 $0xFFFFD800  }
0x255: {  	[tilespmem:s1], [sflag:$0x2] =	stream.linear.gather [hbm4b:s20+s6], $0x50, $0x38;
	[tilespmem:$0x1BB80] =	vst v63  }
0x256: {  	s20 =	sadd.s32 s25, s23  }
0x257: {  	[tilespmem:s14], [sflag:$0x2] =	stream.linear.gather [hbm4b:s20+s6], $0x50, $0x38;
	[tilespmem:$0x1BB80] =	vst v63  }
0x258: {  	_ =	swait.ge [sflag:s26], $0x50  }
0x259: {  	[sflag:s26] =	ssyncset.done $0x0  }
0x25a: {  	[sflag:s26] =	ssyncadd.s32 $0xFFFFFFB0  }
0x25b: {  	_ =	swait.ge [sflag:s26], $0x50  }
0x25c: {  	[sflag:s26] =	ssyncset.done $0x0  }
0x25d: {  	[sflag:s26] =	ssyncadd.s32 $0xFFFFFFB0  }
0x25e: {  	[tilespmem:s29], [sflag:$0x4] =	stream.indirect.gather [hbm4b:s0+s28], $0x80, s31, s28, $0xb8;
	[tilespmem:$0x1BB80] =	vst v63  }
0x25f: {  	_ =	swait.ge [sflag:s19], $0x2800  }
0x260: {  	p1 =	seq.s32 s25, $0x4B0;
	[sflag:s19] =	ssyncset.done $0x0  }
.Ltmp4:
0x261: {  	[sflag:s19] =	ssyncadd.s32 $0xFFFFD800;
	(pc) =	sbr.rel @p1 .LBB2_7-.Ltmp4, $4  }
0x262: {  	[spmem:s5] =	stream.indirect.scatter.add.f32 [tilespmem:s18], [sflag:$0x7], $0x80, s16, s28, $0xb8;
	[tilespmem:$0x1BB80] =	vst v63  }
0x263: {  	_ =	swait.ge [sflag:s11], $0x2800  }
0x264: {  	[sflag:s11] =	ssyncset.done $0x0  }
0x265: {  	[sflag:s11] =	ssyncadd.s32 $0xFFFFD800  }
.Ltmp5:
0x266: {  	(pc) =	sbr.rel .LBB2_5-.Ltmp5, $4  }
0x267: {  	s13 =	sadd.s32 s25, s22  }
0x268: {  	[tilespmem:s15], [sflag:$0x3] =	stream.linear.gather [hbm4b:s13+s6], $0x50, $0x38;
	[tilespmem:$0x1BB80] =	vst v63  }
0x269: {  	s20 =	sadd.s32 s25, s21;
	s25 =	sadd.s32 $0x1E, s25;
	s17 =	sadd.s32 $0xF0, s17  }
0x26a: {  	[tilespmem:s16], [sflag:$0x3] =	stream.linear.gather [hbm4b:s20+s6], $0x50, $0x38;
	[tilespmem:$0x1BB80] =	vst v63  }
.LBB2_8:
0x26b: {  	_ =	sfence.sel $0x180000  }
0x26c: {  	[bflag:$0x0] =	sbarrier.arrive $0xFFFF  }
0x26d: {  	_ =	strace $0x90000047  }
0x26e: {  	s0 =	stileid.u32;
	[bflag:$0x2] =	sbarrier.arrive $0xFFFF  }
0x26f: {  	p0 =	sne.s32 s0, $0x0;
	s0 =	rddreg [dreg:$0x5]  }
0x270: {  	s0 =	sadd.s32 @!p0 $0x100000, s0  }
0x271: {  	[sflag:s0] =	ssyncadd.tile.s32 @!p0 $0x1;
	_ =	shalt  }
.Lfunc_end2:
_tile_overlayer_lowered:
.L_overlay_start_2:
0x272: {  	(tag) =	ssettag $0x2  }
0x273: {  	s0 =	rddreg [dreg:$0x0];
	s2 =	stileid.u32  }
0x274: {  	s1 =	rddreg [dreg:$0x1];
	p0 =	sne.s32 s2, $0x0  }
0x275: {  	s3 =	rddreg [dreg:$0x2];
	[bflag:$0x3] =	sbarrier.arrive $0xFFFF;
	s2 =	simm.s32 @!p0 $0x1C07  }
0x276: {  	[timem:s3], [sflag:s2] =	dma.local @!p0 [hbm:s0], s1  }
0x277: {  	s0 =	simm.s32 @!p0 $0x7  }
0x278: {  	_ =	swait.ge @!p0 [sflag:s0], s1  }
0x279: {  	s1 =	ssub.s32 @!p0 $0x0, s1;
	[sflag:s0] =	ssyncset.done @!p0 $0x0  }
0x27a: {  	[sflag:s0] =	ssyncadd.s32 @!p0 s1  }
0x27b: {  	[bflag:$0x3] =	sbarrier.arrive $0xFFFF  }
0x27c: {  	_ =	shalt  }

</sc_bundles>
